<compile_context>
chip_gen: v7x
topology: tpu7x:2x2x1
jax: 0.10.2.dev20260603
libtpu: 0.0.44.dev20260713+nightly
codegen_flags: <defaults>
</compile_context>

<pallas_src>
import functools

import jax
import jax.numpy as jnp
from jax import lax
from jax.experimental import pallas as pl
from jax.experimental.pallas import tpu as pltpu
from jax.experimental.pallas import tpu_sc as plsc

VOCAB_N = 1000
VPAD = 1024
ROWS_N = 51200
NC = 2
NS = 16
NW = NC * NS
PER_W = ROWS_N // NW
LCH = 80
NVG = VOCAB_N // 8
NU = ROWS_N // 128
IDX_PAD = 51456


def _lse_body(tpad_ref, out_ref):
    x = tpad_ref[...]
    m = jnp.max(x, axis=1)
    s = jnp.sum(jnp.exp(x - m[:, None]), axis=1)
    out_ref[...] = m + jnp.log(s)


def _mean_body(part_ref, out_ref):
    out_ref[...] = (jnp.sum(part_ref[...]) * (1.0 / ROWS_N))[None, None]


def _sc_body(idx_hbm, tgt_hbm, lse_hbm, tflat_hbm, gflat_hbm,
             out_hbm, part_hbm,
             idxg_v, idx_v, tgt_v, fidx_v, lsei_v, tlog_v,
             g0, g1, st0, st1, st2, st3, part_v, gsh,
             semg0, semg1, semw0, semw1, semw2, semw3, seml):
    wid = lax.axis_index("s") * NC + lax.axis_index("c")

    @pl.when(lax.axis_index("s") == 0)
    def _():
        pltpu.sync_copy(gflat_hbm, gsh)

    plsc.subcore_barrier()

    base = wid * PER_W
    pltpu.sync_copy(idx_hbm.at[pl.ds(base, PER_W)], idx_v)
    pltpu.sync_copy(tgt_hbm.at[pl.ds(base, PER_W)], tgt_v)

    def fidx_body(j, _):
        s = pl.ds(j * 16, 16)
        fidx_v[s] = idx_v[s] * VPAD + tgt_v[s]
        return 0

    lax.fori_loop(0, PER_W // 16, fidx_body, 0)

    def lgather_body(j, _):
        s = pl.ds(j * LCH, LCH)
        pltpu.async_copy(lse_hbm.at[idx_v.at[s]], lsei_v.at[s], seml)
        pltpu.async_copy(tflat_hbm.at[fidx_v.at[s]], tlog_v.at[s], seml)
        return 0

    lax.fori_loop(0, PER_W // LCH, lgather_body, 0)

    nu = jnp.where(wid < 16, 13, 12)
    u0 = jnp.where(wid < 16, wid * 13, wid * 12 + 16)
    i0 = u0 * 128
    pltpu.sync_copy(idx_hbm.at[pl.ds(i0, 1664)], idxg_v)

    gbuf = (g0, g1)
    semg = (semg0, semg1)
    stage = (st0, st1, st2, st3)
    semw = (semw0, semw1, semw2, semw3)

    def g_load(vg, k):
        return pltpu.async_copy(
            gsh.at[pl.ds(vg * (8 * VPAD), 8 * VPAD)], gbuf[k], semg[k])

    g_load(0, 0)

    def build_tile(gk, vg, t, s):
        gcount = vg * nu + t

        @pl.when(gcount >= 4)
        def _():
            pltpu.make_async_copy(
                stage[s],
                out_hbm.at[pl.ds(pl.multiple_of(vg * 8, 8), 8),
                           pl.ds(pl.multiple_of(i0 + t * 128, 128), 128)],
                semw[s]).wait()

        @plsc.parallel_loop(0, 8, step=1, unroll=8)
        def _(grp):
            iv = idxg_v[pl.ds(t * 128 + grp * 16, 16)]
            for vr in range(8):
                stage[s][vr, pl.ds(grp * 16, 16)] = plsc.load_gather(
                    gbuf[gk], [iv + vr * VPAD])
        pltpu.async_copy(
            stage[s],
            out_hbm.at[pl.ds(pl.multiple_of(vg * 8, 8), 8),
                       pl.ds(pl.multiple_of(i0 + t * 128, 128), 128)],
            semw[s])

    def do_vgroup(gk, vg):
        @pl.when(vg + 1 < NVG)
        def _():
            g_load(vg + 1, 1 - gk)

        pltpu.make_async_copy(
            gsh.at[pl.ds(vg * (8 * VPAD), 8 * VPAD)],
            gbuf[gk], semg[gk]).wait()

        def unit4(j, _):
            for u in range(4):
                build_tile(gk, vg, j * 4 + u, u)
            return 0

        lax.fori_loop(0, 3, unit4, 0)

        @pl.when(nu == 13)
        def _():
            build_tile(gk, vg, 12, 0)

    def vg_pair(o, _):
        @pl.when(o * 2 < NVG)
        def _():
            do_vgroup(0, o * 2)

        @pl.when(o * 2 + 1 < NVG)
        def _():
            do_vgroup(1, o * 2 + 1)

        return 0

    lax.fori_loop(0, (NVG + 1) // 2, vg_pair, 0)

    for s in range(4):
        pltpu.make_async_copy(
            stage[s],
            out_hbm.at[pl.ds(pl.multiple_of(0 * 8, 8), 8),
                       pl.ds(pl.multiple_of(i0, 128), 128)],
            semw[s]).wait()

    def ldrain_body(j, _):
        s = pl.ds(j * LCH, LCH)
        pltpu.make_async_copy(
            lse_hbm.at[idx_v.at[s]], lsei_v.at[s], seml).wait()
        pltpu.make_async_copy(
            tflat_hbm.at[fidx_v.at[s]], tlog_v.at[s], seml).wait()
        return 0

    lax.fori_loop(0, PER_W // LCH, ldrain_body, 0)

    def loss_body(j, acc):
        s = pl.ds(j * 16, 16)
        return acc + (lsei_v[s] - tlog_v[s])

    acc = lax.fori_loop(0, PER_W // 16, loss_body,
                        jnp.zeros((16,), jnp.float32))
    part_v[...] = acc
    pltpu.sync_copy(part_v, part_hbm.at[wid])


_sc_gather = functools.partial(
    pl.kernel,
    out_type=[
        jax.ShapeDtypeStruct((VOCAB_N, ROWS_N), jnp.float32),
        jax.ShapeDtypeStruct((NW, 16), jnp.float32),
    ],
    mesh=plsc.VectorSubcoreMesh(core_axis_name="c", subcore_axis_name="s"),
    compiler_params=pltpu.CompilerParams(use_tc_tiling_on_sc=True,
                                         needs_layout_passes=False,
                                         disable_bounds_checks=True),
    scratch_types=[
        pltpu.VMEM((1664,), jnp.int32),
        pltpu.VMEM((PER_W,), jnp.int32),
        pltpu.VMEM((PER_W,), jnp.int32),
        pltpu.VMEM((PER_W,), jnp.int32),
        pltpu.VMEM((PER_W,), jnp.float32),
        pltpu.VMEM((PER_W,), jnp.float32),
        pltpu.VMEM((8 * VPAD,), jnp.float32),
        pltpu.VMEM((8 * VPAD,), jnp.float32),
        pltpu.VMEM((8, 128), jnp.float32),
        pltpu.VMEM((8, 128), jnp.float32),
        pltpu.VMEM((8, 128), jnp.float32),
        pltpu.VMEM((8, 128), jnp.float32),
        pltpu.VMEM((16,), jnp.float32),
        pltpu.VMEM_SHARED((NVG * 8 * VPAD,), jnp.float32),
        pltpu.SemaphoreType.DMA,
        pltpu.SemaphoreType.DMA,
        pltpu.SemaphoreType.DMA,
        pltpu.SemaphoreType.DMA,
        pltpu.SemaphoreType.DMA,
        pltpu.SemaphoreType.DMA,
        pltpu.SemaphoreType.DMA,
    ],
)(_sc_body)


def kernel(idx, targets, table):
    idx_f = jnp.pad(idx.reshape(-1).astype(jnp.int32), (0, IDX_PAD - ROWS_N))
    tgt_f = jnp.pad(targets.reshape(-1).astype(jnp.int32),
                    (0, IDX_PAD - ROWS_N))
    cpad = VPAD - VOCAB_N
    tpad_sq = jnp.pad(table, ((0, cpad), (0, cpad)), constant_values=-1e30)
    tflat = jnp.pad(table, ((0, 0), (0, cpad))).reshape(-1)
    gflat = jnp.pad(table.T, ((0, 0), (0, cpad))).reshape(-1)
    lse = pl.pallas_call(
        _lse_body,
        out_shape=jax.ShapeDtypeStruct((VPAD,), jnp.float32),
    )(tpad_sq)
    logits_t, part = _sc_gather(idx_f, tgt_f, lse, tflat, gflat)
    loss = pl.pallas_call(
        _mean_body,
        out_shape=jax.ShapeDtypeStruct((1, 1), jnp.float32),
    )(part)
    return logits_t.T, loss[0, 0]

# --- scband reference (transcript-rebuilt; emitter-appended) ---
"""Pipeline reference for scband-bigram-language-model-5102421148246 (READ-ONLY COPY).

The authoritative reference and input builder live on the scoring server;
editing this copy changes nothing except your own understanding.
"""

import jax, jax.numpy as jnp
import numpy as np

VOCAB = 1000
B = 1024
T = 50

def setup_inputs(seed: int = 0) -> dict:
    key = jax.random.key(seed)
    k1, k2, k3 = jax.random.split(key, 3)
    idx = jax.random.randint(k1, (B, T), 0, VOCAB)
    targets = jax.random.randint(k2, (B, T), 0, VOCAB)
    table = jax.random.normal(k3, (VOCAB, VOCAB), dtype=jnp.float32) * 0.02
    return {"idx": idx, "targets": targets, "table": table}

def reference(idx, targets, table):
    # token_embedding_table(idx): gather rows of [vocab, vocab] table -> logits [B, T, V]
    logits = jnp.take(table, idx, axis=0)
    b, t, v = logits.shape
    logits = logits.reshape(b * t, v)
    tg = targets.reshape(b * t)
    # F.cross_entropy(logits, targets) with mean reduction
    logp = jax.nn.log_softmax(logits, axis=-1)
    loss = -jnp.take_along_axis(logp, tg[:, None], axis=1).squeeze(1).mean()
    return logits, loss

if __name__ == "__main__":
    import jax
    _d = setup_inputs()
    print(jax.jit(kernel)(*tuple(_d.values())))

</pallas_src>

<mosaic_0001>
#map = affine_map<(d0, d1) -> (0)>
#map1 = affine_map<(d0, d1) -> (0, 0)>
module attributes {stable_mosaic.version = 14 : i64} {
  func.func @_sc_body(%arg0: i32, %arg1: i32, %arg2: memref<51456xi32, #tpu.memory_space<hbm>>, %arg3: memref<51456xi32, #tpu.memory_space<hbm>>, %arg4: memref<1024xf32, #tpu.memory_space<hbm>>, %arg5: memref<1024000xf32, #tpu.memory_space<hbm>>, %arg6: memref<1024000xf32, #tpu.memory_space<hbm>>, %arg7: memref<1000x51200xf32, #tpu.memory_space<hbm>>, %arg8: memref<32x16xf32, #tpu.memory_space<hbm>>, %arg9: memref<1664xi32, #tpu.memory_space<vmem>>, %arg10: memref<1600xi32, #tpu.memory_space<vmem>>, %arg11: memref<1600xi32, #tpu.memory_space<vmem>>, %arg12: memref<1600xi32, #tpu.memory_space<vmem>>, %arg13: memref<1600xf32, #tpu.memory_space<vmem>>, %arg14: memref<1600xf32, #tpu.memory_space<vmem>>, %arg15: memref<8192xf32, #tpu.memory_space<vmem>>, %arg16: memref<8192xf32, #tpu.memory_space<vmem>>, %arg17: memref<8x128xf32, #tpu.memory_space<vmem>>, %arg18: memref<8x128xf32, #tpu.memory_space<vmem>>, %arg19: memref<8x128xf32, #tpu.memory_space<vmem>>, %arg20: memref<8x128xf32, #tpu.memory_space<vmem>>, %arg21: memref<16xf32, #tpu.memory_space<vmem>>, %arg22: memref<1024000xf32, #tpu.memory_space<vmem_shared>>, %arg23: memref<!tpu.dma_semaphore, #tpu.memory_space<semaphore_mem>>, %arg24: memref<!tpu.dma_semaphore, #tpu.memory_space<semaphore_mem>>, %arg25: memref<!tpu.dma_semaphore, #tpu.memory_space<semaphore_mem>>, %arg26: memref<!tpu.dma_semaphore, #tpu.memory_space<semaphore_mem>>, %arg27: memref<!tpu.dma_semaphore, #tpu.memory_space<semaphore_mem>>, %arg28: memref<!tpu.dma_semaphore, #tpu.memory_space<semaphore_mem>>, %arg29: memref<!tpu.dma_semaphore, #tpu.memory_space<semaphore_mem>>) attributes {dimension_semantics = [#tpu.dimension_semantics<core_parallel>, #tpu.dimension_semantics<subcore_parallel>], iteration_bounds = array<i64: 2, 16>, scalar_prefetch = 0 : i64, scratch_operands = 21 : i64, tpu.core_type = #tpu.core_type<sc_vector_subcore>, window_params = [{transform_indices = #map}, {transform_indices = #map}, {transform_indices = #map}, {transform_indices = #map}, {transform_indices = #map}, {transform_indices = #map1}, {transform_indices = #map1}]} {
    %mul3A = arith.constant 2 : i32
    %mul3A_0 = arith.muli %arg1, %mul3A : i32
    %add3A = arith.addi %mul3A_0, %arg0 : i32
    %eq3A = arith.constant 0 : i32
    %eq3A_1 = arith.cmpi eq, %arg1, %eq3A : i32
    %convert_element_type3A = arith.extui %eq3A_1 : i1 to i32
    %cond3A = arith.constant 0 : i32
    %cond3A_2 = arith.cmpi ne, %convert_element_type3A, %cond3A : i32
    scf.if %cond3A_2 {
      "tpu.region"() ({
        %run_scoped3A = tpu.sem_alloc : memref<!tpu.dma_semaphore, #tpu.memory_space<semaphore_mem>>
        tpu.enqueue_dma source(%arg6 : memref<1024000xf32, #tpu.memory_space<hbm>>) target(%arg22 : memref<1024000xf32, #tpu.memory_space<vmem_shared>>) target_semaphore(%run_scoped3A : memref<!tpu.dma_semaphore, #tpu.memory_space<semaphore_mem>>)
        tpu.wait_dma2 semaphore(%run_scoped3A : memref<!tpu.dma_semaphore, #tpu.memory_space<semaphore_mem>>) src(%arg6 : memref<1024000xf32, #tpu.memory_space<hbm>>) dst(%arg22 : memref<1024000xf32, #tpu.memory_space<vmem_shared>>)
        tpu.yield
      }) : () -> ()
    } else {
    }
    %barrier3A = arith.constant 0 : index
    tpu.barrier barrier_id(%barrier3A)
    %mul3A_3 = arith.constant 1600 : i32
    %mul3A_4 = arith.muli %add3A, %mul3A_3 : i32
    "tpu.region"() ({
      %run_scoped3A = tpu.sem_alloc : memref<!tpu.dma_semaphore, #tpu.memory_space<semaphore_mem>>
      %dma_start3A_74 = tpu.memref_slice %arg2[%mul3A_4] : memref<51456xi32, #tpu.memory_space<hbm>> -> memref<1600xi32, #tpu.memory_space<hbm>>
      %dma_start3A_75 = tpu.memref_slice %arg2[%mul3A_4] : memref<51456xi32, #tpu.memory_space<hbm>> -> memref<1600xi32, #tpu.memory_space<hbm>>
      tpu.enqueue_dma source(%dma_start3A_75 : memref<1600xi32, #tpu.memory_space<hbm>>) target(%arg10 : memref<1600xi32, #tpu.memory_space<vmem>>) target_semaphore(%run_scoped3A : memref<!tpu.dma_semaphore, #tpu.memory_space<semaphore_mem>>)
      %dma_wait3A_76 = tpu.memref_slice %arg2[%mul3A_4] : memref<51456xi32, #tpu.memory_space<hbm>> -> memref<1600xi32, #tpu.memory_space<hbm>>
      %dma_wait3A_77 = tpu.memref_slice %arg2[%mul3A_4] : memref<51456xi32, #tpu.memory_space<hbm>> -> memref<1600xi32, #tpu.memory_space<hbm>>
      tpu.wait_dma2 semaphore(%run_scoped3A : memref<!tpu.dma_semaphore, #tpu.memory_space<semaphore_mem>>) src(%dma_wait3A_77 : memref<1600xi32, #tpu.memory_space<hbm>>) dst(%arg10 : memref<1600xi32, #tpu.memory_space<vmem>>)
      tpu.yield
    }) : () -> ()
    "tpu.region"() ({
      %run_scoped3A = tpu.sem_alloc : memref<!tpu.dma_semaphore, #tpu.memory_space<semaphore_mem>>
      %dma_start3A_74 = tpu.memref_slice %arg3[%mul3A_4] : memref<51456xi32, #tpu.memory_space<hbm>> -> memref<1600xi32, #tpu.memory_space<hbm>>
      %dma_start3A_75 = tpu.memref_slice %arg3[%mul3A_4] : memref<51456xi32, #tpu.memory_space<hbm>> -> memref<1600xi32, #tpu.memory_space<hbm>>
      tpu.enqueue_dma source(%dma_start3A_75 : memref<1600xi32, #tpu.memory_space<hbm>>) target(%arg11 : memref<1600xi32, #tpu.memory_space<vmem>>) target_semaphore(%run_scoped3A : memref<!tpu.dma_semaphore, #tpu.memory_space<semaphore_mem>>)
      %dma_wait3A_76 = tpu.memref_slice %arg3[%mul3A_4] : memref<51456xi32, #tpu.memory_space<hbm>> -> memref<1600xi32, #tpu.memory_space<hbm>>
      %dma_wait3A_77 = tpu.memref_slice %arg3[%mul3A_4] : memref<51456xi32, #tpu.memory_space<hbm>> -> memref<1600xi32, #tpu.memory_space<hbm>>
      tpu.wait_dma2 semaphore(%run_scoped3A : memref<!tpu.dma_semaphore, #tpu.memory_space<semaphore_mem>>) src(%dma_wait3A_77 : memref<1600xi32, #tpu.memory_space<hbm>>) dst(%arg11 : memref<1600xi32, #tpu.memory_space<vmem>>)
      tpu.yield
    }) : () -> ()
    %scan3A = arith.constant 0 : i32
    %scan3A_5 = arith.constant 0 : i32
    %scan3A_6 = arith.constant 100 : i32
    %scan3A_7 = arith.addi %scan3A_5, %scan3A_6 : i32
    %scan3A_8 = arith.constant 1 : i32
    %scan3A_9 = scf.for %scan3A_74 = %scan3A_5 to %scan3A_7 step %scan3A_8 iter_args(%scan3A_75 = %scan3A) -> (i32)  : i32 {
      %mul3A_76 = arith.constant 16 : i32
      %mul3A_77 = arith.muli %scan3A_74, %mul3A_76 : i32
      %get3A = arith.index_cast %mul3A_77 : i32 to index
      %get3A_78 = tpu.vector_load %arg10[%get3A] {strides = array<i32>} : memref<1600xi32, #tpu.memory_space<vmem>>, vector<16xi32>,
      %mul3A_79 = arith.constant 1024 : i32
      %mul3A_80 = vector.broadcast %mul3A_79 : i32 to vector<16xi32>
      %mul3A_81 = arith.muli %get3A_78, %mul3A_80 : vector<16xi32>
      %get3A_82 = arith.index_cast %mul3A_77 : i32 to index
      %get3A_83 = tpu.vector_load %arg11[%get3A_82] {strides = array<i32>} : memref<1600xi32, #tpu.memory_space<vmem>>, vector<16xi32>,
      %add3A_84 = arith.addi %mul3A_81, %get3A_83 : vector<16xi32>
      %swap3A_85 = arith.index_cast %mul3A_77 : i32 to index
      %swap3A_86 = tpu.vector_load %arg12[%swap3A_85] {strides = array<i32>} : memref<1600xi32, #tpu.memory_space<vmem>>, vector<16xi32>,
      tpu.vector_store %arg12[%swap3A_85], %add3A_84 {strides = array<i32>} : memref<1600xi32, #tpu.memory_space<vmem>>, vector<16xi32>,
      %scan3A_87 = arith.constant 0 : i32
      scf.yield %scan3A_87 : i32
    }
    %scan3A_10 = arith.constant 100 : i32
    %scan3A_11 = arith.constant 0 : i32
    %scan3A_12 = arith.constant 0 : i32
    %scan3A_13 = arith.constant 20 : i32
    %scan3A_14 = arith.addi %scan3A_12, %scan3A_13 : i32
    %scan3A_15 = arith.constant 1 : i32
    %scan3A_16 = scf.for %scan3A_74 = %scan3A_12 to %scan3A_14 step %scan3A_15 iter_args(%scan3A_75 = %scan3A_11) -> (i32)  : i32 {
      %mul3A_76 = arith.constant 80 : i32
      %mul3A_77 = arith.muli %scan3A_74, %mul3A_76 : i32
      %dma_start3A_78 = tpu.memref_slice %arg13[%mul3A_77] : memref<1600xf32, #tpu.memory_space<vmem>> -> memref<80xf32, #tpu.memory_space<vmem>>
      %dma_start3A_79 = tpu.memref_slice %arg10[%mul3A_77] : memref<1600xi32, #tpu.memory_space<vmem>> -> memref<80xi32, #tpu.memory_space<vmem>>
      %dma_start3A_80 = arith.constant 0 : i32
      %dma_start3A_81 = tpu.memref_slice %arg4[%dma_start3A_80] : memref<1024xf32, #tpu.memory_space<hbm>> -> memref<1024xf32, #tpu.memory_space<hbm>>
      tpu.enqueue_indirect_dma source(%dma_start3A_81 : memref<1024xf32, #tpu.memory_space<hbm>>) target(%dma_start3A_78 : memref<80xf32, #tpu.memory_space<vmem>>) offsets(%dma_start3A_79 : memref<80xi32, #tpu.memory_space<vmem>>) semaphore(%arg29 : memref<!tpu.dma_semaphore, #tpu.memory_space<semaphore_mem>>)
      %dma_start3A_82 = tpu.memref_slice %arg14[%mul3A_77] : memref<1600xf32, #tpu.memory_space<vmem>> -> memref<80xf32, #tpu.memory_space<vmem>>
      %dma_start3A_83 = tpu.memref_slice %arg12[%mul3A_77] : memref<1600xi32, #tpu.memory_space<vmem>> -> memref<80xi32, #tpu.memory_space<vmem>>
      %dma_start3A_84 = arith.constant 0 : i32
      %dma_start3A_85 = tpu.memref_slice %arg5[%dma_start3A_84] : memref<1024000xf32, #tpu.memory_space<hbm>> -> memref<1024000xf32, #tpu.memory_space<hbm>>
      tpu.enqueue_indirect_dma source(%dma_start3A_85 : memref<1024000xf32, #tpu.memory_space<hbm>>) target(%dma_start3A_82 : memref<80xf32, #tpu.memory_space<vmem>>) offsets(%dma_start3A_83 : memref<80xi32, #tpu.memory_space<vmem>>) semaphore(%arg29 : memref<!tpu.dma_semaphore, #tpu.memory_space<semaphore_mem>>)
      %scan3A_86 = arith.constant 0 : i32
      scf.yield %scan3A_86 : i32
    }
    %scan3A_17 = arith.constant 20 : i32
    %lt3A = arith.constant 16 : i32
    %lt3A_18 = arith.cmpi slt, %add3A, %lt3A : i32
    %jit3A = arith.constant 13 : i32
    %jit3A_19 = arith.constant 12 : i32
    %select_n3A = arith.select %lt3A_18, %jit3A, %jit3A_19 : i32
    %lt3A_20 = arith.constant 16 : i32
    %lt3A_21 = arith.cmpi slt, %add3A, %lt3A_20 : i32
    %mul3A_22 = arith.constant 13 : i32
    %mul3A_23 = arith.muli %add3A, %mul3A_22 : i32
    %mul3A_24 = arith.constant 12 : i32
    %mul3A_25 = arith.muli %add3A, %mul3A_24 : i32
    %add3A_26 = arith.constant 16 : i32
    %add3A_27 = arith.addi %mul3A_25, %add3A_26 : i32
    %select_n3A_28 = arith.select %lt3A_21, %mul3A_23, %add3A_27 : i32
    %mul3A_29 = arith.constant 128 : i32
    %mul3A_30 = arith.muli %select_n3A_28, %mul3A_29 : i32
    "tpu.region"() ({
      %run_scoped3A = tpu.sem_alloc : memref<!tpu.dma_semaphore, #tpu.memory_space<semaphore_mem>>
      %dma_start3A_74 = tpu.memref_slice %arg2[%mul3A_30] : memref<51456xi32, #tpu.memory_space<hbm>> -> memref<1664xi32, #tpu.memory_space<hbm>>
      %dma_start3A_75 = tpu.memref_slice %arg2[%mul3A_30] : memref<51456xi32, #tpu.memory_space<hbm>> -> memref<1664xi32, #tpu.memory_space<hbm>>
      tpu.enqueue_dma source(%dma_start3A_75 : memref<1664xi32, #tpu.memory_space<hbm>>) target(%arg9 : memref<1664xi32, #tpu.memory_space<vmem>>) target_semaphore(%run_scoped3A : memref<!tpu.dma_semaphore, #tpu.memory_space<semaphore_mem>>)
      %dma_wait3A_76 = tpu.memref_slice %arg2[%mul3A_30] : memref<51456xi32, #tpu.memory_space<hbm>> -> memref<1664xi32, #tpu.memory_space<hbm>>
      %dma_wait3A_77 = tpu.memref_slice %arg2[%mul3A_30] : memref<51456xi32, #tpu.memory_space<hbm>> -> memref<1664xi32, #tpu.memory_space<hbm>>
      tpu.wait_dma2 semaphore(%run_scoped3A : memref<!tpu.dma_semaphore, #tpu.memory_space<semaphore_mem>>) src(%dma_wait3A_77 : memref<1664xi32, #tpu.memory_space<hbm>>) dst(%arg9 : memref<1664xi32, #tpu.memory_space<vmem>>)
      tpu.yield
    }) : () -> ()
    %dma_start3A = arith.constant 0 : i32
    %dma_start3A_31 = tpu.memref_slice %arg22[%dma_start3A] : memref<1024000xf32, #tpu.memory_space<vmem_shared>> -> memref<8192xf32, #tpu.memory_space<vmem_shared>>
    %dma_start3A_32 = arith.constant 0 : i32
    %dma_start3A_33 = tpu.memref_slice %arg22[%dma_start3A_32] : memref<1024000xf32, #tpu.memory_space<vmem_shared>> -> memref<8192xf32, #tpu.memory_space<vmem_shared>>
    tpu.enqueue_dma source(%dma_start3A_33 : memref<8192xf32, #tpu.memory_space<vmem_shared>>) target(%arg15 : memref<8192xf32, #tpu.memory_space<vmem>>) target_semaphore(%arg23 : memref<!tpu.dma_semaphore, #tpu.memory_space<semaphore_mem>>)
    %scan3A_34 = arith.constant 0 : i32
    %scan3A_35 = arith.constant 0 : i32
    %scan3A_36 = arith.constant 63 : i32
    %scan3A_37 = arith.addi %scan3A_35, %scan3A_36 : i32
    %scan3A_38 = arith.constant 1 : i32
    %scan3A_39 = scf.for %scan3A_74 = %scan3A_35 to %scan3A_37 step %scan3A_38 iter_args(%scan3A_75 = %scan3A_34) -> (i32)  : i32 {
      %mul3A_76 = arith.constant 2 : i32
      %mul3A_77 = arith.muli %scan3A_74, %mul3A_76 : i32
      %lt3A_78 = arith.constant 125 : i32
      %lt3A_79 = arith.cmpi slt, %mul3A_77, %lt3A_78 : i32
      %convert_element_type3A_80 = arith.extui %lt3A_79 : i1 to i32
      %cond3A_81 = arith.constant 0 : i32
      %cond3A_82 = arith.cmpi ne, %convert_element_type3A_80, %cond3A_81 : i32
      scf.if %cond3A_82 {
        %mul3A_93 = arith.constant 2 : i32
        %mul3A_94 = arith.muli %scan3A_74, %mul3A_93 : i32
        %add3A_95 = arith.constant 1 : i32
        %add3A_96 = arith.addi %mul3A_94, %add3A_95 : i32
        %lt3A_97 = arith.constant 125 : i32
        %lt3A_98 = arith.cmpi slt, %add3A_96, %lt3A_97 : i32
        %convert_element_type3A_99 = arith.extui %lt3A_98 : i1 to i32
        %cond3A_100 = arith.constant 0 : i32
        %cond3A_101 = arith.cmpi ne, %convert_element_type3A_99, %cond3A_100 : i32
        scf.if %cond3A_101 {
          %add3A_118 = arith.constant 1 : i32
          %add3A_119 = arith.addi %mul3A_94, %add3A_118 : i32
          %mul3A_120 = arith.constant 8192 : i32
          %mul3A_121 = arith.muli %add3A_119, %mul3A_120 : i32
          %dma_start3A_122 = tpu.memref_slice %arg22[%mul3A_121] : memref<1024000xf32, #tpu.memory_space<vmem_shared>> -> memref<8192xf32, #tpu.memory_space<vmem_shared>>
          %dma_start3A_123 = tpu.memref_slice %arg22[%mul3A_121] : memref<1024000xf32, #tpu.memory_space<vmem_shared>> -> memref<8192xf32, #tpu.memory_space<vmem_shared>>
          tpu.enqueue_dma source(%dma_start3A_123 : memref<8192xf32, #tpu.memory_space<vmem_shared>>) target(%arg16 : memref<8192xf32, #tpu.memory_space<vmem>>) target_semaphore(%arg24 : memref<!tpu.dma_semaphore, #tpu.memory_space<semaphore_mem>>)
        } else {
        }
        %mul3A_102 = arith.constant 8192 : i32
        %mul3A_103 = arith.muli %mul3A_94, %mul3A_102 : i32
        %dma_wait3A_104 = tpu.memref_slice %arg22[%mul3A_103] : memref<1024000xf32, #tpu.memory_space<vmem_shared>> -> memref<8192xf32, #tpu.memory_space<vmem_shared>>
        %dma_wait3A_105 = tpu.memref_slice %arg22[%mul3A_103] : memref<1024000xf32, #tpu.memory_space<vmem_shared>> -> memref<8192xf32, #tpu.memory_space<vmem_shared>>
        tpu.wait_dma2 semaphore(%arg23 : memref<!tpu.dma_semaphore, #tpu.memory_space<semaphore_mem>>) src(%dma_wait3A_105 : memref<8192xf32, #tpu.memory_space<vmem_shared>>) dst(%arg15 : memref<8192xf32, #tpu.memory_space<vmem>>)
        %scan3A_106 = arith.constant 0 : i32
        %scan3A_107 = arith.constant 0 : i32
        %scan3A_108 = arith.constant 3 : i32
        %scan3A_109 = arith.addi %scan3A_107, %scan3A_108 : i32
        %scan3A_110 = arith.constant 1 : i32
        %scan3A_111 = scf.for %scan3A_118 = %scan3A_107 to %scan3A_109 step %scan3A_110 iter_args(%scan3A_119 = %scan3A_106) -> (i32)  : i32 {
          %mul3A_120 = arith.constant 4 : i32
          %mul3A_121 = arith.muli %scan3A_118, %mul3A_120 : i32
          %add3A_122 = arith.constant 0 : i32
          %add3A_123 = arith.addi %mul3A_121, %add3A_122 : i32
          %mul3A_124 = arith.muli %mul3A_94, %select_n3A : i32
          %add3A_125 = arith.addi %mul3A_124, %add3A_123 : i32
          %ge3A = arith.constant 4 : i32
          %ge3A_126 = arith.cmpi sge, %add3A_125, %ge3A : i32
          %convert_element_type3A_127 = arith.extui %ge3A_126 : i1 to i32
          %cond3A_128 = arith.constant 0 : i32
          %cond3A_129 = arith.cmpi ne, %convert_element_type3A_127, %cond3A_128 : i32
          scf.if %cond3A_129 {
            %mul3A_211 = arith.constant 8 : i32
            %mul3A_212 = arith.muli %mul3A_94, %mul3A_211 : i32
            %multiple_of3A_213 = tpu.assume_multiple %mul3A_212, 8 : i32
            %mul3A_214 = arith.constant 128 : i32
            %mul3A_215 = arith.muli %add3A_123, %mul3A_214 : i32
            %add3A_216 = arith.addi %mul3A_30, %mul3A_215 : i32
            %multiple_of3A_217 = tpu.assume_multiple %add3A_216, 128 : i32
            %dma_wait3A_218 = tpu.memref_slice %arg7[%multiple_of3A_213, %multiple_of3A_217] : memref<1000x51200xf32, #tpu.memory_space<hbm>> -> memref<8x128xf32, #tpu.memory_space<hbm>>
            %dma_wait3A_219 = tpu.memref_slice %arg7[%multiple_of3A_213, %multiple_of3A_217] : memref<1000x51200xf32, #tpu.memory_space<hbm>> -> memref<8x128xf32, #tpu.memory_space<hbm>>
            tpu.wait_dma2 semaphore(%arg25 : memref<!tpu.dma_semaphore, #tpu.memory_space<semaphore_mem>>) src(%arg17 : memref<8x128xf32, #tpu.memory_space<vmem>>) dst(%dma_wait3A_219 : memref<8x128xf32, #tpu.memory_space<hbm>>)
          } else {
          }
          %parallel_loop3A = arith.constant 0 : i32
          %parallel_loop3A_130 = arith.constant 8 : i32
          %parallel_loop3A_131 = arith.constant 1 : i32
          scf.for %parallel_loop3A_211 = %parallel_loop3A to %parallel_loop3A_130 step %parallel_loop3A_131  : i32 {
            %parallel_loop3A_212 = arith.constant 128 : i32
            %parallel_loop3A_213 = arith.muli %add3A_123, %parallel_loop3A_212 : i32
            %parallel_loop3A_214 = arith.constant 16 : i32
            %parallel_loop3A_215 = arith.muli %parallel_loop3A_211, %parallel_loop3A_214 : i32
            %parallel_loop3A_216 = arith.addi %parallel_loop3A_213, %parallel_loop3A_215 : i32
            %parallel_loop3A_217 = arith.index_cast %parallel_loop3A_216 : i32 to index
            %parallel_loop3A_218 = tpu.vector_load %arg9[%parallel_loop3A_217] {strides = array<i32>} : memref<1664xi32, #tpu.memory_space<vmem>>, vector<16xi32>,
            %parallel_loop3A_219 = arith.constant 0 : i32
            %parallel_loop3A_220 = vector.broadcast %parallel_loop3A_219 : i32 to vector<16xi32>
            %parallel_loop3A_221 = arith.addi %parallel_loop3A_218, %parallel_loop3A_220 : vector<16xi32>
            %parallel_loop3A_222 = tpu.vector_load_idx %arg15[%parallel_loop3A_221] : memref<8192xf32, #tpu.memory_space<vmem>>[vector<16xi32>], vector<16xf32>,
            %parallel_loop3A_223 = arith.constant 16 : i32
            %parallel_loop3A_224 = arith.muli %parallel_loop3A_211, %parallel_loop3A_223 : i32
            %parallel_loop3A_225 = arith.constant 0 : i32
            %parallel_loop3A_226 = arith.index_cast %parallel_loop3A_225 : i32 to index
            %parallel_loop3A_227 = arith.index_cast %parallel_loop3A_224 : i32 to index
            %parallel_loop3A_228 = tpu.vector_load %arg17[%parallel_loop3A_226, %parallel_loop3A_227] {strides = array<i32>} : memref<8x128xf32, #tpu.memory_space<vmem>>, vector<16xf32>,
            tpu.vector_store %arg17[%parallel_loop3A_226, %parallel_loop3A_227], %parallel_loop3A_222 {strides = array<i32>} : memref<8x128xf32, #tpu.memory_space<vmem>>, vector<16xf32>,
            %parallel_loop3A_229 = arith.constant 1024 : i32
            %parallel_loop3A_230 = vector.broadcast %parallel_loop3A_229 : i32 to vector<16xi32>
            %parallel_loop3A_231 = arith.addi %parallel_loop3A_218, %parallel_loop3A_230 : vector<16xi32>
            %parallel_loop3A_232 = tpu.vector_load_idx %arg15[%parallel_loop3A_231] : memref<8192xf32, #tpu.memory_space<vmem>>[vector<16xi32>], vector<16xf32>,
            %parallel_loop3A_233 = arith.constant 16 : i32
            %parallel_loop3A_234 = arith.muli %parallel_loop3A_211, %parallel_loop3A_233 : i32
            %parallel_loop3A_235 = arith.constant 1 : i32
            %parallel_loop3A_236 = arith.index_cast %parallel_loop3A_235 : i32 to index
            %parallel_loop3A_237 = arith.index_cast %parallel_loop3A_234 : i32 to index
            %parallel_loop3A_238 = tpu.vector_load %arg17[%parallel_loop3A_236, %parallel_loop3A_237] {strides = array<i32>} : memref<8x128xf32, #tpu.memory_space<vmem>>, vector<16xf32>,
            tpu.vector_store %arg17[%parallel_loop3A_236, %parallel_loop3A_237], %parallel_loop3A_232 {strides = array<i32>} : memref<8x128xf32, #tpu.memory_space<vmem>>, vector<16xf32>,
            %parallel_loop3A_239 = arith.constant 2048 : i32
            %parallel_loop3A_240 = vector.broadcast %parallel_loop3A_239 : i32 to vector<16xi32>
            %parallel_loop3A_241 = arith.addi %parallel_loop3A_218, %parallel_loop3A_240 : vector<16xi32>
            %parallel_loop3A_242 = tpu.vector_load_idx %arg15[%parallel_loop3A_241] : memref<8192xf32, #tpu.memory_space<vmem>>[vector<16xi32>], vector<16xf32>,
            %parallel_loop3A_243 = arith.constant 16 : i32
            %parallel_loop3A_244 = arith.muli %parallel_loop3A_211, %parallel_loop3A_243 : i32
            %parallel_loop3A_245 = arith.constant 2 : i32
            %parallel_loop3A_246 = arith.index_cast %parallel_loop3A_245 : i32 to index
            %parallel_loop3A_247 = arith.index_cast %parallel_loop3A_244 : i32 to index
            %parallel_loop3A_248 = tpu.vector_load %arg17[%parallel_loop3A_246, %parallel_loop3A_247] {strides = array<i32>} : memref<8x128xf32, #tpu.memory_space<vmem>>, vector<16xf32>,
            tpu.vector_store %arg17[%parallel_loop3A_246, %parallel_loop3A_247], %parallel_loop3A_242 {strides = array<i32>} : memref<8x128xf32, #tpu.memory_space<vmem>>, vector<16xf32>,
            %parallel_loop3A_249 = arith.constant 3072 : i32
            %parallel_loop3A_250 = vector.broadcast %parallel_loop3A_249 : i32 to vector<16xi32>
            %parallel_loop3A_251 = arith.addi %parallel_loop3A_218, %parallel_loop3A_250 : vector<16xi32>
            %parallel_loop3A_252 = tpu.vector_load_idx %arg15[%parallel_loop3A_251] : memref<8192xf32, #tpu.memory_space<vmem>>[vector<16xi32>], vector<16xf32>,
            %parallel_loop3A_253 = arith.constant 16 : i32
            %parallel_loop3A_254 = arith.muli %parallel_loop3A_211, %parallel_loop3A_253 : i32
            %parallel_loop3A_255 = arith.constant 3 : i32
            %parallel_loop3A_256 = arith.index_cast %parallel_loop3A_255 : i32 to index
            %parallel_loop3A_257 = arith.index_cast %parallel_loop3A_254 : i32 to index
            %parallel_loop3A_258 = tpu.vector_load %arg17[%parallel_loop3A_256, %parallel_loop3A_257] {strides = array<i32>} : memref<8x128xf32, #tpu.memory_space<vmem>>, vector<16xf32>,
            tpu.vector_store %arg17[%parallel_loop3A_256, %parallel_loop3A_257], %parallel_loop3A_252 {strides = array<i32>} : memref<8x128xf32, #tpu.memory_space<vmem>>, vector<16xf32>,
            %parallel_loop3A_259 = arith.constant 4096 : i32
            %parallel_loop3A_260 = vector.broadcast %parallel_loop3A_259 : i32 to vector<16xi32>
            %parallel_loop3A_261 = arith.addi %parallel_loop3A_218, %parallel_loop3A_260 : vector<16xi32>
            %parallel_loop3A_262 = tpu.vector_load_idx %arg15[%parallel_loop3A_261] : memref<8192xf32, #tpu.memory_space<vmem>>[vector<16xi32>], vector<16xf32>,
            %parallel_loop3A_263 = arith.constant 16 : i32
            %parallel_loop3A_264 = arith.muli %parallel_loop3A_211, %parallel_loop3A_263 : i32
            %parallel_loop3A_265 = arith.constant 4 : i32
            %parallel_loop3A_266 = arith.index_cast %parallel_loop3A_265 : i32 to index
            %parallel_loop3A_267 = arith.index_cast %parallel_loop3A_264 : i32 to index
            %parallel_loop3A_268 = tpu.vector_load %arg17[%parallel_loop3A_266, %parallel_loop3A_267] {strides = array<i32>} : memref<8x128xf32, #tpu.memory_space<vmem>>, vector<16xf32>,
            tpu.vector_store %arg17[%parallel_loop3A_266, %parallel_loop3A_267], %parallel_loop3A_262 {strides = array<i32>} : memref<8x128xf32, #tpu.memory_space<vmem>>, vector<16xf32>,
            %parallel_loop3A_269 = arith.constant 5120 : i32
            %parallel_loop3A_270 = vector.broadcast %parallel_loop3A_269 : i32 to vector<16xi32>
            %parallel_loop3A_271 = arith.addi %parallel_loop3A_218, %parallel_loop3A_270 : vector<16xi32>
            %parallel_loop3A_272 = tpu.vector_load_idx %arg15[%parallel_loop3A_271] : memref<8192xf32, #tpu.memory_space<vmem>>[vector<16xi32>], vector<16xf32>,
            %parallel_loop3A_273 = arith.constant 16 : i32
            %parallel_loop3A_274 = arith.muli %parallel_loop3A_211, %parallel_loop3A_273 : i32
            %parallel_loop3A_275 = arith.constant 5 : i32
            %parallel_loop3A_276 = arith.index_cast %parallel_loop3A_275 : i32 to index
            %parallel_loop3A_277 = arith.index_cast %parallel_loop3A_274 : i32 to index
            %parallel_loop3A_278 = tpu.vector_load %arg17[%parallel_loop3A_276, %parallel_loop3A_277] {strides = array<i32>} : memref<8x128xf32, #tpu.memory_space<vmem>>, vector<16xf32>,
            tpu.vector_store %arg17[%parallel_loop3A_276, %parallel_loop3A_277], %parallel_loop3A_272 {strides = array<i32>} : memref<8x128xf32, #tpu.memory_space<vmem>>, vector<16xf32>,
            %parallel_loop3A_279 = arith.constant 6144 : i32
            %parallel_loop3A_280 = vector.broadcast %parallel_loop3A_279 : i32 to vector<16xi32>
            %parallel_loop3A_281 = arith.addi %parallel_loop3A_218, %parallel_loop3A_280 : vector<16xi32>
            %parallel_loop3A_282 = tpu.vector_load_idx %arg15[%parallel_loop3A_281] : memref<8192xf32, #tpu.memory_space<vmem>>[vector<16xi32>], vector<16xf32>,
            %parallel_loop3A_283 = arith.constant 16 : i32
            %parallel_loop3A_284 = arith.muli %parallel_loop3A_211, %parallel_loop3A_283 : i32
            %parallel_loop3A_285 = arith.constant 6 : i32
            %parallel_loop3A_286 = arith.index_cast %parallel_loop3A_285 : i32 to index
            %parallel_loop3A_287 = arith.index_cast %parallel_loop3A_284 : i32 to index
            %parallel_loop3A_288 = tpu.vector_load %arg17[%parallel_loop3A_286, %parallel_loop3A_287] {strides = array<i32>} : memref<8x128xf32, #tpu.memory_space<vmem>>, vector<16xf32>,
            tpu.vector_store %arg17[%parallel_loop3A_286, %parallel_loop3A_287], %parallel_loop3A_282 {strides = array<i32>} : memref<8x128xf32, #tpu.memory_space<vmem>>, vector<16xf32>,
            %parallel_loop3A_289 = arith.constant 7168 : i32
            %parallel_loop3A_290 = vector.broadcast %parallel_loop3A_289 : i32 to vector<16xi32>
            %parallel_loop3A_291 = arith.addi %parallel_loop3A_218, %parallel_loop3A_290 : vector<16xi32>
            %parallel_loop3A_292 = tpu.vector_load_idx %arg15[%parallel_loop3A_291] : memref<8192xf32, #tpu.memory_space<vmem>>[vector<16xi32>], vector<16xf32>,
            %parallel_loop3A_293 = arith.constant 16 : i32
            %parallel_loop3A_294 = arith.muli %parallel_loop3A_211, %parallel_loop3A_293 : i32
            %parallel_loop3A_295 = arith.constant 7 : i32
            %parallel_loop3A_296 = arith.index_cast %parallel_loop3A_295 : i32 to index
            %parallel_loop3A_297 = arith.index_cast %parallel_loop3A_294 : i32 to index
            %parallel_loop3A_298 = tpu.vector_load %arg17[%parallel_loop3A_296, %parallel_loop3A_297] {strides = array<i32>} : memref<8x128xf32, #tpu.memory_space<vmem>>, vector<16xf32>,
            tpu.vector_store %arg17[%parallel_loop3A_296, %parallel_loop3A_297], %parallel_loop3A_292 {strides = array<i32>} : memref<8x128xf32, #tpu.memory_space<vmem>>, vector<16xf32>,
          } {sc.loop_unroll_factor = 8 : i64, sc.parallel_access}
          %mul3A_132 = arith.constant 8 : i32
          %mul3A_133 = arith.muli %mul3A_94, %mul3A_132 : i32
          %multiple_of3A_134 = tpu.assume_multiple %mul3A_133, 8 : i32
          %mul3A_135 = arith.constant 128 : i32
          %mul3A_136 = arith.muli %add3A_123, %mul3A_135 : i32
          %add3A_137 = arith.addi %mul3A_30, %mul3A_136 : i32
          %multiple_of3A_138 = tpu.assume_multiple %add3A_137, 128 : i32
          %dma_start3A_139 = tpu.memref_slice %arg7[%multiple_of3A_134, %multiple_of3A_138] : memref<1000x51200xf32, #tpu.memory_space<hbm>> -> memref<8x128xf32, #tpu.memory_space<hbm>>
          %dma_start3A_140 = tpu.memref_slice %arg7[%multiple_of3A_134, %multiple_of3A_138] : memref<1000x51200xf32, #tpu.memory_space<hbm>> -> memref<8x128xf32, #tpu.memory_space<hbm>>
          tpu.enqueue_dma source(%arg17 : memref<8x128xf32, #tpu.memory_space<vmem>>) target(%dma_start3A_140 : memref<8x128xf32, #tpu.memory_space<hbm>>) target_semaphore(%arg25 : memref<!tpu.dma_semaphore, #tpu.memory_space<semaphore_mem>>)
          %mul3A_141 = arith.constant 4 : i32
          %mul3A_142 = arith.muli %scan3A_118, %mul3A_141 : i32
          %add3A_143 = arith.constant 1 : i32
          %add3A_144 = arith.addi %mul3A_142, %add3A_143 : i32
          %mul3A_145 = arith.muli %mul3A_94, %select_n3A : i32
          %add3A_146 = arith.addi %mul3A_145, %add3A_144 : i32
          %ge3A_147 = arith.constant 4 : i32
          %ge3A_148 = arith.cmpi sge, %add3A_146, %ge3A_147 : i32
          %convert_element_type3A_149 = arith.extui %ge3A_148 : i1 to i32
          %cond3A_150 = arith.constant 0 : i32
          %cond3A_151 = arith.cmpi ne, %convert_element_type3A_149, %cond3A_150 : i32
          scf.if %cond3A_151 {
            %mul3A_211 = arith.constant 8 : i32
            %mul3A_212 = arith.muli %mul3A_94, %mul3A_211 : i32
            %multiple_of3A_213 = tpu.assume_multiple %mul3A_212, 8 : i32
            %mul3A_214 = arith.constant 128 : i32
            %mul3A_215 = arith.muli %add3A_144, %mul3A_214 : i32
            %add3A_216 = arith.addi %mul3A_30, %mul3A_215 : i32
            %multiple_of3A_217 = tpu.assume_multiple %add3A_216, 128 : i32
            %dma_wait3A_218 = tpu.memref_slice %arg7[%multiple_of3A_213, %multiple_of3A_217] : memref<1000x51200xf32, #tpu.memory_space<hbm>> -> memref<8x128xf32, #tpu.memory_space<hbm>>
            %dma_wait3A_219 = tpu.memref_slice %arg7[%multiple_of3A_213, %multiple_of3A_217] : memref<1000x51200xf32, #tpu.memory_space<hbm>> -> memref<8x128xf32, #tpu.memory_space<hbm>>
            tpu.wait_dma2 semaphore(%arg26 : memref<!tpu.dma_semaphore, #tpu.memory_space<semaphore_mem>>) src(%arg18 : memref<8x128xf32, #tpu.memory_space<vmem>>) dst(%dma_wait3A_219 : memref<8x128xf32, #tpu.memory_space<hbm>>)
          } else {
          }
          %parallel_loop3A_152 = arith.constant 0 : i32
          %parallel_loop3A_153 = arith.constant 8 : i32
          %parallel_loop3A_154 = arith.constant 1 : i32
          scf.for %parallel_loop3A_211 = %parallel_loop3A_152 to %parallel_loop3A_153 step %parallel_loop3A_154  : i32 {
            %parallel_loop3A_212 = arith.constant 128 : i32
            %parallel_loop3A_213 = arith.muli %add3A_144, %parallel_loop3A_212 : i32
            %parallel_loop3A_214 = arith.constant 16 : i32
            %parallel_loop3A_215 = arith.muli %parallel_loop3A_211, %parallel_loop3A_214 : i32
            %parallel_loop3A_216 = arith.addi %parallel_loop3A_213, %parallel_loop3A_215 : i32
            %parallel_loop3A_217 = arith.index_cast %parallel_loop3A_216 : i32 to index
            %parallel_loop3A_218 = tpu.vector_load %arg9[%parallel_loop3A_217] {strides = array<i32>} : memref<1664xi32, #tpu.memory_space<vmem>>, vector<16xi32>,
            %parallel_loop3A_219 = arith.constant 0 : i32
            %parallel_loop3A_220 = vector.broadcast %parallel_loop3A_219 : i32 to vector<16xi32>
            %parallel_loop3A_221 = arith.addi %parallel_loop3A_218, %parallel_loop3A_220 : vector<16xi32>
            %parallel_loop3A_222 = tpu.vector_load_idx %arg15[%parallel_loop3A_221] : memref<8192xf32, #tpu.memory_space<vmem>>[vector<16xi32>], vector<16xf32>,
            %parallel_loop3A_223 = arith.constant 16 : i32
            %parallel_loop3A_224 = arith.muli %parallel_loop3A_211, %parallel_loop3A_223 : i32
            %parallel_loop3A_225 = arith.constant 0 : i32
            %parallel_loop3A_226 = arith.index_cast %parallel_loop3A_225 : i32 to index
            %parallel_loop3A_227 = arith.index_cast %parallel_loop3A_224 : i32 to index
            %parallel_loop3A_228 = tpu.vector_load %arg18[%parallel_loop3A_226, %parallel_loop3A_227] {strides = array<i32>} : memref<8x128xf32, #tpu.memory_space<vmem>>, vector<16xf32>,
            tpu.vector_store %arg18[%parallel_loop3A_226, %parallel_loop3A_227], %parallel_loop3A_222 {strides = array<i32>} : memref<8x128xf32, #tpu.memory_space<vmem>>, vector<16xf32>,
            %parallel_loop3A_229 = arith.constant 1024 : i32
            %parallel_loop3A_230 = vector.broadcast %parallel_loop3A_229 : i32 to vector<16xi32>
            %parallel_loop3A_231 = arith.addi %parallel_loop3A_218, %parallel_loop3A_230 : vector<16xi32>
            %parallel_loop3A_232 = tpu.vector_load_idx %arg15[%parallel_loop3A_231] : memref<8192xf32, #tpu.memory_space<vmem>>[vector<16xi32>], vector<16xf32>,
            %parallel_loop3A_233 = arith.constant 16 : i32
            %parallel_loop3A_234 = arith.muli %parallel_loop3A_211, %parallel_loop3A_233 : i32
            %parallel_loop3A_235 = arith.constant 1 : i32
            %parallel_loop3A_236 = arith.index_cast %parallel_loop3A_235 : i32 to index
            %parallel_loop3A_237 = arith.index_cast %parallel_loop3A_234 : i32 to index
            %parallel_loop3A_238 = tpu.vector_load %arg18[%parallel_loop3A_236, %parallel_loop3A_237] {strides = array<i32>} : memref<8x128xf32, #tpu.memory_space<vmem>>, vector<16xf32>,
            tpu.vector_store %arg18[%parallel_loop3A_236, %parallel_loop3A_237], %parallel_loop3A_232 {strides = array<i32>} : memref<8x128xf32, #tpu.memory_space<vmem>>, vector<16xf32>,
            %parallel_loop3A_239 = arith.constant 2048 : i32
            %parallel_loop3A_240 = vector.broadcast %parallel_loop3A_239 : i32 to vector<16xi32>
            %parallel_loop3A_241 = arith.addi %parallel_loop3A_218, %parallel_loop3A_240 : vector<16xi32>
            %parallel_loop3A_242 = tpu.vector_load_idx %arg15[%parallel_loop3A_241] : memref<8192xf32, #tpu.memory_space<vmem>>[vector<16xi32>], vector<16xf32>,
            %parallel_loop3A_243 = arith.constant 16 : i32
            %parallel_loop3A_244 = arith.muli %parallel_loop3A_211, %parallel_loop3A_243 : i32
            %parallel_loop3A_245 = arith.constant 2 : i32
            %parallel_loop3A_246 = arith.index_cast %parallel_loop3A_245 : i32 to index
            %parallel_loop3A_247 = arith.index_cast %parallel_loop3A_244 : i32 to index
            %parallel_loop3A_248 = tpu.vector_load %arg18[%parallel_loop3A_246, %parallel_loop3A_247] {strides = array<i32>} : memref<8x128xf32, #tpu.memory_space<vmem>>, vector<16xf32>,
            tpu.vector_store %arg18[%parallel_loop3A_246, %parallel_loop3A_247], %parallel_loop3A_242 {strides = array<i32>} : memref<8x128xf32, #tpu.memory_space<vmem>>, vector<16xf32>,
            %parallel_loop3A_249 = arith.constant 3072 : i32
            %parallel_loop3A_250 = vector.broadcast %parallel_loop3A_249 : i32 to vector<16xi32>
            %parallel_loop3A_251 = arith.addi %parallel_loop3A_218, %parallel_loop3A_250 : vector<16xi32>
            %parallel_loop3A_252 = tpu.vector_load_idx %arg15[%parallel_loop3A_251] : memref<8192xf32, #tpu.memory_space<vmem>>[vector<16xi32>], vector<16xf32>,
            %parallel_loop3A_253 = arith.constant 16 : i32
            %parallel_loop3A_254 = arith.muli %parallel_loop3A_211, %parallel_loop3A_253 : i32
            %parallel_loop3A_255 = arith.constant 3 : i32
            %parallel_loop3A_256 = arith.index_cast %parallel_loop3A_255 : i32 to index
            %parallel_loop3A_257 = arith.index_cast %parallel_loop3A_254 : i32 to index
            %parallel_loop3A_258 = tpu.vector_load %arg18[%parallel_loop3A_256, %parallel_loop3A_257] {strides = array<i32>} : memref<8x128xf32, #tpu.memory_space<vmem>>, vector<16xf32>,
            tpu.vector_store %arg18[%parallel_loop3A_256, %parallel_loop3A_257], %parallel_loop3A_252 {strides = array<i32>} : memref<8x128xf32, #tpu.memory_space<vmem>>, vector<16xf32>,
            %parallel_loop3A_259 = arith.constant 4096 : i32
            %parallel_loop3A_260 = vector.broadcast %parallel_loop3A_259 : i32 to vector<16xi32>
            %parallel_loop3A_261 = arith.addi %parallel_loop3A_218, %parallel_loop3A_260 : vector<16xi32>
            %parallel_loop3A_262 = tpu.vector_load_idx %arg15[%parallel_loop3A_261] : memref<8192xf32, #tpu.memory_space<vmem>>[vector<16xi32>], vector<16xf32>,
            %parallel_loop3A_263 = arith.constant 16 : i32
            %parallel_loop3A_264 = arith.muli %parallel_loop3A_211, %parallel_loop3A_263 : i32
            %parallel_loop3A_265 = arith.constant 4 : i32
            %parallel_loop3A_266 = arith.index_cast %parallel_loop3A_265 : i32 to index
            %parallel_loop3A_267 = arith.index_cast %parallel_loop3A_264 : i32 to index
            %parallel_loop3A_268 = tpu.vector_load %arg18[%parallel_loop3A_266, %parallel_loop3A_267] {strides = array<i32>} : memref<8x128xf32, #tpu.memory_space<vmem>>, vector<16xf32>,
            tpu.vector_store %arg18[%parallel_loop3A_266, %parallel_loop3A_267], %parallel_loop3A_262 {strides = array<i32>} : memref<8x128xf32, #tpu.memory_space<vmem>>, vector<16xf32>,
            %parallel_loop3A_269 = arith.constant 5120 : i32
            %parallel_loop3A_270 = vector.broadcast %parallel_loop3A_269 : i32 to vector<16xi32>
            %parallel_loop3A_271 = arith.addi %parallel_loop3A_218, %parallel_loop3A_270 : vector<16xi32>
            %parallel_loop3A_272 = tpu.vector_load_idx %arg15[%parallel_loop3A_271] : memref<8192xf32, #tpu.memory_space<vmem>>[vector<16xi32>], vector<16xf32>,
            %parallel_loop3A_273 = arith.constant 16 : i32
            %parallel_loop3A_274 = arith.muli %parallel_loop3A_211, %parallel_loop3A_273 : i32
            %parallel_loop3A_275 = arith.constant 5 : i32
            %parallel_loop3A_276 = arith.index_cast %parallel_loop3A_275 : i32 to index
            %parallel_loop3A_277 = arith.index_cast %parallel_loop3A_274 : i32 to index
            %parallel_loop3A_278 = tpu.vector_load %arg18[%parallel_loop3A_276, %parallel_loop3A_277] {strides = array<i32>} : memref<8x128xf32, #tpu.memory_space<vmem>>, vector<16xf32>,
            tpu.vector_store %arg18[%parallel_loop3A_276, %parallel_loop3A_277], %parallel_loop3A_272 {strides = array<i32>} : memref<8x128xf32, #tpu.memory_space<vmem>>, vector<16xf32>,
            %parallel_loop3A_279 = arith.constant 6144 : i32
            %parallel_loop3A_280 = vector.broadcast %parallel_loop3A_279 : i32 to vector<16xi32>
            %parallel_loop3A_281 = arith.addi %parallel_loop3A_218, %parallel_loop3A_280 : vector<16xi32>
            %parallel_loop3A_282 = tpu.vector_load_idx %arg15[%parallel_loop3A_281] : memref<8192xf32, #tpu.memory_space<vmem>>[vector<16xi32>], vector<16xf32>,
            %parallel_loop3A_283 = arith.constant 16 : i32
            %parallel_loop3A_284 = arith.muli %parallel_loop3A_211, %parallel_loop3A_283 : i32
            %parallel_loop3A_285 = arith.constant 6 : i32
            %parallel_loop3A_286 = arith.index_cast %parallel_loop3A_285 : i32 to index
            %parallel_loop3A_287 = arith.index_cast %parallel_loop3A_284 : i32 to index
            %parallel_loop3A_288 = tpu.vector_load %arg18[%parallel_loop3A_286, %parallel_loop3A_287] {strides = array<i32>} : memref<8x128xf32, #tpu.memory_space<vmem>>, vector<16xf32>,
            tpu.vector_store %arg18[%parallel_loop3A_286, %parallel_loop3A_287], %parallel_loop3A_282 {strides = array<i32>} : memref<8x128xf32, #tpu.memory_space<vmem>>, vector<16xf32>,
            %parallel_loop3A_289 = arith.constant 7168 : i32
            %parallel_loop3A_290 = vector.broadcast %parallel_loop3A_289 : i32 to vector<16xi32>
            %parallel_loop3A_291 = arith.addi %parallel_loop3A_218, %parallel_loop3A_290 : vector<16xi32>
            %parallel_loop3A_292 = tpu.vector_load_idx %arg15[%parallel_loop3A_291] : memref<8192xf32, #tpu.memory_space<vmem>>[vector<16xi32>], vector<16xf32>,
            %parallel_loop3A_293 = arith.constant 16 : i32
            %parallel_loop3A_294 = arith.muli %parallel_loop3A_211, %parallel_loop3A_293 : i32
            %parallel_loop3A_295 = arith.constant 7 : i32
            %parallel_loop3A_296 = arith.index_cast %parallel_loop3A_295 : i32 to index
            %parallel_loop3A_297 = arith.index_cast %parallel_loop3A_294 : i32 to index
            %parallel_loop3A_298 = tpu.vector_load %arg18[%parallel_loop3A_296, %parallel_loop3A_297] {strides = array<i32>} : memref<8x128xf32, #tpu.memory_space<vmem>>, vector<16xf32>,
            tpu.vector_store %arg18[%parallel_loop3A_296, %parallel_loop3A_297], %parallel_loop3A_292 {strides = array<i32>} : memref<8x128xf32, #tpu.memory_space<vmem>>, vector<16xf32>,
          } {sc.loop_unroll_factor = 8 : i64, sc.parallel_access}
          %mul3A_155 = arith.constant 8 : i32
          %mul3A_156 = arith.muli %mul3A_94, %mul3A_155 : i32
          %multiple_of3A_157 = tpu.assume_multiple %mul3A_156, 8 : i32
          %mul3A_158 = arith.constant 128 : i32
          %mul3A_159 = arith.muli %add3A_144, %mul3A_158 : i32
          %add3A_160 = arith.addi %mul3A_30, %mul3A_159 : i32
          %multiple_of3A_161 = tpu.assume_multiple %add3A_160, 128 : i32
          %dma_start3A_162 = tpu.memref_slice %arg7[%multiple_of3A_157, %multiple_of3A_161] : memref<1000x51200xf32, #tpu.memory_space<hbm>> -> memref<8x128xf32, #tpu.memory_space<hbm>>
          %dma_start3A_163 = tpu.memref_slice %arg7[%multiple_of3A_157, %multiple_of3A_161] : memref<1000x51200xf32, #tpu.memory_space<hbm>> -> memref<8x128xf32, #tpu.memory_space<hbm>>
          tpu.enqueue_dma source(%arg18 : memref<8x128xf32, #tpu.memory_space<vmem>>) target(%dma_start3A_163 : memref<8x128xf32, #tpu.memory_space<hbm>>) target_semaphore(%arg26 : memref<!tpu.dma_semaphore, #tpu.memory_space<semaphore_mem>>)
          %mul3A_164 = arith.constant 4 : i32
          %mul3A_165 = arith.muli %scan3A_118, %mul3A_164 : i32
          %add3A_166 = arith.constant 2 : i32
          %add3A_167 = arith.addi %mul3A_165, %add3A_166 : i32
          %mul3A_168 = arith.muli %mul3A_94, %select_n3A : i32
          %add3A_169 = arith.addi %mul3A_168, %add3A_167 : i32
          %ge3A_170 = arith.constant 4 : i32
          %ge3A_171 = arith.cmpi sge, %add3A_169, %ge3A_170 : i32
          %convert_element_type3A_172 = arith.extui %ge3A_171 : i1 to i32
          %cond3A_173 = arith.constant 0 : i32
          %cond3A_174 = arith.cmpi ne, %convert_element_type3A_172, %cond3A_173 : i32
          scf.if %cond3A_174 {
            %mul3A_211 = arith.constant 8 : i32
            %mul3A_212 = arith.muli %mul3A_94, %mul3A_211 : i32
            %multiple_of3A_213 = tpu.assume_multiple %mul3A_212, 8 : i32
            %mul3A_214 = arith.constant 128 : i32
            %mul3A_215 = arith.muli %add3A_167, %mul3A_214 : i32
            %add3A_216 = arith.addi %mul3A_30, %mul3A_215 : i32
            %multiple_of3A_217 = tpu.assume_multiple %add3A_216, 128 : i32
            %dma_wait3A_218 = tpu.memref_slice %arg7[%multiple_of3A_213, %multiple_of3A_217] : memref<1000x51200xf32, #tpu.memory_space<hbm>> -> memref<8x128xf32, #tpu.memory_space<hbm>>
            %dma_wait3A_219 = tpu.memref_slice %arg7[%multiple_of3A_213, %multiple_of3A_217] : memref<1000x51200xf32, #tpu.memory_space<hbm>> -> memref<8x128xf32, #tpu.memory_space<hbm>>
            tpu.wait_dma2 semaphore(%arg27 : memref<!tpu.dma_semaphore, #tpu.memory_space<semaphore_mem>>) src(%arg19 : memref<8x128xf32, #tpu.memory_space<vmem>>) dst(%dma_wait3A_219 : memref<8x128xf32, #tpu.memory_space<hbm>>)
          } else {
          }
          %parallel_loop3A_175 = arith.constant 0 : i32
          %parallel_loop3A_176 = arith.constant 8 : i32
          %parallel_loop3A_177 = arith.constant 1 : i32
          scf.for %parallel_loop3A_211 = %parallel_loop3A_175 to %parallel_loop3A_176 step %parallel_loop3A_177  : i32 {
            %parallel_loop3A_212 = arith.constant 128 : i32
            %parallel_loop3A_213 = arith.muli %add3A_167, %parallel_loop3A_212 : i32
            %parallel_loop3A_214 = arith.constant 16 : i32
            %parallel_loop3A_215 = arith.muli %parallel_loop3A_211, %parallel_loop3A_214 : i32
            %parallel_loop3A_216 = arith.addi %parallel_loop3A_213, %parallel_loop3A_215 : i32
            %parallel_loop3A_217 = arith.index_cast %parallel_loop3A_216 : i32 to index
            %parallel_loop3A_218 = tpu.vector_load %arg9[%parallel_loop3A_217] {strides = array<i32>} : memref<1664xi32, #tpu.memory_space<vmem>>, vector<16xi32>,
            %parallel_loop3A_219 = arith.constant 0 : i32
            %parallel_loop3A_220 = vector.broadcast %parallel_loop3A_219 : i32 to vector<16xi32>
            %parallel_loop3A_221 = arith.addi %parallel_loop3A_218, %parallel_loop3A_220 : vector<16xi32>
            %parallel_loop3A_222 = tpu.vector_load_idx %arg15[%parallel_loop3A_221] : memref<8192xf32, #tpu.memory_space<vmem>>[vector<16xi32>], vector<16xf32>,
            %parallel_loop3A_223 = arith.constant 16 : i32
            %parallel_loop3A_224 = arith.muli %parallel_loop3A_211, %parallel_loop3A_223 : i32
            %parallel_loop3A_225 = arith.constant 0 : i32
            %parallel_loop3A_226 = arith.index_cast %parallel_loop3A_225 : i32 to index
            %parallel_loop3A_227 = arith.index_cast %parallel_loop3A_224 : i32 to index
            %parallel_loop3A_228 = tpu.vector_load %arg19[%parallel_loop3A_226, %parallel_loop3A_227] {strides = array<i32>} : memref<8x128xf32, #tpu.memory_space<vmem>>, vector<16xf32>,
            tpu.vector_store %arg19[%parallel_loop3A_226, %parallel_loop3A_227], %parallel_loop3A_222 {strides = array<i32>} : memref<8x128xf32, #tpu.memory_space<vmem>>, vector<16xf32>,
            %parallel_loop3A_229 = arith.constant 1024 : i32
            %parallel_loop3A_230 = vector.broadcast %parallel_loop3A_229 : i32 to vector<16xi32>
            %parallel_loop3A_231 = arith.addi %parallel_loop3A_218, %parallel_loop3A_230 : vector<16xi32>
            %parallel_loop3A_232 = tpu.vector_load_idx %arg15[%parallel_loop3A_231] : memref<8192xf32, #tpu.memory_space<vmem>>[vector<16xi32>], vector<16xf32>,
            %parallel_loop3A_233 = arith.constant 16 : i32
            %parallel_loop3A_234 = arith.muli %parallel_loop3A_211, %parallel_loop3A_233 : i32
            %parallel_loop3A_235 = arith.constant 1 : i32
            %parallel_loop3A_236 = arith.index_cast %parallel_loop3A_235 : i32 to index
            %parallel_loop3A_237 = arith.index_cast %parallel_loop3A_234 : i32 to index
            %parallel_loop3A_238 = tpu.vector_load %arg19[%parallel_loop3A_236, %parallel_loop3A_237] {strides = array<i32>} : memref<8x128xf32, #tpu.memory_space<vmem>>, vector<16xf32>,
            tpu.vector_store %arg19[%parallel_loop3A_236, %parallel_loop3A_237], %parallel_loop3A_232 {strides = array<i32>} : memref<8x128xf32, #tpu.memory_space<vmem>>, vector<16xf32>,
            %parallel_loop3A_239 = arith.constant 2048 : i32
            %parallel_loop3A_240 = vector.broadcast %parallel_loop3A_239 : i32 to vector<16xi32>
            %parallel_loop3A_241 = arith.addi %parallel_loop3A_218, %parallel_loop3A_240 : vector<16xi32>
            %parallel_loop3A_242 = tpu.vector_load_idx %arg15[%parallel_loop3A_241] : memref<8192xf32, #tpu.memory_space<vmem>>[vector<16xi32>], vector<16xf32>,
            %parallel_loop3A_243 = arith.constant 16 : i32
            %parallel_loop3A_244 = arith.muli %parallel_loop3A_211, %parallel_loop3A_243 : i32
            %parallel_loop3A_245 = arith.constant 2 : i32
            %parallel_loop3A_246 = arith.index_cast %parallel_loop3A_245 : i32 to index
            %parallel_loop3A_247 = arith.index_cast %parallel_loop3A_244 : i32 to index
            %parallel_loop3A_248 = tpu.vector_load %arg19[%parallel_loop3A_246, %parallel_loop3A_247] {strides = array<i32>} : memref<8x128xf32, #tpu.memory_space<vmem>>, vector<16xf32>,
            tpu.vector_store %arg19[%parallel_loop3A_246, %parallel_loop3A_247], %parallel_loop3A_242 {strides = array<i32>} : memref<8x128xf32, #tpu.memory_space<vmem>>, vector<16xf32>,
            %parallel_loop3A_249 = arith.constant 3072 : i32
            %parallel_loop3A_250 = vector.broadcast %parallel_loop3A_249 : i32 to vector<16xi32>
            %parallel_loop3A_251 = arith.addi %parallel_loop3A_218, %parallel_loop3A_250 : vector<16xi32>
            %parallel_loop3A_252 = tpu.vector_load_idx %arg15[%parallel_loop3A_251] : memref<8192xf32, #tpu.memory_space<vmem>>[vector<16xi32>], vector<16xf32>,
            %parallel_loop3A_253 = arith.constant 16 : i32
            %parallel_loop3A_254 = arith.muli %parallel_loop3A_211, %parallel_loop3A_253 : i32
            %parallel_loop3A_255 = arith.constant 3 : i32
            %parallel_loop3A_256 = arith.index_cast %parallel_loop3A_255 : i32 to index
            %parallel_loop3A_257 = arith.index_cast %parallel_loop3A_254 : i32 to index
            %parallel_loop3A_258 = tpu.vector_load %arg19[%parallel_loop3A_256, %parallel_loop3A_257] {strides = array<i32>} : memref<8x128xf32, #tpu.memory_space<vmem>>, vector<16xf32>,
            tpu.vector_store %arg19[%parallel_loop3A_256, %parallel_loop3A_257], %parallel_loop3A_252 {strides = array<i32>} : memref<8x128xf32, #tpu.memory_space<vmem>>, vector<16xf32>,
            %parallel_loop3A_259 = arith.constant 4096 : i32
            %parallel_loop3A_260 = vector.broadcast %parallel_loop3A_259 : i32 to vector<16xi32>
            %parallel_loop3A_261 = arith.addi %parallel_loop3A_218, %parallel_loop3A_260 : vector<16xi32>
            %parallel_loop3A_262 = tpu.vector_load_idx %arg15[%parallel_loop3A_261] : memref<8192xf32, #tpu.memory_space<vmem>>[vector<16xi32>], vector<16xf32>,
            %parallel_loop3A_263 = arith.constant 16 : i32
            %parallel_loop3A_264 = arith.muli %parallel_loop3A_211, %parallel_loop3A_263 : i32
            %parallel_loop3A_265 = arith.constant 4 : i32
            %parallel_loop3A_266 = arith.index_cast %parallel_loop3A_265 : i32 to index
            %parallel_loop3A_267 = arith.index_cast %parallel_loop3A_264 : i32 to index
            %parallel_loop3A_268 = tpu.vector_load %arg19[%parallel_loop3A_266, %parallel_loop3A_267] {strides = array<i32>} : memref<8x128xf32, #tpu.memory_space<vmem>>, vector<16xf32>,
            tpu.vector_store %arg19[%parallel_loop3A_266, %parallel_loop3A_267], %parallel_loop3A_262 {strides = array<i32>} : memref<8x128xf32, #tpu.memory_space<vmem>>, vector<16xf32>,
            %parallel_loop3A_269 = arith.constant 5120 : i32
            %parallel_loop3A_270 = vector.broadcast %parallel_loop3A_269 : i32 to vector<16xi32>
            %parallel_loop3A_271 = arith.addi %parallel_loop3A_218, %parallel_loop3A_270 : vector<16xi32>
            %parallel_loop3A_272 = tpu.vector_load_idx %arg15[%parallel_loop3A_271] : memref<8192xf32, #tpu.memory_space<vmem>>[vector<16xi32>], vector<16xf32>,
            %parallel_loop3A_273 = arith.constant 16 : i32
            %parallel_loop3A_274 = arith.muli %parallel_loop3A_211, %parallel_loop3A_273 : i32
            %parallel_loop3A_275 = arith.constant 5 : i32
            %parallel_loop3A_276 = arith.index_cast %parallel_loop3A_275 : i32 to index
            %parallel_loop3A_277 = arith.index_cast %parallel_loop3A_274 : i32 to index
            %parallel_loop3A_278 = tpu.vector_load %arg19[%parallel_loop3A_276, %parallel_loop3A_277] {strides = array<i32>} : memref<8x128xf32, #tpu.memory_space<vmem>>, vector<16xf32>,
            tpu.vector_store %arg19[%parallel_loop3A_276, %parallel_loop3A_277], %parallel_loop3A_272 {strides = array<i32>} : memref<8x128xf32, #tpu.memory_space<vmem>>, vector<16xf32>,
            %parallel_loop3A_279 = arith.constant 6144 : i32
            %parallel_loop3A_280 = vector.broadcast %parallel_loop3A_279 : i32 to vector<16xi32>
            %parallel_loop3A_281 = arith.addi %parallel_loop3A_218, %parallel_loop3A_280 : vector<16xi32>
            %parallel_loop3A_282 = tpu.vector_load_idx %arg15[%parallel_loop3A_281] : memref<8192xf32, #tpu.memory_space<vmem>>[vector<16xi32>], vector<16xf32>,
            %parallel_loop3A_283 = arith.constant 16 : i32
            %parallel_loop3A_284 = arith.muli %parallel_loop3A_211, %parallel_loop3A_283 : i32
            %parallel_loop3A_285 = arith.constant 6 : i32
            %parallel_loop3A_286 = arith.index_cast %parallel_loop3A_285 : i32 to index
            %parallel_loop3A_287 = arith.index_cast %parallel_loop3A_284 : i32 to index
            %parallel_loop3A_288 = tpu.vector_load %arg19[%parallel_loop3A_286, %parallel_loop3A_287] {strides = array<i32>} : memref<8x128xf32, #tpu.memory_space<vmem>>, vector<16xf32>,
            tpu.vector_store %arg19[%parallel_loop3A_286, %parallel_loop3A_287], %parallel_loop3A_282 {strides = array<i32>} : memref<8x128xf32, #tpu.memory_space<vmem>>, vector<16xf32>,
            %parallel_loop3A_289 = arith.constant 7168 : i32
            %parallel_loop3A_290 = vector.broadcast %parallel_loop3A_289 : i32 to vector<16xi32>
            %parallel_loop3A_291 = arith.addi %parallel_loop3A_218, %parallel_loop3A_290 : vector<16xi32>
            %parallel_loop3A_292 = tpu.vector_load_idx %arg15[%parallel_loop3A_291] : memref<8192xf32, #tpu.memory_space<vmem>>[vector<16xi32>], vector<16xf32>,
            %parallel_loop3A_293 = arith.constant 16 : i32
            %parallel_loop3A_294 = arith.muli %parallel_loop3A_211, %parallel_loop3A_293 : i32
            %parallel_loop3A_295 = arith.constant 7 : i32
            %parallel_loop3A_296 = arith.index_cast %parallel_loop3A_295 : i32 to index
            %parallel_loop3A_297 = arith.index_cast %parallel_loop3A_294 : i32 to index
            %parallel_loop3A_298 = tpu.vector_load %arg19[%parallel_loop3A_296, %parallel_loop3A_297] {strides = array<i32>} : memref<8x128xf32, #tpu.memory_space<vmem>>, vector<16xf32>,
            tpu.vector_store %arg19[%parallel_loop3A_296, %parallel_loop3A_297], %parallel_loop3A_292 {strides = array<i32>} : memref<8x128xf32, #tpu.memory_space<vmem>>, vector<16xf32>,
          } {sc.loop_unroll_factor = 8 : i64, sc.parallel_access}
          %mul3A_178 = arith.constant 8 : i32
          %mul3A_179 = arith.muli %mul3A_94, %mul3A_178 : i32
          %multiple_of3A_180 = tpu.assume_multiple %mul3A_179, 8 : i32
          %mul3A_181 = arith.constant 128 : i32
          %mul3A_182 = arith.muli %add3A_167, %mul3A_181 : i32
          %add3A_183 = arith.addi %mul3A_30, %mul3A_182 : i32
          %multiple_of3A_184 = tpu.assume_multiple %add3A_183, 128 : i32
          %dma_start3A_185 = tpu.memref_slice %arg7[%multiple_of3A_180, %multiple_of3A_184] : memref<1000x51200xf32, #tpu.memory_space<hbm>> -> memref<8x128xf32, #tpu.memory_space<hbm>>
          %dma_start3A_186 = tpu.memref_slice %arg7[%multiple_of3A_180, %multiple_of3A_184] : memref<1000x51200xf32, #tpu.memory_space<hbm>> -> memref<8x128xf32, #tpu.memory_space<hbm>>
          tpu.enqueue_dma source(%arg19 : memref<8x128xf32, #tpu.memory_space<vmem>>) target(%dma_start3A_186 : memref<8x128xf32, #tpu.memory_space<hbm>>) target_semaphore(%arg27 : memref<!tpu.dma_semaphore, #tpu.memory_space<semaphore_mem>>)
          %mul3A_187 = arith.constant 4 : i32
          %mul3A_188 = arith.muli %scan3A_118, %mul3A_187 : i32
          %add3A_189 = arith.constant 3 : i32
          %add3A_190 = arith.addi %mul3A_188, %add3A_189 : i32
          %mul3A_191 = arith.muli %mul3A_94, %select_n3A : i32
          %add3A_192 = arith.addi %mul3A_191, %add3A_190 : i32
          %ge3A_193 = arith.constant 4 : i32
          %ge3A_194 = arith.cmpi sge, %add3A_192, %ge3A_193 : i32
          %convert_element_type3A_195 = arith.extui %ge3A_194 : i1 to i32
          %cond3A_196 = arith.constant 0 : i32
          %cond3A_197 = arith.cmpi ne, %convert_element_type3A_195, %cond3A_196 : i32
          scf.if %cond3A_197 {
            %mul3A_211 = arith.constant 8 : i32
            %mul3A_212 = arith.muli %mul3A_94, %mul3A_211 : i32
            %multiple_of3A_213 = tpu.assume_multiple %mul3A_212, 8 : i32
            %mul3A_214 = arith.constant 128 : i32
            %mul3A_215 = arith.muli %add3A_190, %mul3A_214 : i32
            %add3A_216 = arith.addi %mul3A_30, %mul3A_215 : i32
            %multiple_of3A_217 = tpu.assume_multiple %add3A_216, 128 : i32
            %dma_wait3A_218 = tpu.memref_slice %arg7[%multiple_of3A_213, %multiple_of3A_217] : memref<1000x51200xf32, #tpu.memory_space<hbm>> -> memref<8x128xf32, #tpu.memory_space<hbm>>
            %dma_wait3A_219 = tpu.memref_slice %arg7[%multiple_of3A_213, %multiple_of3A_217] : memref<1000x51200xf32, #tpu.memory_space<hbm>> -> memref<8x128xf32, #tpu.memory_space<hbm>>
            tpu.wait_dma2 semaphore(%arg28 : memref<!tpu.dma_semaphore, #tpu.memory_space<semaphore_mem>>) src(%arg20 : memref<8x128xf32, #tpu.memory_space<vmem>>) dst(%dma_wait3A_219 : memref<8x128xf32, #tpu.memory_space<hbm>>)
          } else {
          }
          %parallel_loop3A_198 = arith.constant 0 : i32
          %parallel_loop3A_199 = arith.constant 8 : i32
          %parallel_loop3A_200 = arith.constant 1 : i32
          scf.for %parallel_loop3A_211 = %parallel_loop3A_198 to %parallel_loop3A_199 step %parallel_loop3A_200  : i32 {
            %parallel_loop3A_212 = arith.constant 128 : i32
            %parallel_loop3A_213 = arith.muli %add3A_190, %parallel_loop3A_212 : i32
            %parallel_loop3A_214 = arith.constant 16 : i32
            %parallel_loop3A_215 = arith.muli %parallel_loop3A_211, %parallel_loop3A_214 : i32
            %parallel_loop3A_216 = arith.addi %parallel_loop3A_213, %parallel_loop3A_215 : i32
            %parallel_loop3A_217 = arith.index_cast %parallel_loop3A_216 : i32 to index
            %parallel_loop3A_218 = tpu.vector_load %arg9[%parallel_loop3A_217] {strides = array<i32>} : memref<1664xi32, #tpu.memory_space<vmem>>, vector<16xi32>,
            %parallel_loop3A_219 = arith.constant 0 : i32
            %parallel_loop3A_220 = vector.broadcast %parallel_loop3A_219 : i32 to vector<16xi32>
            %parallel_loop3A_221 = arith.addi %parallel_loop3A_218, %parallel_loop3A_220 : vector<16xi32>
            %parallel_loop3A_222 = tpu.vector_load_idx %arg15[%parallel_loop3A_221] : memref<8192xf32, #tpu.memory_space<vmem>>[vector<16xi32>], vector<16xf32>,
            %parallel_loop3A_223 = arith.constant 16 : i32
            %parallel_loop3A_224 = arith.muli %parallel_loop3A_211, %parallel_loop3A_223 : i32
            %parallel_loop3A_225 = arith.constant 0 : i32
            %parallel_loop3A_226 = arith.index_cast %parallel_loop3A_225 : i32 to index
            %parallel_loop3A_227 = arith.index_cast %parallel_loop3A_224 : i32 to index
            %parallel_loop3A_228 = tpu.vector_load %arg20[%parallel_loop3A_226, %parallel_loop3A_227] {strides = array<i32>} : memref<8x128xf32, #tpu.memory_space<vmem>>, vector<16xf32>,
            tpu.vector_store %arg20[%parallel_loop3A_226, %parallel_loop3A_227], %parallel_loop3A_222 {strides = array<i32>} : memref<8x128xf32, #tpu.memory_space<vmem>>, vector<16xf32>,
            %parallel_loop3A_229 = arith.constant 1024 : i32
            %parallel_loop3A_230 = vector.broadcast %parallel_loop3A_229 : i32 to vector<16xi32>
            %parallel_loop3A_231 = arith.addi %parallel_loop3A_218, %parallel_loop3A_230 : vector<16xi32>
            %parallel_loop3A_232 = tpu.vector_load_idx %arg15[%parallel_loop3A_231] : memref<8192xf32, #tpu.memory_space<vmem>>[vector<16xi32>], vector<16xf32>,
            %parallel_loop3A_233 = arith.constant 16 : i32
            %parallel_loop3A_234 = arith.muli %parallel_loop3A_211, %parallel_loop3A_233 : i32
            %parallel_loop3A_235 = arith.constant 1 : i32
            %parallel_loop3A_236 = arith.index_cast %parallel_loop3A_235 : i32 to index
            %parallel_loop3A_237 = arith.index_cast %parallel_loop3A_234 : i32 to index
            %parallel_loop3A_238 = tpu.vector_load %arg20[%parallel_loop3A_236, %parallel_loop3A_237] {strides = array<i32>} : memref<8x128xf32, #tpu.memory_space<vmem>>, vector<16xf32>,
            tpu.vector_store %arg20[%parallel_loop3A_236, %parallel_loop3A_237], %parallel_loop3A_232 {strides = array<i32>} : memref<8x128xf32, #tpu.memory_space<vmem>>, vector<16xf32>,
            %parallel_loop3A_239 = arith.constant 2048 : i32
            %parallel_loop3A_240 = vector.broadcast %parallel_loop3A_239 : i32 to vector<16xi32>
            %parallel_loop3A_241 = arith.addi %parallel_loop3A_218, %parallel_loop3A_240 : vector<16xi32>
            %parallel_loop3A_242 = tpu.vector_load_idx %arg15[%parallel_loop3A_241] : memref<8192xf32, #tpu.memory_space<vmem>>[vector<16xi32>], vector<16xf32>,
            %parallel_loop3A_243 = arith.constant 16 : i32
            %parallel_loop3A_244 = arith.muli %parallel_loop3A_211, %parallel_loop3A_243 : i32
            %parallel_loop3A_245 = arith.constant 2 : i32
            %parallel_loop3A_246 = arith.index_cast %parallel_loop3A_245 : i32 to index
            %parallel_loop3A_247 = arith.index_cast %parallel_loop3A_244 : i32 to index
            %parallel_loop3A_248 = tpu.vector_load %arg20[%parallel_loop3A_246, %parallel_loop3A_247] {strides = array<i32>} : memref<8x128xf32, #tpu.memory_space<vmem>>, vector<16xf32>,
            tpu.vector_store %arg20[%parallel_loop3A_246, %parallel_loop3A_247], %parallel_loop3A_242 {strides = array<i32>} : memref<8x128xf32, #tpu.memory_space<vmem>>, vector<16xf32>,
            %parallel_loop3A_249 = arith.constant 3072 : i32
            %parallel_loop3A_250 = vector.broadcast %parallel_loop3A_249 : i32 to vector<16xi32>
            %parallel_loop3A_251 = arith.addi %parallel_loop3A_218, %parallel_loop3A_250 : vector<16xi32>
            %parallel_loop3A_252 = tpu.vector_load_idx %arg15[%parallel_loop3A_251] : memref<8192xf32, #tpu.memory_space<vmem>>[vector<16xi32>], vector<16xf32>,
            %parallel_loop3A_253 = arith.constant 16 : i32
            %parallel_loop3A_254 = arith.muli %parallel_loop3A_211, %parallel_loop3A_253 : i32
            %parallel_loop3A_255 = arith.constant 3 : i32
            %parallel_loop3A_256 = arith.index_cast %parallel_loop3A_255 : i32 to index
            %parallel_loop3A_257 = arith.index_cast %parallel_loop3A_254 : i32 to index
            %parallel_loop3A_258 = tpu.vector_load %arg20[%parallel_loop3A_256, %parallel_loop3A_257] {strides = array<i32>} : memref<8x128xf32, #tpu.memory_space<vmem>>, vector<16xf32>,
            tpu.vector_store %arg20[%parallel_loop3A_256, %parallel_loop3A_257], %parallel_loop3A_252 {strides = array<i32>} : memref<8x128xf32, #tpu.memory_space<vmem>>, vector<16xf32>,
            %parallel_loop3A_259 = arith.constant 4096 : i32
            %parallel_loop3A_260 = vector.broadcast %parallel_loop3A_259 : i32 to vector<16xi32>
            %parallel_loop3A_261 = arith.addi %parallel_loop3A_218, %parallel_loop3A_260 : vector<16xi32>
            %parallel_loop3A_262 = tpu.vector_load_idx %arg15[%parallel_loop3A_261] : memref<8192xf32, #tpu.memory_space<vmem>>[vector<16xi32>], vector<16xf32>,
            %parallel_loop3A_263 = arith.constant 16 : i32
            %parallel_loop3A_264 = arith.muli %parallel_loop3A_211, %parallel_loop3A_263 : i32
            %parallel_loop3A_265 = arith.constant 4 : i32
            %parallel_loop3A_266 = arith.index_cast %parallel_loop3A_265 : i32 to index
            %parallel_loop3A_267 = arith.index_cast %parallel_loop3A_264 : i32 to index
            %parallel_loop3A_268 = tpu.vector_load %arg20[%parallel_loop3A_266, %parallel_loop3A_267] {strides = array<i32>} : memref<8x128xf32, #tpu.memory_space<vmem>>, vector<16xf32>,
            tpu.vector_store %arg20[%parallel_loop3A_266, %parallel_loop3A_267], %parallel_loop3A_262 {strides = array<i32>} : memref<8x128xf32, #tpu.memory_space<vmem>>, vector<16xf32>,
            %parallel_loop3A_269 = arith.constant 5120 : i32
            %parallel_loop3A_270 = vector.broadcast %parallel_loop3A_269 : i32 to vector<16xi32>
            %parallel_loop3A_271 = arith.addi %parallel_loop3A_218, %parallel_loop3A_270 : vector<16xi32>
            %parallel_loop3A_272 = tpu.vector_load_idx %arg15[%parallel_loop3A_271] : memref<8192xf32, #tpu.memory_space<vmem>>[vector<16xi32>], vector<16xf32>,
            %parallel_loop3A_273 = arith.constant 16 : i32
            %parallel_loop3A_274 = arith.muli %parallel_loop3A_211, %parallel_loop3A_273 : i32
            %parallel_loop3A_275 = arith.constant 5 : i32
            %parallel_loop3A_276 = arith.index_cast %parallel_loop3A_275 : i32 to index
            %parallel_loop3A_277 = arith.index_cast %parallel_loop3A_274 : i32 to index
            %parallel_loop3A_278 = tpu.vector_load %arg20[%parallel_loop3A_276, %parallel_loop3A_277] {strides = array<i32>} : memref<8x128xf32, #tpu.memory_space<vmem>>, vector<16xf32>,
            tpu.vector_store %arg20[%parallel_loop3A_276, %parallel_loop3A_277], %parallel_loop3A_272 {strides = array<i32>} : memref<8x128xf32, #tpu.memory_space<vmem>>, vector<16xf32>,
            %parallel_loop3A_279 = arith.constant 6144 : i32
            %parallel_loop3A_280 = vector.broadcast %parallel_loop3A_279 : i32 to vector<16xi32>
            %parallel_loop3A_281 = arith.addi %parallel_loop3A_218, %parallel_loop3A_280 : vector<16xi32>
            %parallel_loop3A_282 = tpu.vector_load_idx %arg15[%parallel_loop3A_281] : memref<8192xf32, #tpu.memory_space<vmem>>[vector<16xi32>], vector<16xf32>,
            %parallel_loop3A_283 = arith.constant 16 : i32
            %parallel_loop3A_284 = arith.muli %parallel_loop3A_211, %parallel_loop3A_283 : i32
            %parallel_loop3A_285 = arith.constant 6 : i32
            %parallel_loop3A_286 = arith.index_cast %parallel_loop3A_285 : i32 to index
            %parallel_loop3A_287 = arith.index_cast %parallel_loop3A_284 : i32 to index
            %parallel_loop3A_288 = tpu.vector_load %arg20[%parallel_loop3A_286, %parallel_loop3A_287] {strides = array<i32>} : memref<8x128xf32, #tpu.memory_space<vmem>>, vector<16xf32>,
            tpu.vector_store %arg20[%parallel_loop3A_286, %parallel_loop3A_287], %parallel_loop3A_282 {strides = array<i32>} : memref<8x128xf32, #tpu.memory_space<vmem>>, vector<16xf32>,
            %parallel_loop3A_289 = arith.constant 7168 : i32
            %parallel_loop3A_290 = vector.broadcast %parallel_loop3A_289 : i32 to vector<16xi32>
            %parallel_loop3A_291 = arith.addi %parallel_loop3A_218, %parallel_loop3A_290 : vector<16xi32>
            %parallel_loop3A_292 = tpu.vector_load_idx %arg15[%parallel_loop3A_291] : memref<8192xf32, #tpu.memory_space<vmem>>[vector<16xi32>], vector<16xf32>,
            %parallel_loop3A_293 = arith.constant 16 : i32
            %parallel_loop3A_294 = arith.muli %parallel_loop3A_211, %parallel_loop3A_293 : i32
            %parallel_loop3A_295 = arith.constant 7 : i32
            %parallel_loop3A_296 = arith.index_cast %parallel_loop3A_295 : i32 to index
            %parallel_loop3A_297 = arith.index_cast %parallel_loop3A_294 : i32 to index
            %parallel_loop3A_298 = tpu.vector_load %arg20[%parallel_loop3A_296, %parallel_loop3A_297] {strides = array<i32>} : memref<8x128xf32, #tpu.memory_space<vmem>>, vector<16xf32>,
            tpu.vector_store %arg20[%parallel_loop3A_296, %parallel_loop3A_297], %parallel_loop3A_292 {strides = array<i32>} : memref<8x128xf32, #tpu.memory_space<vmem>>, vector<16xf32>,
          } {sc.loop_unroll_factor = 8 : i64, sc.parallel_access}
          %mul3A_201 = arith.constant 8 : i32
          %mul3A_202 = arith.muli %mul3A_94, %mul3A_201 : i32
          %multiple_of3A_203 = tpu.assume_multiple %mul3A_202, 8 : i32
          %mul3A_204 = arith.constant 128 : i32
          %mul3A_205 = arith.muli %add3A_190, %mul3A_204 : i32
          %add3A_206 = arith.addi %mul3A_30, %mul3A_205 : i32
          %multiple_of3A_207 = tpu.assume_multiple %add3A_206, 128 : i32
          %dma_start3A_208 = tpu.memref_slice %arg7[%multiple_of3A_203, %multiple_of3A_207] : memref<1000x51200xf32, #tpu.memory_space<hbm>> -> memref<8x128xf32, #tpu.memory_space<hbm>>
          %dma_start3A_209 = tpu.memref_slice %arg7[%multiple_of3A_203, %multiple_of3A_207] : memref<1000x51200xf32, #tpu.memory_space<hbm>> -> memref<8x128xf32, #tpu.memory_space<hbm>>
          tpu.enqueue_dma source(%arg20 : memref<8x128xf32, #tpu.memory_space<vmem>>) target(%dma_start3A_209 : memref<8x128xf32, #tpu.memory_space<hbm>>) target_semaphore(%arg28 : memref<!tpu.dma_semaphore, #tpu.memory_space<semaphore_mem>>)
          %scan3A_210 = arith.constant 0 : i32
          scf.yield %scan3A_210 : i32
        }
        %scan3A_112 = arith.constant 3 : i32
        %eq3A_113 = arith.constant 13 : i32
        %eq3A_114 = arith.cmpi eq, %select_n3A, %eq3A_113 : i32
        %convert_element_type3A_115 = arith.extui %eq3A_114 : i1 to i32
        %cond3A_116 = arith.constant 0 : i32
        %cond3A_117 = arith.cmpi ne, %convert_element_type3A_115, %cond3A_116 : i32
        scf.if %cond3A_117 {
          %mul3A_118 = arith.muli %mul3A_94, %select_n3A : i32
          %add3A_119 = arith.constant 12 : i32
          %add3A_120 = arith.addi %mul3A_118, %add3A_119 : i32
          %ge3A = arith.constant 4 : i32
          %ge3A_121 = arith.cmpi sge, %add3A_120, %ge3A : i32
          %convert_element_type3A_122 = arith.extui %ge3A_121 : i1 to i32
          %cond3A_123 = arith.constant 0 : i32
          %cond3A_124 = arith.cmpi ne, %convert_element_type3A_122, %cond3A_123 : i32
          scf.if %cond3A_124 {
            %mul3A_135 = arith.constant 8 : i32
            %mul3A_136 = arith.muli %mul3A_94, %mul3A_135 : i32
            %multiple_of3A_137 = tpu.assume_multiple %mul3A_136, 8 : i32
            %add3A_138 = arith.constant 1536 : i32
            %add3A_139 = arith.addi %mul3A_30, %add3A_138 : i32
            %multiple_of3A_140 = tpu.assume_multiple %add3A_139, 128 : i32
            %dma_wait3A_141 = tpu.memref_slice %arg7[%multiple_of3A_137, %multiple_of3A_140] : memref<1000x51200xf32, #tpu.memory_space<hbm>> -> memref<8x128xf32, #tpu.memory_space<hbm>>
            %dma_wait3A_142 = tpu.memref_slice %arg7[%multiple_of3A_137, %multiple_of3A_140] : memref<1000x51200xf32, #tpu.memory_space<hbm>> -> memref<8x128xf32, #tpu.memory_space<hbm>>
            tpu.wait_dma2 semaphore(%arg25 : memref<!tpu.dma_semaphore, #tpu.memory_space<semaphore_mem>>) src(%arg17 : memref<8x128xf32, #tpu.memory_space<vmem>>) dst(%dma_wait3A_142 : memref<8x128xf32, #tpu.memory_space<hbm>>)
          } else {
          }
          %parallel_loop3A = arith.constant 0 : i32
          %parallel_loop3A_125 = arith.constant 8 : i32
          %parallel_loop3A_126 = arith.constant 1 : i32
          scf.for %parallel_loop3A_135 = %parallel_loop3A to %parallel_loop3A_125 step %parallel_loop3A_126  : i32 {
            %parallel_loop3A_136 = arith.constant 16 : i32
            %parallel_loop3A_137 = arith.muli %parallel_loop3A_135, %parallel_loop3A_136 : i32
            %parallel_loop3A_138 = arith.constant 1536 : i32
            %parallel_loop3A_139 = arith.addi %parallel_loop3A_138, %parallel_loop3A_137 : i32
            %parallel_loop3A_140 = arith.index_cast %parallel_loop3A_139 : i32 to index
            %parallel_loop3A_141 = tpu.vector_load %arg9[%parallel_loop3A_140] {strides = array<i32>} : memref<1664xi32, #tpu.memory_space<vmem>>, vector<16xi32>,
            %parallel_loop3A_142 = arith.constant 0 : i32
            %parallel_loop3A_143 = vector.broadcast %parallel_loop3A_142 : i32 to vector<16xi32>
            %parallel_loop3A_144 = arith.addi %parallel_loop3A_141, %parallel_loop3A_143 : vector<16xi32>
            %parallel_loop3A_145 = tpu.vector_load_idx %arg15[%parallel_loop3A_144] : memref<8192xf32, #tpu.memory_space<vmem>>[vector<16xi32>], vector<16xf32>,
            %parallel_loop3A_146 = arith.constant 16 : i32
            %parallel_loop3A_147 = arith.muli %parallel_loop3A_135, %parallel_loop3A_146 : i32
            %parallel_loop3A_148 = arith.constant 0 : i32
            %parallel_loop3A_149 = arith.index_cast %parallel_loop3A_148 : i32 to index
            %parallel_loop3A_150 = arith.index_cast %parallel_loop3A_147 : i32 to index
            %parallel_loop3A_151 = tpu.vector_load %arg17[%parallel_loop3A_149, %parallel_loop3A_150] {strides = array<i32>} : memref<8x128xf32, #tpu.memory_space<vmem>>, vector<16xf32>,
            tpu.vector_store %arg17[%parallel_loop3A_149, %parallel_loop3A_150], %parallel_loop3A_145 {strides = array<i32>} : memref<8x128xf32, #tpu.memory_space<vmem>>, vector<16xf32>,
            %parallel_loop3A_152 = arith.constant 1024 : i32
            %parallel_loop3A_153 = vector.broadcast %parallel_loop3A_152 : i32 to vector<16xi32>
            %parallel_loop3A_154 = arith.addi %parallel_loop3A_141, %parallel_loop3A_153 : vector<16xi32>
            %parallel_loop3A_155 = tpu.vector_load_idx %arg15[%parallel_loop3A_154] : memref<8192xf32, #tpu.memory_space<vmem>>[vector<16xi32>], vector<16xf32>,
            %parallel_loop3A_156 = arith.constant 16 : i32
            %parallel_loop3A_157 = arith.muli %parallel_loop3A_135, %parallel_loop3A_156 : i32
            %parallel_loop3A_158 = arith.constant 1 : i32
            %parallel_loop3A_159 = arith.index_cast %parallel_loop3A_158 : i32 to index
            %parallel_loop3A_160 = arith.index_cast %parallel_loop3A_157 : i32 to index
            %parallel_loop3A_161 = tpu.vector_load %arg17[%parallel_loop3A_159, %parallel_loop3A_160] {strides = array<i32>} : memref<8x128xf32, #tpu.memory_space<vmem>>, vector<16xf32>,
            tpu.vector_store %arg17[%parallel_loop3A_159, %parallel_loop3A_160], %parallel_loop3A_155 {strides = array<i32>} : memref<8x128xf32, #tpu.memory_space<vmem>>, vector<16xf32>,
            %parallel_loop3A_162 = arith.constant 2048 : i32
            %parallel_loop3A_163 = vector.broadcast %parallel_loop3A_162 : i32 to vector<16xi32>
            %parallel_loop3A_164 = arith.addi %parallel_loop3A_141, %parallel_loop3A_163 : vector<16xi32>
            %parallel_loop3A_165 = tpu.vector_load_idx %arg15[%parallel_loop3A_164] : memref<8192xf32, #tpu.memory_space<vmem>>[vector<16xi32>], vector<16xf32>,
            %parallel_loop3A_166 = arith.constant 16 : i32
            %parallel_loop3A_167 = arith.muli %parallel_loop3A_135, %parallel_loop3A_166 : i32
            %parallel_loop3A_168 = arith.constant 2 : i32
            %parallel_loop3A_169 = arith.index_cast %parallel_loop3A_168 : i32 to index
            %parallel_loop3A_170 = arith.index_cast %parallel_loop3A_167 : i32 to index
            %parallel_loop3A_171 = tpu.vector_load %arg17[%parallel_loop3A_169, %parallel_loop3A_170] {strides = array<i32>} : memref<8x128xf32, #tpu.memory_space<vmem>>, vector<16xf32>,
            tpu.vector_store %arg17[%parallel_loop3A_169, %parallel_loop3A_170], %parallel_loop3A_165 {strides = array<i32>} : memref<8x128xf32, #tpu.memory_space<vmem>>, vector<16xf32>,
            %parallel_loop3A_172 = arith.constant 3072 : i32
            %parallel_loop3A_173 = vector.broadcast %parallel_loop3A_172 : i32 to vector<16xi32>
            %parallel_loop3A_174 = arith.addi %parallel_loop3A_141, %parallel_loop3A_173 : vector<16xi32>
            %parallel_loop3A_175 = tpu.vector_load_idx %arg15[%parallel_loop3A_174] : memref<8192xf32, #tpu.memory_space<vmem>>[vector<16xi32>], vector<16xf32>,
            %parallel_loop3A_176 = arith.constant 16 : i32
            %parallel_loop3A_177 = arith.muli %parallel_loop3A_135, %parallel_loop3A_176 : i32
            %parallel_loop3A_178 = arith.constant 3 : i32
            %parallel_loop3A_179 = arith.index_cast %parallel_loop3A_178 : i32 to index
            %parallel_loop3A_180 = arith.index_cast %parallel_loop3A_177 : i32 to index
            %parallel_loop3A_181 = tpu.vector_load %arg17[%parallel_loop3A_179, %parallel_loop3A_180] {strides = array<i32>} : memref<8x128xf32, #tpu.memory_space<vmem>>, vector<16xf32>,
            tpu.vector_store %arg17[%parallel_loop3A_179, %parallel_loop3A_180], %parallel_loop3A_175 {strides = array<i32>} : memref<8x128xf32, #tpu.memory_space<vmem>>, vector<16xf32>,
            %parallel_loop3A_182 = arith.constant 4096 : i32
            %parallel_loop3A_183 = vector.broadcast %parallel_loop3A_182 : i32 to vector<16xi32>
            %parallel_loop3A_184 = arith.addi %parallel_loop3A_141, %parallel_loop3A_183 : vector<16xi32>
            %parallel_loop3A_185 = tpu.vector_load_idx %arg15[%parallel_loop3A_184] : memref<8192xf32, #tpu.memory_space<vmem>>[vector<16xi32>], vector<16xf32>,
            %parallel_loop3A_186 = arith.constant 16 : i32
            %parallel_loop3A_187 = arith.muli %parallel_loop3A_135, %parallel_loop3A_186 : i32
            %parallel_loop3A_188 = arith.constant 4 : i32
            %parallel_loop3A_189 = arith.index_cast %parallel_loop3A_188 : i32 to index
            %parallel_loop3A_190 = arith.index_cast %parallel_loop3A_187 : i32 to index
            %parallel_loop3A_191 = tpu.vector_load %arg17[%parallel_loop3A_189, %parallel_loop3A_190] {strides = array<i32>} : memref<8x128xf32, #tpu.memory_space<vmem>>, vector<16xf32>,
            tpu.vector_store %arg17[%parallel_loop3A_189, %parallel_loop3A_190], %parallel_loop3A_185 {strides = array<i32>} : memref<8x128xf32, #tpu.memory_space<vmem>>, vector<16xf32>,
            %parallel_loop3A_192 = arith.constant 5120 : i32
            %parallel_loop3A_193 = vector.broadcast %parallel_loop3A_192 : i32 to vector<16xi32>
            %parallel_loop3A_194 = arith.addi %parallel_loop3A_141, %parallel_loop3A_193 : vector<16xi32>
            %parallel_loop3A_195 = tpu.vector_load_idx %arg15[%parallel_loop3A_194] : memref<8192xf32, #tpu.memory_space<vmem>>[vector<16xi32>], vector<16xf32>,
            %parallel_loop3A_196 = arith.constant 16 : i32
            %parallel_loop3A_197 = arith.muli %parallel_loop3A_135, %parallel_loop3A_196 : i32
            %parallel_loop3A_198 = arith.constant 5 : i32
            %parallel_loop3A_199 = arith.index_cast %parallel_loop3A_198 : i32 to index
            %parallel_loop3A_200 = arith.index_cast %parallel_loop3A_197 : i32 to index
            %parallel_loop3A_201 = tpu.vector_load %arg17[%parallel_loop3A_199, %parallel_loop3A_200] {strides = array<i32>} : memref<8x128xf32, #tpu.memory_space<vmem>>, vector<16xf32>,
            tpu.vector_store %arg17[%parallel_loop3A_199, %parallel_loop3A_200], %parallel_loop3A_195 {strides = array<i32>} : memref<8x128xf32, #tpu.memory_space<vmem>>, vector<16xf32>,
            %parallel_loop3A_202 = arith.constant 6144 : i32
            %parallel_loop3A_203 = vector.broadcast %parallel_loop3A_202 : i32 to vector<16xi32>
            %parallel_loop3A_204 = arith.addi %parallel_loop3A_141, %parallel_loop3A_203 : vector<16xi32>
            %parallel_loop3A_205 = tpu.vector_load_idx %arg15[%parallel_loop3A_204] : memref<8192xf32, #tpu.memory_space<vmem>>[vector<16xi32>], vector<16xf32>,
            %parallel_loop3A_206 = arith.constant 16 : i32
            %parallel_loop3A_207 = arith.muli %parallel_loop3A_135, %parallel_loop3A_206 : i32
            %parallel_loop3A_208 = arith.constant 6 : i32
            %parallel_loop3A_209 = arith.index_cast %parallel_loop3A_208 : i32 to index
            %parallel_loop3A_210 = arith.index_cast %parallel_loop3A_207 : i32 to index
            %parallel_loop3A_211 = tpu.vector_load %arg17[%parallel_loop3A_209, %parallel_loop3A_210] {strides = array<i32>} : memref<8x128xf32, #tpu.memory_space<vmem>>, vector<16xf32>,
            tpu.vector_store %arg17[%parallel_loop3A_209, %parallel_loop3A_210], %parallel_loop3A_205 {strides = array<i32>} : memref<8x128xf32, #tpu.memory_space<vmem>>, vector<16xf32>,
            %parallel_loop3A_212 = arith.constant 7168 : i32
            %parallel_loop3A_213 = vector.broadcast %parallel_loop3A_212 : i32 to vector<16xi32>
            %parallel_loop3A_214 = arith.addi %parallel_loop3A_141, %parallel_loop3A_213 : vector<16xi32>
            %parallel_loop3A_215 = tpu.vector_load_idx %arg15[%parallel_loop3A_214] : memref<8192xf32, #tpu.memory_space<vmem>>[vector<16xi32>], vector<16xf32>,
            %parallel_loop3A_216 = arith.constant 16 : i32
            %parallel_loop3A_217 = arith.muli %parallel_loop3A_135, %parallel_loop3A_216 : i32
            %parallel_loop3A_218 = arith.constant 7 : i32
            %parallel_loop3A_219 = arith.index_cast %parallel_loop3A_218 : i32 to index
            %parallel_loop3A_220 = arith.index_cast %parallel_loop3A_217 : i32 to index
            %parallel_loop3A_221 = tpu.vector_load %arg17[%parallel_loop3A_219, %parallel_loop3A_220] {strides = array<i32>} : memref<8x128xf32, #tpu.memory_space<vmem>>, vector<16xf32>,
            tpu.vector_store %arg17[%parallel_loop3A_219, %parallel_loop3A_220], %parallel_loop3A_215 {strides = array<i32>} : memref<8x128xf32, #tpu.memory_space<vmem>>, vector<16xf32>,
          } {sc.loop_unroll_factor = 8 : i64, sc.parallel_access}
          %mul3A_127 = arith.constant 8 : i32
          %mul3A_128 = arith.muli %mul3A_94, %mul3A_127 : i32
          %multiple_of3A_129 = tpu.assume_multiple %mul3A_128, 8 : i32
          %add3A_130 = arith.constant 1536 : i32
          %add3A_131 = arith.addi %mul3A_30, %add3A_130 : i32
          %multiple_of3A_132 = tpu.assume_multiple %add3A_131, 128 : i32
          %dma_start3A_133 = tpu.memref_slice %arg7[%multiple_of3A_129, %multiple_of3A_132] : memref<1000x51200xf32, #tpu.memory_space<hbm>> -> memref<8x128xf32, #tpu.memory_space<hbm>>
          %dma_start3A_134 = tpu.memref_slice %arg7[%multiple_of3A_129, %multiple_of3A_132] : memref<1000x51200xf32, #tpu.memory_space<hbm>> -> memref<8x128xf32, #tpu.memory_space<hbm>>
          tpu.enqueue_dma source(%arg17 : memref<8x128xf32, #tpu.memory_space<vmem>>) target(%dma_start3A_134 : memref<8x128xf32, #tpu.memory_space<hbm>>) target_semaphore(%arg25 : memref<!tpu.dma_semaphore, #tpu.memory_space<semaphore_mem>>)
        } else {
        }
      } else {
      }
      %mul3A_83 = arith.constant 2 : i32
      %mul3A_84 = arith.muli %scan3A_74, %mul3A_83 : i32
      %add3A_85 = arith.constant 1 : i32
      %add3A_86 = arith.addi %mul3A_84, %add3A_85 : i32
      %lt3A_87 = arith.constant 125 : i32
      %lt3A_88 = arith.cmpi slt, %add3A_86, %lt3A_87 : i32
      %convert_element_type3A_89 = arith.extui %lt3A_88 : i1 to i32
      %cond3A_90 = arith.constant 0 : i32
      %cond3A_91 = arith.cmpi ne, %convert_element_type3A_89, %cond3A_90 : i32
      scf.if %cond3A_91 {
        %mul3A_93 = arith.constant 2 : i32
        %mul3A_94 = arith.muli %scan3A_74, %mul3A_93 : i32
        %add3A_95 = arith.constant 1 : i32
        %add3A_96 = arith.addi %mul3A_94, %add3A_95 : i32
        %add3A_97 = arith.constant 1 : i32
        %add3A_98 = arith.addi %add3A_96, %add3A_97 : i32
        %lt3A_99 = arith.constant 125 : i32
        %lt3A_100 = arith.cmpi slt, %add3A_98, %lt3A_99 : i32
        %convert_element_type3A_101 = arith.extui %lt3A_100 : i1 to i32
        %cond3A_102 = arith.constant 0 : i32
        %cond3A_103 = arith.cmpi ne, %convert_element_type3A_101, %cond3A_102 : i32
        scf.if %cond3A_103 {
          %add3A_120 = arith.constant 1 : i32
          %add3A_121 = arith.addi %add3A_96, %add3A_120 : i32
          %mul3A_122 = arith.constant 8192 : i32
          %mul3A_123 = arith.muli %add3A_121, %mul3A_122 : i32
          %dma_start3A_124 = tpu.memref_slice %arg22[%mul3A_123] : memref<1024000xf32, #tpu.memory_space<vmem_shared>> -> memref<8192xf32, #tpu.memory_space<vmem_shared>>
          %dma_start3A_125 = tpu.memref_slice %arg22[%mul3A_123] : memref<1024000xf32, #tpu.memory_space<vmem_shared>> -> memref<8192xf32, #tpu.memory_space<vmem_shared>>
          tpu.enqueue_dma source(%dma_start3A_125 : memref<8192xf32, #tpu.memory_space<vmem_shared>>) target(%arg15 : memref<8192xf32, #tpu.memory_space<vmem>>) target_semaphore(%arg23 : memref<!tpu.dma_semaphore, #tpu.memory_space<semaphore_mem>>)
        } else {
        }
        %mul3A_104 = arith.constant 8192 : i32
        %mul3A_105 = arith.muli %add3A_96, %mul3A_104 : i32
        %dma_wait3A_106 = tpu.memref_slice %arg22[%mul3A_105] : memref<1024000xf32, #tpu.memory_space<vmem_shared>> -> memref<8192xf32, #tpu.memory_space<vmem_shared>>
        %dma_wait3A_107 = tpu.memref_slice %arg22[%mul3A_105] : memref<1024000xf32, #tpu.memory_space<vmem_shared>> -> memref<8192xf32, #tpu.memory_space<vmem_shared>>
        tpu.wait_dma2 semaphore(%arg24 : memref<!tpu.dma_semaphore, #tpu.memory_space<semaphore_mem>>) src(%dma_wait3A_107 : memref<8192xf32, #tpu.memory_space<vmem_shared>>) dst(%arg16 : memref<8192xf32, #tpu.memory_space<vmem>>)
        %scan3A_108 = arith.constant 0 : i32
        %scan3A_109 = arith.constant 0 : i32
        %scan3A_110 = arith.constant 3 : i32
        %scan3A_111 = arith.addi %scan3A_109, %scan3A_110 : i32
        %scan3A_112 = arith.constant 1 : i32
        %scan3A_113 = scf.for %scan3A_120 = %scan3A_109 to %scan3A_111 step %scan3A_112 iter_args(%scan3A_121 = %scan3A_108) -> (i32)  : i32 {
          %mul3A_122 = arith.constant 4 : i32
          %mul3A_123 = arith.muli %scan3A_120, %mul3A_122 : i32
          %add3A_124 = arith.constant 0 : i32
          %add3A_125 = arith.addi %mul3A_123, %add3A_124 : i32
          %mul3A_126 = arith.muli %add3A_96, %select_n3A : i32
          %add3A_127 = arith.addi %mul3A_126, %add3A_125 : i32
          %ge3A = arith.constant 4 : i32
          %ge3A_128 = arith.cmpi sge, %add3A_127, %ge3A : i32
          %convert_element_type3A_129 = arith.extui %ge3A_128 : i1 to i32
          %cond3A_130 = arith.constant 0 : i32
          %cond3A_131 = arith.cmpi ne, %convert_element_type3A_129, %cond3A_130 : i32
          scf.if %cond3A_131 {
            %mul3A_213 = arith.constant 8 : i32
            %mul3A_214 = arith.muli %add3A_96, %mul3A_213 : i32
            %multiple_of3A_215 = tpu.assume_multiple %mul3A_214, 8 : i32
            %mul3A_216 = arith.constant 128 : i32
            %mul3A_217 = arith.muli %add3A_125, %mul3A_216 : i32
            %add3A_218 = arith.addi %mul3A_30, %mul3A_217 : i32
            %multiple_of3A_219 = tpu.assume_multiple %add3A_218, 128 : i32
            %dma_wait3A_220 = tpu.memref_slice %arg7[%multiple_of3A_215, %multiple_of3A_219] : memref<1000x51200xf32, #tpu.memory_space<hbm>> -> memref<8x128xf32, #tpu.memory_space<hbm>>
            %dma_wait3A_221 = tpu.memref_slice %arg7[%multiple_of3A_215, %multiple_of3A_219] : memref<1000x51200xf32, #tpu.memory_space<hbm>> -> memref<8x128xf32, #tpu.memory_space<hbm>>
            tpu.wait_dma2 semaphore(%arg25 : memref<!tpu.dma_semaphore, #tpu.memory_space<semaphore_mem>>) src(%arg17 : memref<8x128xf32, #tpu.memory_space<vmem>>) dst(%dma_wait3A_221 : memref<8x128xf32, #tpu.memory_space<hbm>>)
          } else {
          }
          %parallel_loop3A = arith.constant 0 : i32
          %parallel_loop3A_132 = arith.constant 8 : i32
          %parallel_loop3A_133 = arith.constant 1 : i32
          scf.for %parallel_loop3A_213 = %parallel_loop3A to %parallel_loop3A_132 step %parallel_loop3A_133  : i32 {
            %parallel_loop3A_214 = arith.constant 128 : i32
            %parallel_loop3A_215 = arith.muli %add3A_125, %parallel_loop3A_214 : i32
            %parallel_loop3A_216 = arith.constant 16 : i32
            %parallel_loop3A_217 = arith.muli %parallel_loop3A_213, %parallel_loop3A_216 : i32
            %parallel_loop3A_218 = arith.addi %parallel_loop3A_215, %parallel_loop3A_217 : i32
            %parallel_loop3A_219 = arith.index_cast %parallel_loop3A_218 : i32 to index
            %parallel_loop3A_220 = tpu.vector_load %arg9[%parallel_loop3A_219] {strides = array<i32>} : memref<1664xi32, #tpu.memory_space<vmem>>, vector<16xi32>,
            %parallel_loop3A_221 = arith.constant 0 : i32
            %parallel_loop3A_222 = vector.broadcast %parallel_loop3A_221 : i32 to vector<16xi32>
            %parallel_loop3A_223 = arith.addi %parallel_loop3A_220, %parallel_loop3A_222 : vector<16xi32>
            %parallel_loop3A_224 = tpu.vector_load_idx %arg16[%parallel_loop3A_223] : memref<8192xf32, #tpu.memory_space<vmem>>[vector<16xi32>], vector<16xf32>,
            %parallel_loop3A_225 = arith.constant 16 : i32
            %parallel_loop3A_226 = arith.muli %parallel_loop3A_213, %parallel_loop3A_225 : i32
            %parallel_loop3A_227 = arith.constant 0 : i32
            %parallel_loop3A_228 = arith.index_cast %parallel_loop3A_227 : i32 to index
            %parallel_loop3A_229 = arith.index_cast %parallel_loop3A_226 : i32 to index
            %parallel_loop3A_230 = tpu.vector_load %arg17[%parallel_loop3A_228, %parallel_loop3A_229] {strides = array<i32>} : memref<8x128xf32, #tpu.memory_space<vmem>>, vector<16xf32>,
            tpu.vector_store %arg17[%parallel_loop3A_228, %parallel_loop3A_229], %parallel_loop3A_224 {strides = array<i32>} : memref<8x128xf32, #tpu.memory_space<vmem>>, vector<16xf32>,
            %parallel_loop3A_231 = arith.constant 1024 : i32
            %parallel_loop3A_232 = vector.broadcast %parallel_loop3A_231 : i32 to vector<16xi32>
            %parallel_loop3A_233 = arith.addi %parallel_loop3A_220, %parallel_loop3A_232 : vector<16xi32>
            %parallel_loop3A_234 = tpu.vector_load_idx %arg16[%parallel_loop3A_233] : memref<8192xf32, #tpu.memory_space<vmem>>[vector<16xi32>], vector<16xf32>,
            %parallel_loop3A_235 = arith.constant 16 : i32
            %parallel_loop3A_236 = arith.muli %parallel_loop3A_213, %parallel_loop3A_235 : i32
            %parallel_loop3A_237 = arith.constant 1 : i32
            %parallel_loop3A_238 = arith.index_cast %parallel_loop3A_237 : i32 to index
            %parallel_loop3A_239 = arith.index_cast %parallel_loop3A_236 : i32 to index
            %parallel_loop3A_240 = tpu.vector_load %arg17[%parallel_loop3A_238, %parallel_loop3A_239] {strides = array<i32>} : memref<8x128xf32, #tpu.memory_space<vmem>>, vector<16xf32>,
            tpu.vector_store %arg17[%parallel_loop3A_238, %parallel_loop3A_239], %parallel_loop3A_234 {strides = array<i32>} : memref<8x128xf32, #tpu.memory_space<vmem>>, vector<16xf32>,
            %parallel_loop3A_241 = arith.constant 2048 : i32
            %parallel_loop3A_242 = vector.broadcast %parallel_loop3A_241 : i32 to vector<16xi32>
            %parallel_loop3A_243 = arith.addi %parallel_loop3A_220, %parallel_loop3A_242 : vector<16xi32>
            %parallel_loop3A_244 = tpu.vector_load_idx %arg16[%parallel_loop3A_243] : memref<8192xf32, #tpu.memory_space<vmem>>[vector<16xi32>], vector<16xf32>,
            %parallel_loop3A_245 = arith.constant 16 : i32
            %parallel_loop3A_246 = arith.muli %parallel_loop3A_213, %parallel_loop3A_245 : i32
            %parallel_loop3A_247 = arith.constant 2 : i32
            %parallel_loop3A_248 = arith.index_cast %parallel_loop3A_247 : i32 to index
            %parallel_loop3A_249 = arith.index_cast %parallel_loop3A_246 : i32 to index
            %parallel_loop3A_250 = tpu.vector_load %arg17[%parallel_loop3A_248, %parallel_loop3A_249] {strides = array<i32>} : memref<8x128xf32, #tpu.memory_space<vmem>>, vector<16xf32>,
            tpu.vector_store %arg17[%parallel_loop3A_248, %parallel_loop3A_249], %parallel_loop3A_244 {strides = array<i32>} : memref<8x128xf32, #tpu.memory_space<vmem>>, vector<16xf32>,
            %parallel_loop3A_251 = arith.constant 3072 : i32
            %parallel_loop3A_252 = vector.broadcast %parallel_loop3A_251 : i32 to vector<16xi32>
            %parallel_loop3A_253 = arith.addi %parallel_loop3A_220, %parallel_loop3A_252 : vector<16xi32>
            %parallel_loop3A_254 = tpu.vector_load_idx %arg16[%parallel_loop3A_253] : memref<8192xf32, #tpu.memory_space<vmem>>[vector<16xi32>], vector<16xf32>,
            %parallel_loop3A_255 = arith.constant 16 : i32
            %parallel_loop3A_256 = arith.muli %parallel_loop3A_213, %parallel_loop3A_255 : i32
            %parallel_loop3A_257 = arith.constant 3 : i32
            %parallel_loop3A_258 = arith.index_cast %parallel_loop3A_257 : i32 to index
            %parallel_loop3A_259 = arith.index_cast %parallel_loop3A_256 : i32 to index
            %parallel_loop3A_260 = tpu.vector_load %arg17[%parallel_loop3A_258, %parallel_loop3A_259] {strides = array<i32>} : memref<8x128xf32, #tpu.memory_space<vmem>>, vector<16xf32>,
            tpu.vector_store %arg17[%parallel_loop3A_258, %parallel_loop3A_259], %parallel_loop3A_254 {strides = array<i32>} : memref<8x128xf32, #tpu.memory_space<vmem>>, vector<16xf32>,
            %parallel_loop3A_261 = arith.constant 4096 : i32
            %parallel_loop3A_262 = vector.broadcast %parallel_loop3A_261 : i32 to vector<16xi32>
            %parallel_loop3A_263 = arith.addi %parallel_loop3A_220, %parallel_loop3A_262 : vector<16xi32>
            %parallel_loop3A_264 = tpu.vector_load_idx %arg16[%parallel_loop3A_263] : memref<8192xf32, #tpu.memory_space<vmem>>[vector<16xi32>], vector<16xf32>,
            %parallel_loop3A_265 = arith.constant 16 : i32
            %parallel_loop3A_266 = arith.muli %parallel_loop3A_213, %parallel_loop3A_265 : i32
            %parallel_loop3A_267 = arith.constant 4 : i32
            %parallel_loop3A_268 = arith.index_cast %parallel_loop3A_267 : i32 to index
            %parallel_loop3A_269 = arith.index_cast %parallel_loop3A_266 : i32 to index
            %parallel_loop3A_270 = tpu.vector_load %arg17[%parallel_loop3A_268, %parallel_loop3A_269] {strides = array<i32>} : memref<8x128xf32, #tpu.memory_space<vmem>>, vector<16xf32>,
            tpu.vector_store %arg17[%parallel_loop3A_268, %parallel_loop3A_269], %parallel_loop3A_264 {strides = array<i32>} : memref<8x128xf32, #tpu.memory_space<vmem>>, vector<16xf32>,
            %parallel_loop3A_271 = arith.constant 5120 : i32
            %parallel_loop3A_272 = vector.broadcast %parallel_loop3A_271 : i32 to vector<16xi32>
            %parallel_loop3A_273 = arith.addi %parallel_loop3A_220, %parallel_loop3A_272 : vector<16xi32>
            %parallel_loop3A_274 = tpu.vector_load_idx %arg16[%parallel_loop3A_273] : memref<8192xf32, #tpu.memory_space<vmem>>[vector<16xi32>], vector<16xf32>,
            %parallel_loop3A_275 = arith.constant 16 : i32
            %parallel_loop3A_276 = arith.muli %parallel_loop3A_213, %parallel_loop3A_275 : i32
            %parallel_loop3A_277 = arith.constant 5 : i32
            %parallel_loop3A_278 = arith.index_cast %parallel_loop3A_277 : i32 to index
            %parallel_loop3A_279 = arith.index_cast %parallel_loop3A_276 : i32 to index
            %parallel_loop3A_280 = tpu.vector_load %arg17[%parallel_loop3A_278, %parallel_loop3A_279] {strides = array<i32>} : memref<8x128xf32, #tpu.memory_space<vmem>>, vector<16xf32>,
            tpu.vector_store %arg17[%parallel_loop3A_278, %parallel_loop3A_279], %parallel_loop3A_274 {strides = array<i32>} : memref<8x128xf32, #tpu.memory_space<vmem>>, vector<16xf32>,
            %parallel_loop3A_281 = arith.constant 6144 : i32
            %parallel_loop3A_282 = vector.broadcast %parallel_loop3A_281 : i32 to vector<16xi32>
            %parallel_loop3A_283 = arith.addi %parallel_loop3A_220, %parallel_loop3A_282 : vector<16xi32>
            %parallel_loop3A_284 = tpu.vector_load_idx %arg16[%parallel_loop3A_283] : memref<8192xf32, #tpu.memory_space<vmem>>[vector<16xi32>], vector<16xf32>,
            %parallel_loop3A_285 = arith.constant 16 : i32
            %parallel_loop3A_286 = arith.muli %parallel_loop3A_213, %parallel_loop3A_285 : i32
            %parallel_loop3A_287 = arith.constant 6 : i32
            %parallel_loop3A_288 = arith.index_cast %parallel_loop3A_287 : i32 to index
            %parallel_loop3A_289 = arith.index_cast %parallel_loop3A_286 : i32 to index
            %parallel_loop3A_290 = tpu.vector_load %arg17[%parallel_loop3A_288, %parallel_loop3A_289] {strides = array<i32>} : memref<8x128xf32, #tpu.memory_space<vmem>>, vector<16xf32>,
            tpu.vector_store %arg17[%parallel_loop3A_288, %parallel_loop3A_289], %parallel_loop3A_284 {strides = array<i32>} : memref<8x128xf32, #tpu.memory_space<vmem>>, vector<16xf32>,
            %parallel_loop3A_291 = arith.constant 7168 : i32
            %parallel_loop3A_292 = vector.broadcast %parallel_loop3A_291 : i32 to vector<16xi32>
            %parallel_loop3A_293 = arith.addi %parallel_loop3A_220, %parallel_loop3A_292 : vector<16xi32>
            %parallel_loop3A_294 = tpu.vector_load_idx %arg16[%parallel_loop3A_293] : memref<8192xf32, #tpu.memory_space<vmem>>[vector<16xi32>], vector<16xf32>,
            %parallel_loop3A_295 = arith.constant 16 : i32
            %parallel_loop3A_296 = arith.muli %parallel_loop3A_213, %parallel_loop3A_295 : i32
            %parallel_loop3A_297 = arith.constant 7 : i32
            %parallel_loop3A_298 = arith.index_cast %parallel_loop3A_297 : i32 to index
            %parallel_loop3A_299 = arith.index_cast %parallel_loop3A_296 : i32 to index
            %parallel_loop3A_300 = tpu.vector_load %arg17[%parallel_loop3A_298, %parallel_loop3A_299] {strides = array<i32>} : memref<8x128xf32, #tpu.memory_space<vmem>>, vector<16xf32>,
            tpu.vector_store %arg17[%parallel_loop3A_298, %parallel_loop3A_299], %parallel_loop3A_294 {strides = array<i32>} : memref<8x128xf32, #tpu.memory_space<vmem>>, vector<16xf32>,
          } {sc.loop_unroll_factor = 8 : i64, sc.parallel_access}
          %mul3A_134 = arith.constant 8 : i32
          %mul3A_135 = arith.muli %add3A_96, %mul3A_134 : i32
          %multiple_of3A_136 = tpu.assume_multiple %mul3A_135, 8 : i32
          %mul3A_137 = arith.constant 128 : i32
          %mul3A_138 = arith.muli %add3A_125, %mul3A_137 : i32
          %add3A_139 = arith.addi %mul3A_30, %mul3A_138 : i32
          %multiple_of3A_140 = tpu.assume_multiple %add3A_139, 128 : i32
          %dma_start3A_141 = tpu.memref_slice %arg7[%multiple_of3A_136, %multiple_of3A_140] : memref<1000x51200xf32, #tpu.memory_space<hbm>> -> memref<8x128xf32, #tpu.memory_space<hbm>>
          %dma_start3A_142 = tpu.memref_slice %arg7[%multiple_of3A_136, %multiple_of3A_140] : memref<1000x51200xf32, #tpu.memory_space<hbm>> -> memref<8x128xf32, #tpu.memory_space<hbm>>
          tpu.enqueue_dma source(%arg17 : memref<8x128xf32, #tpu.memory_space<vmem>>) target(%dma_start3A_142 : memref<8x128xf32, #tpu.memory_space<hbm>>) target_semaphore(%arg25 : memref<!tpu.dma_semaphore, #tpu.memory_space<semaphore_mem>>)
          %mul3A_143 = arith.constant 4 : i32
          %mul3A_144 = arith.muli %scan3A_120, %mul3A_143 : i32
          %add3A_145 = arith.constant 1 : i32
          %add3A_146 = arith.addi %mul3A_144, %add3A_145 : i32
          %mul3A_147 = arith.muli %add3A_96, %select_n3A : i32
          %add3A_148 = arith.addi %mul3A_147, %add3A_146 : i32
          %ge3A_149 = arith.constant 4 : i32
          %ge3A_150 = arith.cmpi sge, %add3A_148, %ge3A_149 : i32
          %convert_element_type3A_151 = arith.extui %ge3A_150 : i1 to i32
          %cond3A_152 = arith.constant 0 : i32
          %cond3A_153 = arith.cmpi ne, %convert_element_type3A_151, %cond3A_152 : i32
          scf.if %cond3A_153 {
            %mul3A_213 = arith.constant 8 : i32
            %mul3A_214 = arith.muli %add3A_96, %mul3A_213 : i32
            %multiple_of3A_215 = tpu.assume_multiple %mul3A_214, 8 : i32
            %mul3A_216 = arith.constant 128 : i32
            %mul3A_217 = arith.muli %add3A_146, %mul3A_216 : i32
            %add3A_218 = arith.addi %mul3A_30, %mul3A_217 : i32
            %multiple_of3A_219 = tpu.assume_multiple %add3A_218, 128 : i32
            %dma_wait3A_220 = tpu.memref_slice %arg7[%multiple_of3A_215, %multiple_of3A_219] : memref<1000x51200xf32, #tpu.memory_space<hbm>> -> memref<8x128xf32, #tpu.memory_space<hbm>>
            %dma_wait3A_221 = tpu.memref_slice %arg7[%multiple_of3A_215, %multiple_of3A_219] : memref<1000x51200xf32, #tpu.memory_space<hbm>> -> memref<8x128xf32, #tpu.memory_space<hbm>>
            tpu.wait_dma2 semaphore(%arg26 : memref<!tpu.dma_semaphore, #tpu.memory_space<semaphore_mem>>) src(%arg18 : memref<8x128xf32, #tpu.memory_space<vmem>>) dst(%dma_wait3A_221 : memref<8x128xf32, #tpu.memory_space<hbm>>)
          } else {
          }
          %parallel_loop3A_154 = arith.constant 0 : i32
          %parallel_loop3A_155 = arith.constant 8 : i32
          %parallel_loop3A_156 = arith.constant 1 : i32
          scf.for %parallel_loop3A_213 = %parallel_loop3A_154 to %parallel_loop3A_155 step %parallel_loop3A_156  : i32 {
            %parallel_loop3A_214 = arith.constant 128 : i32
            %parallel_loop3A_215 = arith.muli %add3A_146, %parallel_loop3A_214 : i32
            %parallel_loop3A_216 = arith.constant 16 : i32
            %parallel_loop3A_217 = arith.muli %parallel_loop3A_213, %parallel_loop3A_216 : i32
            %parallel_loop3A_218 = arith.addi %parallel_loop3A_215, %parallel_loop3A_217 : i32
            %parallel_loop3A_219 = arith.index_cast %parallel_loop3A_218 : i32 to index
            %parallel_loop3A_220 = tpu.vector_load %arg9[%parallel_loop3A_219] {strides = array<i32>} : memref<1664xi32, #tpu.memory_space<vmem>>, vector<16xi32>,
            %parallel_loop3A_221 = arith.constant 0 : i32
            %parallel_loop3A_222 = vector.broadcast %parallel_loop3A_221 : i32 to vector<16xi32>
            %parallel_loop3A_223 = arith.addi %parallel_loop3A_220, %parallel_loop3A_222 : vector<16xi32>
            %parallel_loop3A_224 = tpu.vector_load_idx %arg16[%parallel_loop3A_223] : memref<8192xf32, #tpu.memory_space<vmem>>[vector<16xi32>], vector<16xf32>,
            %parallel_loop3A_225 = arith.constant 16 : i32
            %parallel_loop3A_226 = arith.muli %parallel_loop3A_213, %parallel_loop3A_225 : i32
            %parallel_loop3A_227 = arith.constant 0 : i32
            %parallel_loop3A_228 = arith.index_cast %parallel_loop3A_227 : i32 to index
            %parallel_loop3A_229 = arith.index_cast %parallel_loop3A_226 : i32 to index
            %parallel_loop3A_230 = tpu.vector_load %arg18[%parallel_loop3A_228, %parallel_loop3A_229] {strides = array<i32>} : memref<8x128xf32, #tpu.memory_space<vmem>>, vector<16xf32>,
            tpu.vector_store %arg18[%parallel_loop3A_228, %parallel_loop3A_229], %parallel_loop3A_224 {strides = array<i32>} : memref<8x128xf32, #tpu.memory_space<vmem>>, vector<16xf32>,
            %parallel_loop3A_231 = arith.constant 1024 : i32
            %parallel_loop3A_232 = vector.broadcast %parallel_loop3A_231 : i32 to vector<16xi32>
            %parallel_loop3A_233 = arith.addi %parallel_loop3A_220, %parallel_loop3A_232 : vector<16xi32>
            %parallel_loop3A_234 = tpu.vector_load_idx %arg16[%parallel_loop3A_233] : memref<8192xf32, #tpu.memory_space<vmem>>[vector<16xi32>], vector<16xf32>,
            %parallel_loop3A_235 = arith.constant 16 : i32
            %parallel_loop3A_236 = arith.muli %parallel_loop3A_213, %parallel_loop3A_235 : i32
            %parallel_loop3A_237 = arith.constant 1 : i32
            %parallel_loop3A_238 = arith.index_cast %parallel_loop3A_237 : i32 to index
            %parallel_loop3A_239 = arith.index_cast %parallel_loop3A_236 : i32 to index
            %parallel_loop3A_240 = tpu.vector_load %arg18[%parallel_loop3A_238, %parallel_loop3A_239] {strides = array<i32>} : memref<8x128xf32, #tpu.memory_space<vmem>>, vector<16xf32>,
            tpu.vector_store %arg18[%parallel_loop3A_238, %parallel_loop3A_239], %parallel_loop3A_234 {strides = array<i32>} : memref<8x128xf32, #tpu.memory_space<vmem>>, vector<16xf32>,
            %parallel_loop3A_241 = arith.constant 2048 : i32
            %parallel_loop3A_242 = vector.broadcast %parallel_loop3A_241 : i32 to vector<16xi32>
            %parallel_loop3A_243 = arith.addi %parallel_loop3A_220, %parallel_loop3A_242 : vector<16xi32>
            %parallel_loop3A_244 = tpu.vector_load_idx %arg16[%parallel_loop3A_243] : memref<8192xf32, #tpu.memory_space<vmem>>[vector<16xi32>], vector<16xf32>,
            %parallel_loop3A_245 = arith.constant 16 : i32
            %parallel_loop3A_246 = arith.muli %parallel_loop3A_213, %parallel_loop3A_245 : i32
            %parallel_loop3A_247 = arith.constant 2 : i32
            %parallel_loop3A_248 = arith.index_cast %parallel_loop3A_247 : i32 to index
            %parallel_loop3A_249 = arith.index_cast %parallel_loop3A_246 : i32 to index
            %parallel_loop3A_250 = tpu.vector_load %arg18[%parallel_loop3A_248, %parallel_loop3A_249] {strides = array<i32>} : memref<8x128xf32, #tpu.memory_space<vmem>>, vector<16xf32>,
            tpu.vector_store %arg18[%parallel_loop3A_248, %parallel_loop3A_249], %parallel_loop3A_244 {strides = array<i32>} : memref<8x128xf32, #tpu.memory_space<vmem>>, vector<16xf32>,
            %parallel_loop3A_251 = arith.constant 3072 : i32
            %parallel_loop3A_252 = vector.broadcast %parallel_loop3A_251 : i32 to vector<16xi32>
            %parallel_loop3A_253 = arith.addi %parallel_loop3A_220, %parallel_loop3A_252 : vector<16xi32>
            %parallel_loop3A_254 = tpu.vector_load_idx %arg16[%parallel_loop3A_253] : memref<8192xf32, #tpu.memory_space<vmem>>[vector<16xi32>], vector<16xf32>,
            %parallel_loop3A_255 = arith.constant 16 : i32
            %parallel_loop3A_256 = arith.muli %parallel_loop3A_213, %parallel_loop3A_255 : i32
            %parallel_loop3A_257 = arith.constant 3 : i32
            %parallel_loop3A_258 = arith.index_cast %parallel_loop3A_257 : i32 to index
            %parallel_loop3A_259 = arith.index_cast %parallel_loop3A_256 : i32 to index
            %parallel_loop3A_260 = tpu.vector_load %arg18[%parallel_loop3A_258, %parallel_loop3A_259] {strides = array<i32>} : memref<8x128xf32, #tpu.memory_space<vmem>>, vector<16xf32>,
            tpu.vector_store %arg18[%parallel_loop3A_258, %parallel_loop3A_259], %parallel_loop3A_254 {strides = array<i32>} : memref<8x128xf32, #tpu.memory_space<vmem>>, vector<16xf32>,
            %parallel_loop3A_261 = arith.constant 4096 : i32
            %parallel_loop3A_262 = vector.broadcast %parallel_loop3A_261 : i32 to vector<16xi32>
            %parallel_loop3A_263 = arith.addi %parallel_loop3A_220, %parallel_loop3A_262 : vector<16xi32>
            %parallel_loop3A_264 = tpu.vector_load_idx %arg16[%parallel_loop3A_263] : memref<8192xf32, #tpu.memory_space<vmem>>[vector<16xi32>], vector<16xf32>,
            %parallel_loop3A_265 = arith.constant 16 : i32
            %parallel_loop3A_266 = arith.muli %parallel_loop3A_213, %parallel_loop3A_265 : i32
            %parallel_loop3A_267 = arith.constant 4 : i32
            %parallel_loop3A_268 = arith.index_cast %parallel_loop3A_267 : i32 to index
            %parallel_loop3A_269 = arith.index_cast %parallel_loop3A_266 : i32 to index
            %parallel_loop3A_270 = tpu.vector_load %arg18[%parallel_loop3A_268, %parallel_loop3A_269] {strides = array<i32>} : memref<8x128xf32, #tpu.memory_space<vmem>>, vector<16xf32>,
            tpu.vector_store %arg18[%parallel_loop3A_268, %parallel_loop3A_269], %parallel_loop3A_264 {strides = array<i32>} : memref<8x128xf32, #tpu.memory_space<vmem>>, vector<16xf32>,
            %parallel_loop3A_271 = arith.constant 5120 : i32
            %parallel_loop3A_272 = vector.broadcast %parallel_loop3A_271 : i32 to vector<16xi32>
            %parallel_loop3A_273 = arith.addi %parallel_loop3A_220, %parallel_loop3A_272 : vector<16xi32>
            %parallel_loop3A_274 = tpu.vector_load_idx %arg16[%parallel_loop3A_273] : memref<8192xf32, #tpu.memory_space<vmem>>[vector<16xi32>], vector<16xf32>,
            %parallel_loop3A_275 = arith.constant 16 : i32
            %parallel_loop3A_276 = arith.muli %parallel_loop3A_213, %parallel_loop3A_275 : i32
            %parallel_loop3A_277 = arith.constant 5 : i32
            %parallel_loop3A_278 = arith.index_cast %parallel_loop3A_277 : i32 to index
            %parallel_loop3A_279 = arith.index_cast %parallel_loop3A_276 : i32 to index
            %parallel_loop3A_280 = tpu.vector_load %arg18[%parallel_loop3A_278, %parallel_loop3A_279] {strides = array<i32>} : memref<8x128xf32, #tpu.memory_space<vmem>>, vector<16xf32>,
            tpu.vector_store %arg18[%parallel_loop3A_278, %parallel_loop3A_279], %parallel_loop3A_274 {strides = array<i32>} : memref<8x128xf32, #tpu.memory_space<vmem>>, vector<16xf32>,
            %parallel_loop3A_281 = arith.constant 6144 : i32
            %parallel_loop3A_282 = vector.broadcast %parallel_loop3A_281 : i32 to vector<16xi32>
            %parallel_loop3A_283 = arith.addi %parallel_loop3A_220, %parallel_loop3A_282 : vector<16xi32>
            %parallel_loop3A_284 = tpu.vector_load_idx %arg16[%parallel_loop3A_283] : memref<8192xf32, #tpu.memory_space<vmem>>[vector<16xi32>], vector<16xf32>,
            %parallel_loop3A_285 = arith.constant 16 : i32
            %parallel_loop3A_286 = arith.muli %parallel_loop3A_213, %parallel_loop3A_285 : i32
            %parallel_loop3A_287 = arith.constant 6 : i32
            %parallel_loop3A_288 = arith.index_cast %parallel_loop3A_287 : i32 to index
            %parallel_loop3A_289 = arith.index_cast %parallel_loop3A_286 : i32 to index
            %parallel_loop3A_290 = tpu.vector_load %arg18[%parallel_loop3A_288, %parallel_loop3A_289] {strides = array<i32>} : memref<8x128xf32, #tpu.memory_space<vmem>>, vector<16xf32>,
            tpu.vector_store %arg18[%parallel_loop3A_288, %parallel_loop3A_289], %parallel_loop3A_284 {strides = array<i32>} : memref<8x128xf32, #tpu.memory_space<vmem>>, vector<16xf32>,
            %parallel_loop3A_291 = arith.constant 7168 : i32
            %parallel_loop3A_292 = vector.broadcast %parallel_loop3A_291 : i32 to vector<16xi32>
            %parallel_loop3A_293 = arith.addi %parallel_loop3A_220, %parallel_loop3A_292 : vector<16xi32>
            %parallel_loop3A_294 = tpu.vector_load_idx %arg16[%parallel_loop3A_293] : memref<8192xf32, #tpu.memory_space<vmem>>[vector<16xi32>], vector<16xf32>,
            %parallel_loop3A_295 = arith.constant 16 : i32
            %parallel_loop3A_296 = arith.muli %parallel_loop3A_213, %parallel_loop3A_295 : i32
            %parallel_loop3A_297 = arith.constant 7 : i32
            %parallel_loop3A_298 = arith.index_cast %parallel_loop3A_297 : i32 to index
            %parallel_loop3A_299 = arith.index_cast %parallel_loop3A_296 : i32 to index
            %parallel_loop3A_300 = tpu.vector_load %arg18[%parallel_loop3A_298, %parallel_loop3A_299] {strides = array<i32>} : memref<8x128xf32, #tpu.memory_space<vmem>>, vector<16xf32>,
            tpu.vector_store %arg18[%parallel_loop3A_298, %parallel_loop3A_299], %parallel_loop3A_294 {strides = array<i32>} : memref<8x128xf32, #tpu.memory_space<vmem>>, vector<16xf32>,
          } {sc.loop_unroll_factor = 8 : i64, sc.parallel_access}
          %mul3A_157 = arith.constant 8 : i32
          %mul3A_158 = arith.muli %add3A_96, %mul3A_157 : i32
          %multiple_of3A_159 = tpu.assume_multiple %mul3A_158, 8 : i32
          %mul3A_160 = arith.constant 128 : i32
          %mul3A_161 = arith.muli %add3A_146, %mul3A_160 : i32
          %add3A_162 = arith.addi %mul3A_30, %mul3A_161 : i32
          %multiple_of3A_163 = tpu.assume_multiple %add3A_162, 128 : i32
          %dma_start3A_164 = tpu.memref_slice %arg7[%multiple_of3A_159, %multiple_of3A_163] : memref<1000x51200xf32, #tpu.memory_space<hbm>> -> memref<8x128xf32, #tpu.memory_space<hbm>>
          %dma_start3A_165 = tpu.memref_slice %arg7[%multiple_of3A_159, %multiple_of3A_163] : memref<1000x51200xf32, #tpu.memory_space<hbm>> -> memref<8x128xf32, #tpu.memory_space<hbm>>
          tpu.enqueue_dma source(%arg18 : memref<8x128xf32, #tpu.memory_space<vmem>>) target(%dma_start3A_165 : memref<8x128xf32, #tpu.memory_space<hbm>>) target_semaphore(%arg26 : memref<!tpu.dma_semaphore, #tpu.memory_space<semaphore_mem>>)
          %mul3A_166 = arith.constant 4 : i32
          %mul3A_167 = arith.muli %scan3A_120, %mul3A_166 : i32
          %add3A_168 = arith.constant 2 : i32
          %add3A_169 = arith.addi %mul3A_167, %add3A_168 : i32
          %mul3A_170 = arith.muli %add3A_96, %select_n3A : i32
          %add3A_171 = arith.addi %mul3A_170, %add3A_169 : i32
          %ge3A_172 = arith.constant 4 : i32
          %ge3A_173 = arith.cmpi sge, %add3A_171, %ge3A_172 : i32
          %convert_element_type3A_174 = arith.extui %ge3A_173 : i1 to i32
          %cond3A_175 = arith.constant 0 : i32
          %cond3A_176 = arith.cmpi ne, %convert_element_type3A_174, %cond3A_175 : i32
          scf.if %cond3A_176 {
            %mul3A_213 = arith.constant 8 : i32
            %mul3A_214 = arith.muli %add3A_96, %mul3A_213 : i32
            %multiple_of3A_215 = tpu.assume_multiple %mul3A_214, 8 : i32
            %mul3A_216 = arith.constant 128 : i32
            %mul3A_217 = arith.muli %add3A_169, %mul3A_216 : i32
            %add3A_218 = arith.addi %mul3A_30, %mul3A_217 : i32
            %multiple_of3A_219 = tpu.assume_multiple %add3A_218, 128 : i32
            %dma_wait3A_220 = tpu.memref_slice %arg7[%multiple_of3A_215, %multiple_of3A_219] : memref<1000x51200xf32, #tpu.memory_space<hbm>> -> memref<8x128xf32, #tpu.memory_space<hbm>>
            %dma_wait3A_221 = tpu.memref_slice %arg7[%multiple_of3A_215, %multiple_of3A_219] : memref<1000x51200xf32, #tpu.memory_space<hbm>> -> memref<8x128xf32, #tpu.memory_space<hbm>>
            tpu.wait_dma2 semaphore(%arg27 : memref<!tpu.dma_semaphore, #tpu.memory_space<semaphore_mem>>) src(%arg19 : memref<8x128xf32, #tpu.memory_space<vmem>>) dst(%dma_wait3A_221 : memref<8x128xf32, #tpu.memory_space<hbm>>)
          } else {
          }
          %parallel_loop3A_177 = arith.constant 0 : i32
          %parallel_loop3A_178 = arith.constant 8 : i32
          %parallel_loop3A_179 = arith.constant 1 : i32
          scf.for %parallel_loop3A_213 = %parallel_loop3A_177 to %parallel_loop3A_178 step %parallel_loop3A_179  : i32 {
            %parallel_loop3A_214 = arith.constant 128 : i32
            %parallel_loop3A_215 = arith.muli %add3A_169, %parallel_loop3A_214 : i32
            %parallel_loop3A_216 = arith.constant 16 : i32
            %parallel_loop3A_217 = arith.muli %parallel_loop3A_213, %parallel_loop3A_216 : i32
            %parallel_loop3A_218 = arith.addi %parallel_loop3A_215, %parallel_loop3A_217 : i32
            %parallel_loop3A_219 = arith.index_cast %parallel_loop3A_218 : i32 to index
            %parallel_loop3A_220 = tpu.vector_load %arg9[%parallel_loop3A_219] {strides = array<i32>} : memref<1664xi32, #tpu.memory_space<vmem>>, vector<16xi32>,
            %parallel_loop3A_221 = arith.constant 0 : i32
            %parallel_loop3A_222 = vector.broadcast %parallel_loop3A_221 : i32 to vector<16xi32>
            %parallel_loop3A_223 = arith.addi %parallel_loop3A_220, %parallel_loop3A_222 : vector<16xi32>
            %parallel_loop3A_224 = tpu.vector_load_idx %arg16[%parallel_loop3A_223] : memref<8192xf32, #tpu.memory_space<vmem>>[vector<16xi32>], vector<16xf32>,
            %parallel_loop3A_225 = arith.constant 16 : i32
            %parallel_loop3A_226 = arith.muli %parallel_loop3A_213, %parallel_loop3A_225 : i32
            %parallel_loop3A_227 = arith.constant 0 : i32
            %parallel_loop3A_228 = arith.index_cast %parallel_loop3A_227 : i32 to index
            %parallel_loop3A_229 = arith.index_cast %parallel_loop3A_226 : i32 to index
            %parallel_loop3A_230 = tpu.vector_load %arg19[%parallel_loop3A_228, %parallel_loop3A_229] {strides = array<i32>} : memref<8x128xf32, #tpu.memory_space<vmem>>, vector<16xf32>,
            tpu.vector_store %arg19[%parallel_loop3A_228, %parallel_loop3A_229], %parallel_loop3A_224 {strides = array<i32>} : memref<8x128xf32, #tpu.memory_space<vmem>>, vector<16xf32>,
            %parallel_loop3A_231 = arith.constant 1024 : i32
            %parallel_loop3A_232 = vector.broadcast %parallel_loop3A_231 : i32 to vector<16xi32>
            %parallel_loop3A_233 = arith.addi %parallel_loop3A_220, %parallel_loop3A_232 : vector<16xi32>
            %parallel_loop3A_234 = tpu.vector_load_idx %arg16[%parallel_loop3A_233] : memref<8192xf32, #tpu.memory_space<vmem>>[vector<16xi32>], vector<16xf32>,
            %parallel_loop3A_235 = arith.constant 16 : i32
            %parallel_loop3A_236 = arith.muli %parallel_loop3A_213, %parallel_loop3A_235 : i32
            %parallel_loop3A_237 = arith.constant 1 : i32
            %parallel_loop3A_238 = arith.index_cast %parallel_loop3A_237 : i32 to index
            %parallel_loop3A_239 = arith.index_cast %parallel_loop3A_236 : i32 to index
            %parallel_loop3A_240 = tpu.vector_load %arg19[%parallel_loop3A_238, %parallel_loop3A_239] {strides = array<i32>} : memref<8x128xf32, #tpu.memory_space<vmem>>, vector<16xf32>,
            tpu.vector_store %arg19[%parallel_loop3A_238, %parallel_loop3A_239], %parallel_loop3A_234 {strides = array<i32>} : memref<8x128xf32, #tpu.memory_space<vmem>>, vector<16xf32>,
            %parallel_loop3A_241 = arith.constant 2048 : i32
            %parallel_loop3A_242 = vector.broadcast %parallel_loop3A_241 : i32 to vector<16xi32>
            %parallel_loop3A_243 = arith.addi %parallel_loop3A_220, %parallel_loop3A_242 : vector<16xi32>
            %parallel_loop3A_244 = tpu.vector_load_idx %arg16[%parallel_loop3A_243] : memref<8192xf32, #tpu.memory_space<vmem>>[vector<16xi32>], vector<16xf32>,
            %parallel_loop3A_245 = arith.constant 16 : i32
            %parallel_loop3A_246 = arith.muli %parallel_loop3A_213, %parallel_loop3A_245 : i32
            %parallel_loop3A_247 = arith.constant 2 : i32
            %parallel_loop3A_248 = arith.index_cast %parallel_loop3A_247 : i32 to index
            %parallel_loop3A_249 = arith.index_cast %parallel_loop3A_246 : i32 to index
            %parallel_loop3A_250 = tpu.vector_load %arg19[%parallel_loop3A_248, %parallel_loop3A_249] {strides = array<i32>} : memref<8x128xf32, #tpu.memory_space<vmem>>, vector<16xf32>,
            tpu.vector_store %arg19[%parallel_loop3A_248, %parallel_loop3A_249], %parallel_loop3A_244 {strides = array<i32>} : memref<8x128xf32, #tpu.memory_space<vmem>>, vector<16xf32>,
            %parallel_loop3A_251 = arith.constant 3072 : i32
            %parallel_loop3A_252 = vector.broadcast %parallel_loop3A_251 : i32 to vector<16xi32>
            %parallel_loop3A_253 = arith.addi %parallel_loop3A_220, %parallel_loop3A_252 : vector<16xi32>
            %parallel_loop3A_254 = tpu.vector_load_idx %arg16[%parallel_loop3A_253] : memref<8192xf32, #tpu.memory_space<vmem>>[vector<16xi32>], vector<16xf32>,
            %parallel_loop3A_255 = arith.constant 16 : i32
            %parallel_loop3A_256 = arith.muli %parallel_loop3A_213, %parallel_loop3A_255 : i32
            %parallel_loop3A_257 = arith.constant 3 : i32
            %parallel_loop3A_258 = arith.index_cast %parallel_loop3A_257 : i32 to index
            %parallel_loop3A_259 = arith.index_cast %parallel_loop3A_256 : i32 to index
            %parallel_loop3A_260 = tpu.vector_load %arg19[%parallel_loop3A_258, %parallel_loop3A_259] {strides = array<i32>} : memref<8x128xf32, #tpu.memory_space<vmem>>, vector<16xf32>,
            tpu.vector_store %arg19[%parallel_loop3A_258, %parallel_loop3A_259], %parallel_loop3A_254 {strides = array<i32>} : memref<8x128xf32, #tpu.memory_space<vmem>>, vector<16xf32>,
            %parallel_loop3A_261 = arith.constant 4096 : i32
            %parallel_loop3A_262 = vector.broadcast %parallel_loop3A_261 : i32 to vector<16xi32>
            %parallel_loop3A_263 = arith.addi %parallel_loop3A_220, %parallel_loop3A_262 : vector<16xi32>
            %parallel_loop3A_264 = tpu.vector_load_idx %arg16[%parallel_loop3A_263] : memref<8192xf32, #tpu.memory_space<vmem>>[vector<16xi32>], vector<16xf32>,
            %parallel_loop3A_265 = arith.constant 16 : i32
            %parallel_loop3A_266 = arith.muli %parallel_loop3A_213, %parallel_loop3A_265 : i32
            %parallel_loop3A_267 = arith.constant 4 : i32
            %parallel_loop3A_268 = arith.index_cast %parallel_loop3A_267 : i32 to index
            %parallel_loop3A_269 = arith.index_cast %parallel_loop3A_266 : i32 to index
            %parallel_loop3A_270 = tpu.vector_load %arg19[%parallel_loop3A_268, %parallel_loop3A_269] {strides = array<i32>} : memref<8x128xf32, #tpu.memory_space<vmem>>, vector<16xf32>,
            tpu.vector_store %arg19[%parallel_loop3A_268, %parallel_loop3A_269], %parallel_loop3A_264 {strides = array<i32>} : memref<8x128xf32, #tpu.memory_space<vmem>>, vector<16xf32>,
            %parallel_loop3A_271 = arith.constant 5120 : i32
            %parallel_loop3A_272 = vector.broadcast %parallel_loop3A_271 : i32 to vector<16xi32>
            %parallel_loop3A_273 = arith.addi %parallel_loop3A_220, %parallel_loop3A_272 : vector<16xi32>
            %parallel_loop3A_274 = tpu.vector_load_idx %arg16[%parallel_loop3A_273] : memref<8192xf32, #tpu.memory_space<vmem>>[vector<16xi32>], vector<16xf32>,
            %parallel_loop3A_275 = arith.constant 16 : i32
            %parallel_loop3A_276 = arith.muli %parallel_loop3A_213, %parallel_loop3A_275 : i32
            %parallel_loop3A_277 = arith.constant 5 : i32
            %parallel_loop3A_278 = arith.index_cast %parallel_loop3A_277 : i32 to index
            %parallel_loop3A_279 = arith.index_cast %parallel_loop3A_276 : i32 to index
            %parallel_loop3A_280 = tpu.vector_load %arg19[%parallel_loop3A_278, %parallel_loop3A_279] {strides = array<i32>} : memref<8x128xf32, #tpu.memory_space<vmem>>, vector<16xf32>,
            tpu.vector_store %arg19[%parallel_loop3A_278, %parallel_loop3A_279], %parallel_loop3A_274 {strides = array<i32>} : memref<8x128xf32, #tpu.memory_space<vmem>>, vector<16xf32>,
            %parallel_loop3A_281 = arith.constant 6144 : i32
            %parallel_loop3A_282 = vector.broadcast %parallel_loop3A_281 : i32 to vector<16xi32>
            %parallel_loop3A_283 = arith.addi %parallel_loop3A_220, %parallel_loop3A_282 : vector<16xi32>
            %parallel_loop3A_284 = tpu.vector_load_idx %arg16[%parallel_loop3A_283] : memref<8192xf32, #tpu.memory_space<vmem>>[vector<16xi32>], vector<16xf32>,
            %parallel_loop3A_285 = arith.constant 16 : i32
            %parallel_loop3A_286 = arith.muli %parallel_loop3A_213, %parallel_loop3A_285 : i32
            %parallel_loop3A_287 = arith.constant 6 : i32
            %parallel_loop3A_288 = arith.index_cast %parallel_loop3A_287 : i32 to index
            %parallel_loop3A_289 = arith.index_cast %parallel_loop3A_286 : i32 to index
            %parallel_loop3A_290 = tpu.vector_load %arg19[%parallel_loop3A_288, %parallel_loop3A_289] {strides = array<i32>} : memref<8x128xf32, #tpu.memory_space<vmem>>, vector<16xf32>,
            tpu.vector_store %arg19[%parallel_loop3A_288, %parallel_loop3A_289], %parallel_loop3A_284 {strides = array<i32>} : memref<8x128xf32, #tpu.memory_space<vmem>>, vector<16xf32>,
            %parallel_loop3A_291 = arith.constant 7168 : i32
            %parallel_loop3A_292 = vector.broadcast %parallel_loop3A_291 : i32 to vector<16xi32>
            %parallel_loop3A_293 = arith.addi %parallel_loop3A_220, %parallel_loop3A_292 : vector<16xi32>
            %parallel_loop3A_294 = tpu.vector_load_idx %arg16[%parallel_loop3A_293] : memref<8192xf32, #tpu.memory_space<vmem>>[vector<16xi32>], vector<16xf32>,
            %parallel_loop3A_295 = arith.constant 16 : i32
            %parallel_loop3A_296 = arith.muli %parallel_loop3A_213, %parallel_loop3A_295 : i32
            %parallel_loop3A_297 = arith.constant 7 : i32
            %parallel_loop3A_298 = arith.index_cast %parallel_loop3A_297 : i32 to index
            %parallel_loop3A_299 = arith.index_cast %parallel_loop3A_296 : i32 to index
            %parallel_loop3A_300 = tpu.vector_load %arg19[%parallel_loop3A_298, %parallel_loop3A_299] {strides = array<i32>} : memref<8x128xf32, #tpu.memory_space<vmem>>, vector<16xf32>,
            tpu.vector_store %arg19[%parallel_loop3A_298, %parallel_loop3A_299], %parallel_loop3A_294 {strides = array<i32>} : memref<8x128xf32, #tpu.memory_space<vmem>>, vector<16xf32>,
          } {sc.loop_unroll_factor = 8 : i64, sc.parallel_access}
          %mul3A_180 = arith.constant 8 : i32
          %mul3A_181 = arith.muli %add3A_96, %mul3A_180 : i32
          %multiple_of3A_182 = tpu.assume_multiple %mul3A_181, 8 : i32
          %mul3A_183 = arith.constant 128 : i32
          %mul3A_184 = arith.muli %add3A_169, %mul3A_183 : i32
          %add3A_185 = arith.addi %mul3A_30, %mul3A_184 : i32
          %multiple_of3A_186 = tpu.assume_multiple %add3A_185, 128 : i32
          %dma_start3A_187 = tpu.memref_slice %arg7[%multiple_of3A_182, %multiple_of3A_186] : memref<1000x51200xf32, #tpu.memory_space<hbm>> -> memref<8x128xf32, #tpu.memory_space<hbm>>
          %dma_start3A_188 = tpu.memref_slice %arg7[%multiple_of3A_182, %multiple_of3A_186] : memref<1000x51200xf32, #tpu.memory_space<hbm>> -> memref<8x128xf32, #tpu.memory_space<hbm>>
          tpu.enqueue_dma source(%arg19 : memref<8x128xf32, #tpu.memory_space<vmem>>) target(%dma_start3A_188 : memref<8x128xf32, #tpu.memory_space<hbm>>) target_semaphore(%arg27 : memref<!tpu.dma_semaphore, #tpu.memory_space<semaphore_mem>>)
          %mul3A_189 = arith.constant 4 : i32
          %mul3A_190 = arith.muli %scan3A_120, %mul3A_189 : i32
          %add3A_191 = arith.constant 3 : i32
          %add3A_192 = arith.addi %mul3A_190, %add3A_191 : i32
          %mul3A_193 = arith.muli %add3A_96, %select_n3A : i32
          %add3A_194 = arith.addi %mul3A_193, %add3A_192 : i32
          %ge3A_195 = arith.constant 4 : i32
          %ge3A_196 = arith.cmpi sge, %add3A_194, %ge3A_195 : i32
          %convert_element_type3A_197 = arith.extui %ge3A_196 : i1 to i32
          %cond3A_198 = arith.constant 0 : i32
          %cond3A_199 = arith.cmpi ne, %convert_element_type3A_197, %cond3A_198 : i32
          scf.if %cond3A_199 {
            %mul3A_213 = arith.constant 8 : i32
            %mul3A_214 = arith.muli %add3A_96, %mul3A_213 : i32
            %multiple_of3A_215 = tpu.assume_multiple %mul3A_214, 8 : i32
            %mul3A_216 = arith.constant 128 : i32
            %mul3A_217 = arith.muli %add3A_192, %mul3A_216 : i32
            %add3A_218 = arith.addi %mul3A_30, %mul3A_217 : i32
            %multiple_of3A_219 = tpu.assume_multiple %add3A_218, 128 : i32
            %dma_wait3A_220 = tpu.memref_slice %arg7[%multiple_of3A_215, %multiple_of3A_219] : memref<1000x51200xf32, #tpu.memory_space<hbm>> -> memref<8x128xf32, #tpu.memory_space<hbm>>
            %dma_wait3A_221 = tpu.memref_slice %arg7[%multiple_of3A_215, %multiple_of3A_219] : memref<1000x51200xf32, #tpu.memory_space<hbm>> -> memref<8x128xf32, #tpu.memory_space<hbm>>
            tpu.wait_dma2 semaphore(%arg28 : memref<!tpu.dma_semaphore, #tpu.memory_space<semaphore_mem>>) src(%arg20 : memref<8x128xf32, #tpu.memory_space<vmem>>) dst(%dma_wait3A_221 : memref<8x128xf32, #tpu.memory_space<hbm>>)
          } else {
          }
          %parallel_loop3A_200 = arith.constant 0 : i32
          %parallel_loop3A_201 = arith.constant 8 : i32
          %parallel_loop3A_202 = arith.constant 1 : i32
          scf.for %parallel_loop3A_213 = %parallel_loop3A_200 to %parallel_loop3A_201 step %parallel_loop3A_202  : i32 {
            %parallel_loop3A_214 = arith.constant 128 : i32
            %parallel_loop3A_215 = arith.muli %add3A_192, %parallel_loop3A_214 : i32
            %parallel_loop3A_216 = arith.constant 16 : i32
            %parallel_loop3A_217 = arith.muli %parallel_loop3A_213, %parallel_loop3A_216 : i32
            %parallel_loop3A_218 = arith.addi %parallel_loop3A_215, %parallel_loop3A_217 : i32
            %parallel_loop3A_219 = arith.index_cast %parallel_loop3A_218 : i32 to index
            %parallel_loop3A_220 = tpu.vector_load %arg9[%parallel_loop3A_219] {strides = array<i32>} : memref<1664xi32, #tpu.memory_space<vmem>>, vector<16xi32>,
            %parallel_loop3A_221 = arith.constant 0 : i32
            %parallel_loop3A_222 = vector.broadcast %parallel_loop3A_221 : i32 to vector<16xi32>
            %parallel_loop3A_223 = arith.addi %parallel_loop3A_220, %parallel_loop3A_222 : vector<16xi32>
            %parallel_loop3A_224 = tpu.vector_load_idx %arg16[%parallel_loop3A_223] : memref<8192xf32, #tpu.memory_space<vmem>>[vector<16xi32>], vector<16xf32>,
            %parallel_loop3A_225 = arith.constant 16 : i32
            %parallel_loop3A_226 = arith.muli %parallel_loop3A_213, %parallel_loop3A_225 : i32
            %parallel_loop3A_227 = arith.constant 0 : i32
            %parallel_loop3A_228 = arith.index_cast %parallel_loop3A_227 : i32 to index
            %parallel_loop3A_229 = arith.index_cast %parallel_loop3A_226 : i32 to index
            %parallel_loop3A_230 = tpu.vector_load %arg20[%parallel_loop3A_228, %parallel_loop3A_229] {strides = array<i32>} : memref<8x128xf32, #tpu.memory_space<vmem>>, vector<16xf32>,
            tpu.vector_store %arg20[%parallel_loop3A_228, %parallel_loop3A_229], %parallel_loop3A_224 {strides = array<i32>} : memref<8x128xf32, #tpu.memory_space<vmem>>, vector<16xf32>,
            %parallel_loop3A_231 = arith.constant 1024 : i32
            %parallel_loop3A_232 = vector.broadcast %parallel_loop3A_231 : i32 to vector<16xi32>
            %parallel_loop3A_233 = arith.addi %parallel_loop3A_220, %parallel_loop3A_232 : vector<16xi32>
            %parallel_loop3A_234 = tpu.vector_load_idx %arg16[%parallel_loop3A_233] : memref<8192xf32, #tpu.memory_space<vmem>>[vector<16xi32>], vector<16xf32>,
            %parallel_loop3A_235 = arith.constant 16 : i32
            %parallel_loop3A_236 = arith.muli %parallel_loop3A_213, %parallel_loop3A_235 : i32
            %parallel_loop3A_237 = arith.constant 1 : i32
            %parallel_loop3A_238 = arith.index_cast %parallel_loop3A_237 : i32 to index
            %parallel_loop3A_239 = arith.index_cast %parallel_loop3A_236 : i32 to index
            %parallel_loop3A_240 = tpu.vector_load %arg20[%parallel_loop3A_238, %parallel_loop3A_239] {strides = array<i32>} : memref<8x128xf32, #tpu.memory_space<vmem>>, vector<16xf32>,
            tpu.vector_store %arg20[%parallel_loop3A_238, %parallel_loop3A_239], %parallel_loop3A_234 {strides = array<i32>} : memref<8x128xf32, #tpu.memory_space<vmem>>, vector<16xf32>,
            %parallel_loop3A_241 = arith.constant 2048 : i32
            %parallel_loop3A_242 = vector.broadcast %parallel_loop3A_241 : i32 to vector<16xi32>
            %parallel_loop3A_243 = arith.addi %parallel_loop3A_220, %parallel_loop3A_242 : vector<16xi32>
            %parallel_loop3A_244 = tpu.vector_load_idx %arg16[%parallel_loop3A_243] : memref<8192xf32, #tpu.memory_space<vmem>>[vector<16xi32>], vector<16xf32>,
            %parallel_loop3A_245 = arith.constant 16 : i32
            %parallel_loop3A_246 = arith.muli %parallel_loop3A_213, %parallel_loop3A_245 : i32
            %parallel_loop3A_247 = arith.constant 2 : i32
            %parallel_loop3A_248 = arith.index_cast %parallel_loop3A_247 : i32 to index
            %parallel_loop3A_249 = arith.index_cast %parallel_loop3A_246 : i32 to index
            %parallel_loop3A_250 = tpu.vector_load %arg20[%parallel_loop3A_248, %parallel_loop3A_249] {strides = array<i32>} : memref<8x128xf32, #tpu.memory_space<vmem>>, vector<16xf32>,
            tpu.vector_store %arg20[%parallel_loop3A_248, %parallel_loop3A_249], %parallel_loop3A_244 {strides = array<i32>} : memref<8x128xf32, #tpu.memory_space<vmem>>, vector<16xf32>,
            %parallel_loop3A_251 = arith.constant 3072 : i32
            %parallel_loop3A_252 = vector.broadcast %parallel_loop3A_251 : i32 to vector<16xi32>
            %parallel_loop3A_253 = arith.addi %parallel_loop3A_220, %parallel_loop3A_252 : vector<16xi32>
            %parallel_loop3A_254 = tpu.vector_load_idx %arg16[%parallel_loop3A_253] : memref<8192xf32, #tpu.memory_space<vmem>>[vector<16xi32>], vector<16xf32>,
            %parallel_loop3A_255 = arith.constant 16 : i32
            %parallel_loop3A_256 = arith.muli %parallel_loop3A_213, %parallel_loop3A_255 : i32
            %parallel_loop3A_257 = arith.constant 3 : i32
            %parallel_loop3A_258 = arith.index_cast %parallel_loop3A_257 : i32 to index
            %parallel_loop3A_259 = arith.index_cast %parallel_loop3A_256 : i32 to index
            %parallel_loop3A_260 = tpu.vector_load %arg20[%parallel_loop3A_258, %parallel_loop3A_259] {strides = array<i32>} : memref<8x128xf32, #tpu.memory_space<vmem>>, vector<16xf32>,
            tpu.vector_store %arg20[%parallel_loop3A_258, %parallel_loop3A_259], %parallel_loop3A_254 {strides = array<i32>} : memref<8x128xf32, #tpu.memory_space<vmem>>, vector<16xf32>,
            %parallel_loop3A_261 = arith.constant 4096 : i32
            %parallel_loop3A_262 = vector.broadcast %parallel_loop3A_261 : i32 to vector<16xi32>
            %parallel_loop3A_263 = arith.addi %parallel_loop3A_220, %parallel_loop3A_262 : vector<16xi32>
            %parallel_loop3A_264 = tpu.vector_load_idx %arg16[%parallel_loop3A_263] : memref<8192xf32, #tpu.memory_space<vmem>>[vector<16xi32>], vector<16xf32>,
            %parallel_loop3A_265 = arith.constant 16 : i32
            %parallel_loop3A_266 = arith.muli %parallel_loop3A_213, %parallel_loop3A_265 : i32
            %parallel_loop3A_267 = arith.constant 4 : i32
            %parallel_loop3A_268 = arith.index_cast %parallel_loop3A_267 : i32 to index
            %parallel_loop3A_269 = arith.index_cast %parallel_loop3A_266 : i32 to index
            %parallel_loop3A_270 = tpu.vector_load %arg20[%parallel_loop3A_268, %parallel_loop3A_269] {strides = array<i32>} : memref<8x128xf32, #tpu.memory_space<vmem>>, vector<16xf32>,
            tpu.vector_store %arg20[%parallel_loop3A_268, %parallel_loop3A_269], %parallel_loop3A_264 {strides = array<i32>} : memref<8x128xf32, #tpu.memory_space<vmem>>, vector<16xf32>,
            %parallel_loop3A_271 = arith.constant 5120 : i32
            %parallel_loop3A_272 = vector.broadcast %parallel_loop3A_271 : i32 to vector<16xi32>
            %parallel_loop3A_273 = arith.addi %parallel_loop3A_220, %parallel_loop3A_272 : vector<16xi32>
            %parallel_loop3A_274 = tpu.vector_load_idx %arg16[%parallel_loop3A_273] : memref<8192xf32, #tpu.memory_space<vmem>>[vector<16xi32>], vector<16xf32>,
            %parallel_loop3A_275 = arith.constant 16 : i32
            %parallel_loop3A_276 = arith.muli %parallel_loop3A_213, %parallel_loop3A_275 : i32
            %parallel_loop3A_277 = arith.constant 5 : i32
            %parallel_loop3A_278 = arith.index_cast %parallel_loop3A_277 : i32 to index
            %parallel_loop3A_279 = arith.index_cast %parallel_loop3A_276 : i32 to index
            %parallel_loop3A_280 = tpu.vector_load %arg20[%parallel_loop3A_278, %parallel_loop3A_279] {strides = array<i32>} : memref<8x128xf32, #tpu.memory_space<vmem>>, vector<16xf32>,
            tpu.vector_store %arg20[%parallel_loop3A_278, %parallel_loop3A_279], %parallel_loop3A_274 {strides = array<i32>} : memref<8x128xf32, #tpu.memory_space<vmem>>, vector<16xf32>,
            %parallel_loop3A_281 = arith.constant 6144 : i32
            %parallel_loop3A_282 = vector.broadcast %parallel_loop3A_281 : i32 to vector<16xi32>
            %parallel_loop3A_283 = arith.addi %parallel_loop3A_220, %parallel_loop3A_282 : vector<16xi32>
            %parallel_loop3A_284 = tpu.vector_load_idx %arg16[%parallel_loop3A_283] : memref<8192xf32, #tpu.memory_space<vmem>>[vector<16xi32>], vector<16xf32>,
            %parallel_loop3A_285 = arith.constant 16 : i32
            %parallel_loop3A_286 = arith.muli %parallel_loop3A_213, %parallel_loop3A_285 : i32
            %parallel_loop3A_287 = arith.constant 6 : i32
            %parallel_loop3A_288 = arith.index_cast %parallel_loop3A_287 : i32 to index
            %parallel_loop3A_289 = arith.index_cast %parallel_loop3A_286 : i32 to index
            %parallel_loop3A_290 = tpu.vector_load %arg20[%parallel_loop3A_288, %parallel_loop3A_289] {strides = array<i32>} : memref<8x128xf32, #tpu.memory_space<vmem>>, vector<16xf32>,
            tpu.vector_store %arg20[%parallel_loop3A_288, %parallel_loop3A_289], %parallel_loop3A_284 {strides = array<i32>} : memref<8x128xf32, #tpu.memory_space<vmem>>, vector<16xf32>,
            %parallel_loop3A_291 = arith.constant 7168 : i32
            %parallel_loop3A_292 = vector.broadcast %parallel_loop3A_291 : i32 to vector<16xi32>
            %parallel_loop3A_293 = arith.addi %parallel_loop3A_220, %parallel_loop3A_292 : vector<16xi32>
            %parallel_loop3A_294 = tpu.vector_load_idx %arg16[%parallel_loop3A_293] : memref<8192xf32, #tpu.memory_space<vmem>>[vector<16xi32>], vector<16xf32>,
            %parallel_loop3A_295 = arith.constant 16 : i32
            %parallel_loop3A_296 = arith.muli %parallel_loop3A_213, %parallel_loop3A_295 : i32
            %parallel_loop3A_297 = arith.constant 7 : i32
            %parallel_loop3A_298 = arith.index_cast %parallel_loop3A_297 : i32 to index
            %parallel_loop3A_299 = arith.index_cast %parallel_loop3A_296 : i32 to index
            %parallel_loop3A_300 = tpu.vector_load %arg20[%parallel_loop3A_298, %parallel_loop3A_299] {strides = array<i32>} : memref<8x128xf32, #tpu.memory_space<vmem>>, vector<16xf32>,
            tpu.vector_store %arg20[%parallel_loop3A_298, %parallel_loop3A_299], %parallel_loop3A_294 {strides = array<i32>} : memref<8x128xf32, #tpu.memory_space<vmem>>, vector<16xf32>,
          } {sc.loop_unroll_factor = 8 : i64, sc.parallel_access}
          %mul3A_203 = arith.constant 8 : i32
          %mul3A_204 = arith.muli %add3A_96, %mul3A_203 : i32
          %multiple_of3A_205 = tpu.assume_multiple %mul3A_204, 8 : i32
          %mul3A_206 = arith.constant 128 : i32
          %mul3A_207 = arith.muli %add3A_192, %mul3A_206 : i32
          %add3A_208 = arith.addi %mul3A_30, %mul3A_207 : i32
          %multiple_of3A_209 = tpu.assume_multiple %add3A_208, 128 : i32
          %dma_start3A_210 = tpu.memref_slice %arg7[%multiple_of3A_205, %multiple_of3A_209] : memref<1000x51200xf32, #tpu.memory_space<hbm>> -> memref<8x128xf32, #tpu.memory_space<hbm>>
          %dma_start3A_211 = tpu.memref_slice %arg7[%multiple_of3A_205, %multiple_of3A_209] : memref<1000x51200xf32, #tpu.memory_space<hbm>> -> memref<8x128xf32, #tpu.memory_space<hbm>>
          tpu.enqueue_dma source(%arg20 : memref<8x128xf32, #tpu.memory_space<vmem>>) target(%dma_start3A_211 : memref<8x128xf32, #tpu.memory_space<hbm>>) target_semaphore(%arg28 : memref<!tpu.dma_semaphore, #tpu.memory_space<semaphore_mem>>)
          %scan3A_212 = arith.constant 0 : i32
          scf.yield %scan3A_212 : i32
        }
        %scan3A_114 = arith.constant 3 : i32
        %eq3A_115 = arith.constant 13 : i32
        %eq3A_116 = arith.cmpi eq, %select_n3A, %eq3A_115 : i32
        %convert_element_type3A_117 = arith.extui %eq3A_116 : i1 to i32
        %cond3A_118 = arith.constant 0 : i32
        %cond3A_119 = arith.cmpi ne, %convert_element_type3A_117, %cond3A_118 : i32
        scf.if %cond3A_119 {
          %mul3A_120 = arith.muli %add3A_96, %select_n3A : i32
          %add3A_121 = arith.constant 12 : i32
          %add3A_122 = arith.addi %mul3A_120, %add3A_121 : i32
          %ge3A = arith.constant 4 : i32
          %ge3A_123 = arith.cmpi sge, %add3A_122, %ge3A : i32
          %convert_element_type3A_124 = arith.extui %ge3A_123 : i1 to i32
          %cond3A_125 = arith.constant 0 : i32
          %cond3A_126 = arith.cmpi ne, %convert_element_type3A_124, %cond3A_125 : i32
          scf.if %cond3A_126 {
            %mul3A_137 = arith.constant 8 : i32
            %mul3A_138 = arith.muli %add3A_96, %mul3A_137 : i32
            %multiple_of3A_139 = tpu.assume_multiple %mul3A_138, 8 : i32
            %add3A_140 = arith.constant 1536 : i32
            %add3A_141 = arith.addi %mul3A_30, %add3A_140 : i32
            %multiple_of3A_142 = tpu.assume_multiple %add3A_141, 128 : i32
            %dma_wait3A_143 = tpu.memref_slice %arg7[%multiple_of3A_139, %multiple_of3A_142] : memref<1000x51200xf32, #tpu.memory_space<hbm>> -> memref<8x128xf32, #tpu.memory_space<hbm>>
            %dma_wait3A_144 = tpu.memref_slice %arg7[%multiple_of3A_139, %multiple_of3A_142] : memref<1000x51200xf32, #tpu.memory_space<hbm>> -> memref<8x128xf32, #tpu.memory_space<hbm>>
            tpu.wait_dma2 semaphore(%arg25 : memref<!tpu.dma_semaphore, #tpu.memory_space<semaphore_mem>>) src(%arg17 : memref<8x128xf32, #tpu.memory_space<vmem>>) dst(%dma_wait3A_144 : memref<8x128xf32, #tpu.memory_space<hbm>>)
          } else {
          }
          %parallel_loop3A = arith.constant 0 : i32
          %parallel_loop3A_127 = arith.constant 8 : i32
          %parallel_loop3A_128 = arith.constant 1 : i32
          scf.for %parallel_loop3A_137 = %parallel_loop3A to %parallel_loop3A_127 step %parallel_loop3A_128  : i32 {
            %parallel_loop3A_138 = arith.constant 16 : i32
            %parallel_loop3A_139 = arith.muli %parallel_loop3A_137, %parallel_loop3A_138 : i32
            %parallel_loop3A_140 = arith.constant 1536 : i32
            %parallel_loop3A_141 = arith.addi %parallel_loop3A_140, %parallel_loop3A_139 : i32
            %parallel_loop3A_142 = arith.index_cast %parallel_loop3A_141 : i32 to index
            %parallel_loop3A_143 = tpu.vector_load %arg9[%parallel_loop3A_142] {strides = array<i32>} : memref<1664xi32, #tpu.memory_space<vmem>>, vector<16xi32>,
            %parallel_loop3A_144 = arith.constant 0 : i32
            %parallel_loop3A_145 = vector.broadcast %parallel_loop3A_144 : i32 to vector<16xi32>
            %parallel_loop3A_146 = arith.addi %parallel_loop3A_143, %parallel_loop3A_145 : vector<16xi32>
            %parallel_loop3A_147 = tpu.vector_load_idx %arg16[%parallel_loop3A_146] : memref<8192xf32, #tpu.memory_space<vmem>>[vector<16xi32>], vector<16xf32>,
            %parallel_loop3A_148 = arith.constant 16 : i32
            %parallel_loop3A_149 = arith.muli %parallel_loop3A_137, %parallel_loop3A_148 : i32
            %parallel_loop3A_150 = arith.constant 0 : i32
            %parallel_loop3A_151 = arith.index_cast %parallel_loop3A_150 : i32 to index
            %parallel_loop3A_152 = arith.index_cast %parallel_loop3A_149 : i32 to index
            %parallel_loop3A_153 = tpu.vector_load %arg17[%parallel_loop3A_151, %parallel_loop3A_152] {strides = array<i32>} : memref<8x128xf32, #tpu.memory_space<vmem>>, vector<16xf32>,
            tpu.vector_store %arg17[%parallel_loop3A_151, %parallel_loop3A_152], %parallel_loop3A_147 {strides = array<i32>} : memref<8x128xf32, #tpu.memory_space<vmem>>, vector<16xf32>,
            %parallel_loop3A_154 = arith.constant 1024 : i32
            %parallel_loop3A_155 = vector.broadcast %parallel_loop3A_154 : i32 to vector<16xi32>
            %parallel_loop3A_156 = arith.addi %parallel_loop3A_143, %parallel_loop3A_155 : vector<16xi32>
            %parallel_loop3A_157 = tpu.vector_load_idx %arg16[%parallel_loop3A_156] : memref<8192xf32, #tpu.memory_space<vmem>>[vector<16xi32>], vector<16xf32>,
            %parallel_loop3A_158 = arith.constant 16 : i32
            %parallel_loop3A_159 = arith.muli %parallel_loop3A_137, %parallel_loop3A_158 : i32
            %parallel_loop3A_160 = arith.constant 1 : i32
            %parallel_loop3A_161 = arith.index_cast %parallel_loop3A_160 : i32 to index
            %parallel_loop3A_162 = arith.index_cast %parallel_loop3A_159 : i32 to index
            %parallel_loop3A_163 = tpu.vector_load %arg17[%parallel_loop3A_161, %parallel_loop3A_162] {strides = array<i32>} : memref<8x128xf32, #tpu.memory_space<vmem>>, vector<16xf32>,
            tpu.vector_store %arg17[%parallel_loop3A_161, %parallel_loop3A_162], %parallel_loop3A_157 {strides = array<i32>} : memref<8x128xf32, #tpu.memory_space<vmem>>, vector<16xf32>,
            %parallel_loop3A_164 = arith.constant 2048 : i32
            %parallel_loop3A_165 = vector.broadcast %parallel_loop3A_164 : i32 to vector<16xi32>
            %parallel_loop3A_166 = arith.addi %parallel_loop3A_143, %parallel_loop3A_165 : vector<16xi32>
            %parallel_loop3A_167 = tpu.vector_load_idx %arg16[%parallel_loop3A_166] : memref<8192xf32, #tpu.memory_space<vmem>>[vector<16xi32>], vector<16xf32>,
            %parallel_loop3A_168 = arith.constant 16 : i32
            %parallel_loop3A_169 = arith.muli %parallel_loop3A_137, %parallel_loop3A_168 : i32
            %parallel_loop3A_170 = arith.constant 2 : i32
            %parallel_loop3A_171 = arith.index_cast %parallel_loop3A_170 : i32 to index
            %parallel_loop3A_172 = arith.index_cast %parallel_loop3A_169 : i32 to index
            %parallel_loop3A_173 = tpu.vector_load %arg17[%parallel_loop3A_171, %parallel_loop3A_172] {strides = array<i32>} : memref<8x128xf32, #tpu.memory_space<vmem>>, vector<16xf32>,
            tpu.vector_store %arg17[%parallel_loop3A_171, %parallel_loop3A_172], %parallel_loop3A_167 {strides = array<i32>} : memref<8x128xf32, #tpu.memory_space<vmem>>, vector<16xf32>,
            %parallel_loop3A_174 = arith.constant 3072 : i32
            %parallel_loop3A_175 = vector.broadcast %parallel_loop3A_174 : i32 to vector<16xi32>
            %parallel_loop3A_176 = arith.addi %parallel_loop3A_143, %parallel_loop3A_175 : vector<16xi32>
            %parallel_loop3A_177 = tpu.vector_load_idx %arg16[%parallel_loop3A_176] : memref<8192xf32, #tpu.memory_space<vmem>>[vector<16xi32>], vector<16xf32>,
            %parallel_loop3A_178 = arith.constant 16 : i32
            %parallel_loop3A_179 = arith.muli %parallel_loop3A_137, %parallel_loop3A_178 : i32
            %parallel_loop3A_180 = arith.constant 3 : i32
            %parallel_loop3A_181 = arith.index_cast %parallel_loop3A_180 : i32 to index
            %parallel_loop3A_182 = arith.index_cast %parallel_loop3A_179 : i32 to index
            %parallel_loop3A_183 = tpu.vector_load %arg17[%parallel_loop3A_181, %parallel_loop3A_182] {strides = array<i32>} : memref<8x128xf32, #tpu.memory_space<vmem>>, vector<16xf32>,
            tpu.vector_store %arg17[%parallel_loop3A_181, %parallel_loop3A_182], %parallel_loop3A_177 {strides = array<i32>} : memref<8x128xf32, #tpu.memory_space<vmem>>, vector<16xf32>,
            %parallel_loop3A_184 = arith.constant 4096 : i32
            %parallel_loop3A_185 = vector.broadcast %parallel_loop3A_184 : i32 to vector<16xi32>
            %parallel_loop3A_186 = arith.addi %parallel_loop3A_143, %parallel_loop3A_185 : vector<16xi32>
            %parallel_loop3A_187 = tpu.vector_load_idx %arg16[%parallel_loop3A_186] : memref<8192xf32, #tpu.memory_space<vmem>>[vector<16xi32>], vector<16xf32>,
            %parallel_loop3A_188 = arith.constant 16 : i32
            %parallel_loop3A_189 = arith.muli %parallel_loop3A_137, %parallel_loop3A_188 : i32
            %parallel_loop3A_190 = arith.constant 4 : i32
            %parallel_loop3A_191 = arith.index_cast %parallel_loop3A_190 : i32 to index
            %parallel_loop3A_192 = arith.index_cast %parallel_loop3A_189 : i32 to index
            %parallel_loop3A_193 = tpu.vector_load %arg17[%parallel_loop3A_191, %parallel_loop3A_192] {strides = array<i32>} : memref<8x128xf32, #tpu.memory_space<vmem>>, vector<16xf32>,
            tpu.vector_store %arg17[%parallel_loop3A_191, %parallel_loop3A_192], %parallel_loop3A_187 {strides = array<i32>} : memref<8x128xf32, #tpu.memory_space<vmem>>, vector<16xf32>,
            %parallel_loop3A_194 = arith.constant 5120 : i32
            %parallel_loop3A_195 = vector.broadcast %parallel_loop3A_194 : i32 to vector<16xi32>
            %parallel_loop3A_196 = arith.addi %parallel_loop3A_143, %parallel_loop3A_195 : vector<16xi32>
            %parallel_loop3A_197 = tpu.vector_load_idx %arg16[%parallel_loop3A_196] : memref<8192xf32, #tpu.memory_space<vmem>>[vector<16xi32>], vector<16xf32>,
            %parallel_loop3A_198 = arith.constant 16 : i32
            %parallel_loop3A_199 = arith.muli %parallel_loop3A_137, %parallel_loop3A_198 : i32
            %parallel_loop3A_200 = arith.constant 5 : i32
            %parallel_loop3A_201 = arith.index_cast %parallel_loop3A_200 : i32 to index
            %parallel_loop3A_202 = arith.index_cast %parallel_loop3A_199 : i32 to index
            %parallel_loop3A_203 = tpu.vector_load %arg17[%parallel_loop3A_201, %parallel_loop3A_202] {strides = array<i32>} : memref<8x128xf32, #tpu.memory_space<vmem>>, vector<16xf32>,
            tpu.vector_store %arg17[%parallel_loop3A_201, %parallel_loop3A_202], %parallel_loop3A_197 {strides = array<i32>} : memref<8x128xf32, #tpu.memory_space<vmem>>, vector<16xf32>,
            %parallel_loop3A_204 = arith.constant 6144 : i32
            %parallel_loop3A_205 = vector.broadcast %parallel_loop3A_204 : i32 to vector<16xi32>
            %parallel_loop3A_206 = arith.addi %parallel_loop3A_143, %parallel_loop3A_205 : vector<16xi32>
            %parallel_loop3A_207 = tpu.vector_load_idx %arg16[%parallel_loop3A_206] : memref<8192xf32, #tpu.memory_space<vmem>>[vector<16xi32>], vector<16xf32>,
            %parallel_loop3A_208 = arith.constant 16 : i32
            %parallel_loop3A_209 = arith.muli %parallel_loop3A_137, %parallel_loop3A_208 : i32
            %parallel_loop3A_210 = arith.constant 6 : i32
            %parallel_loop3A_211 = arith.index_cast %parallel_loop3A_210 : i32 to index
            %parallel_loop3A_212 = arith.index_cast %parallel_loop3A_209 : i32 to index
            %parallel_loop3A_213 = tpu.vector_load %arg17[%parallel_loop3A_211, %parallel_loop3A_212] {strides = array<i32>} : memref<8x128xf32, #tpu.memory_space<vmem>>, vector<16xf32>,
            tpu.vector_store %arg17[%parallel_loop3A_211, %parallel_loop3A_212], %parallel_loop3A_207 {strides = array<i32>} : memref<8x128xf32, #tpu.memory_space<vmem>>, vector<16xf32>,
            %parallel_loop3A_214 = arith.constant 7168 : i32
            %parallel_loop3A_215 = vector.broadcast %parallel_loop3A_214 : i32 to vector<16xi32>
            %parallel_loop3A_216 = arith.addi %parallel_loop3A_143, %parallel_loop3A_215 : vector<16xi32>
            %parallel_loop3A_217 = tpu.vector_load_idx %arg16[%parallel_loop3A_216] : memref<8192xf32, #tpu.memory_space<vmem>>[vector<16xi32>], vector<16xf32>,
            %parallel_loop3A_218 = arith.constant 16 : i32
            %parallel_loop3A_219 = arith.muli %parallel_loop3A_137, %parallel_loop3A_218 : i32
            %parallel_loop3A_220 = arith.constant 7 : i32
            %parallel_loop3A_221 = arith.index_cast %parallel_loop3A_220 : i32 to index
            %parallel_loop3A_222 = arith.index_cast %parallel_loop3A_219 : i32 to index
            %parallel_loop3A_223 = tpu.vector_load %arg17[%parallel_loop3A_221, %parallel_loop3A_222] {strides = array<i32>} : memref<8x128xf32, #tpu.memory_space<vmem>>, vector<16xf32>,
            tpu.vector_store %arg17[%parallel_loop3A_221, %parallel_loop3A_222], %parallel_loop3A_217 {strides = array<i32>} : memref<8x128xf32, #tpu.memory_space<vmem>>, vector<16xf32>,
          } {sc.loop_unroll_factor = 8 : i64, sc.parallel_access}
          %mul3A_129 = arith.constant 8 : i32
          %mul3A_130 = arith.muli %add3A_96, %mul3A_129 : i32
          %multiple_of3A_131 = tpu.assume_multiple %mul3A_130, 8 : i32
          %add3A_132 = arith.constant 1536 : i32
          %add3A_133 = arith.addi %mul3A_30, %add3A_132 : i32
          %multiple_of3A_134 = tpu.assume_multiple %add3A_133, 128 : i32
          %dma_start3A_135 = tpu.memref_slice %arg7[%multiple_of3A_131, %multiple_of3A_134] : memref<1000x51200xf32, #tpu.memory_space<hbm>> -> memref<8x128xf32, #tpu.memory_space<hbm>>
          %dma_start3A_136 = tpu.memref_slice %arg7[%multiple_of3A_131, %multiple_of3A_134] : memref<1000x51200xf32, #tpu.memory_space<hbm>> -> memref<8x128xf32, #tpu.memory_space<hbm>>
          tpu.enqueue_dma source(%arg17 : memref<8x128xf32, #tpu.memory_space<vmem>>) target(%dma_start3A_136 : memref<8x128xf32, #tpu.memory_space<hbm>>) target_semaphore(%arg25 : memref<!tpu.dma_semaphore, #tpu.memory_space<semaphore_mem>>)
        } else {
        }
      } else {
      }
      %scan3A_92 = arith.constant 0 : i32
      scf.yield %scan3A_92 : i32
    }
    %scan3A_40 = arith.constant 63 : i32
    %multiple_of3A = arith.constant 0 : i32
    %multiple_of3A_41 = tpu.assume_multiple %multiple_of3A, 8 : i32
    %multiple_of3A_42 = tpu.assume_multiple %mul3A_30, 128 : i32
    %dma_wait3A = tpu.memref_slice %arg7[%multiple_of3A_41, %multiple_of3A_42] : memref<1000x51200xf32, #tpu.memory_space<hbm>> -> memref<8x128xf32, #tpu.memory_space<hbm>>
    %dma_wait3A_43 = tpu.memref_slice %arg7[%multiple_of3A_41, %multiple_of3A_42] : memref<1000x51200xf32, #tpu.memory_space<hbm>> -> memref<8x128xf32, #tpu.memory_space<hbm>>
    tpu.wait_dma2 semaphore(%arg25 : memref<!tpu.dma_semaphore, #tpu.memory_space<semaphore_mem>>) src(%arg17 : memref<8x128xf32, #tpu.memory_space<vmem>>) dst(%dma_wait3A_43 : memref<8x128xf32, #tpu.memory_space<hbm>>)
    %multiple_of3A_44 = arith.constant 0 : i32
    %multiple_of3A_45 = tpu.assume_multiple %multiple_of3A_44, 8 : i32
    %multiple_of3A_46 = tpu.assume_multiple %mul3A_30, 128 : i32
    %dma_wait3A_47 = tpu.memref_slice %arg7[%multiple_of3A_45, %multiple_of3A_46] : memref<1000x51200xf32, #tpu.memory_space<hbm>> -> memref<8x128xf32, #tpu.memory_space<hbm>>
    %dma_wait3A_48 = tpu.memref_slice %arg7[%multiple_of3A_45, %multiple_of3A_46] : memref<1000x51200xf32, #tpu.memory_space<hbm>> -> memref<8x128xf32, #tpu.memory_space<hbm>>
    tpu.wait_dma2 semaphore(%arg26 : memref<!tpu.dma_semaphore, #tpu.memory_space<semaphore_mem>>) src(%arg18 : memref<8x128xf32, #tpu.memory_space<vmem>>) dst(%dma_wait3A_48 : memref<8x128xf32, #tpu.memory_space<hbm>>)
    %multiple_of3A_49 = arith.constant 0 : i32
    %multiple_of3A_50 = tpu.assume_multiple %multiple_of3A_49, 8 : i32
    %multiple_of3A_51 = tpu.assume_multiple %mul3A_30, 128 : i32
    %dma_wait3A_52 = tpu.memref_slice %arg7[%multiple_of3A_50, %multiple_of3A_51] : memref<1000x51200xf32, #tpu.memory_space<hbm>> -> memref<8x128xf32, #tpu.memory_space<hbm>>
    %dma_wait3A_53 = tpu.memref_slice %arg7[%multiple_of3A_50, %multiple_of3A_51] : memref<1000x51200xf32, #tpu.memory_space<hbm>> -> memref<8x128xf32, #tpu.memory_space<hbm>>
    tpu.wait_dma2 semaphore(%arg27 : memref<!tpu.dma_semaphore, #tpu.memory_space<semaphore_mem>>) src(%arg19 : memref<8x128xf32, #tpu.memory_space<vmem>>) dst(%dma_wait3A_53 : memref<8x128xf32, #tpu.memory_space<hbm>>)
    %multiple_of3A_54 = arith.constant 0 : i32
    %multiple_of3A_55 = tpu.assume_multiple %multiple_of3A_54, 8 : i32
    %multiple_of3A_56 = tpu.assume_multiple %mul3A_30, 128 : i32
    %dma_wait3A_57 = tpu.memref_slice %arg7[%multiple_of3A_55, %multiple_of3A_56] : memref<1000x51200xf32, #tpu.memory_space<hbm>> -> memref<8x128xf32, #tpu.memory_space<hbm>>
    %dma_wait3A_58 = tpu.memref_slice %arg7[%multiple_of3A_55, %multiple_of3A_56] : memref<1000x51200xf32, #tpu.memory_space<hbm>> -> memref<8x128xf32, #tpu.memory_space<hbm>>
    tpu.wait_dma2 semaphore(%arg28 : memref<!tpu.dma_semaphore, #tpu.memory_space<semaphore_mem>>) src(%arg20 : memref<8x128xf32, #tpu.memory_space<vmem>>) dst(%dma_wait3A_58 : memref<8x128xf32, #tpu.memory_space<hbm>>)
    %scan3A_59 = arith.constant 0 : i32
    %scan3A_60 = arith.constant 0 : i32
    %scan3A_61 = arith.constant 20 : i32
    %scan3A_62 = arith.addi %scan3A_60, %scan3A_61 : i32
    %scan3A_63 = arith.constant 1 : i32
    %scan3A_64 = scf.for %scan3A_74 = %scan3A_60 to %scan3A_62 step %scan3A_63 iter_args(%scan3A_75 = %scan3A_59) -> (i32)  : i32 {
      %mul3A_76 = arith.constant 80 : i32
      %mul3A_77 = arith.muli %scan3A_74, %mul3A_76 : i32
      %dma_wait3A_78 = tpu.memref_slice %arg13[%mul3A_77] : memref<1600xf32, #tpu.memory_space<vmem>> -> memref<80xf32, #tpu.memory_space<vmem>>
      %dma_wait3A_79 = tpu.memref_slice %arg10[%mul3A_77] : memref<1600xi32, #tpu.memory_space<vmem>> -> memref<80xi32, #tpu.memory_space<vmem>>
      %dma_wait3A_80 = arith.constant 0 : i32
      %dma_wait3A_81 = tpu.memref_slice %arg4[%dma_wait3A_80] : memref<1024xf32, #tpu.memory_space<hbm>> -> memref<1024xf32, #tpu.memory_space<hbm>>
      tpu.wait_indirect_dma semaphore(%arg29 : memref<!tpu.dma_semaphore, #tpu.memory_space<semaphore_mem>>) src(%dma_wait3A_81 : memref<1024xf32, #tpu.memory_space<hbm>>) dst(%dma_wait3A_78 : memref<80xf32, #tpu.memory_space<vmem>>)
      %dma_wait3A_82 = tpu.memref_slice %arg14[%mul3A_77] : memref<1600xf32, #tpu.memory_space<vmem>> -> memref<80xf32, #tpu.memory_space<vmem>>
      %dma_wait3A_83 = tpu.memref_slice %arg12[%mul3A_77] : memref<1600xi32, #tpu.memory_space<vmem>> -> memref<80xi32, #tpu.memory_space<vmem>>
      %dma_wait3A_84 = arith.constant 0 : i32
      %dma_wait3A_85 = tpu.memref_slice %arg5[%dma_wait3A_84] : memref<1024000xf32, #tpu.memory_space<hbm>> -> memref<1024000xf32, #tpu.memory_space<hbm>>
      tpu.wait_indirect_dma semaphore(%arg29 : memref<!tpu.dma_semaphore, #tpu.memory_space<semaphore_mem>>) src(%dma_wait3A_85 : memref<1024000xf32, #tpu.memory_space<hbm>>) dst(%dma_wait3A_82 : memref<80xf32, #tpu.memory_space<vmem>>)
      %scan3A_86 = arith.constant 0 : i32
      scf.yield %scan3A_86 : i32
    }
    %scan3A_65 = arith.constant 20 : i32
    %broadcast_in_dim3A = arith.constant 0.000000e+00 : f32
    %broadcast_in_dim3A_66 = vector.broadcast %broadcast_in_dim3A : f32 to vector<16xf32>
    %scan3A_67 = arith.constant 0 : i32
    %scan3A_68 = arith.constant 100 : i32
    %scan3A_69 = arith.addi %scan3A_67, %scan3A_68 : i32
    %scan3A_70 = arith.constant 1 : i32
    %scan3A_71 = scf.for %scan3A_74 = %scan3A_67 to %scan3A_69 step %scan3A_70 iter_args(%scan3A_75 = %broadcast_in_dim3A_66) -> (vector<16xf32>)  : i32 {
      %mul3A_76 = arith.constant 16 : i32
      %mul3A_77 = arith.muli %scan3A_74, %mul3A_76 : i32
      %get3A = arith.index_cast %mul3A_77 : i32 to index
      %get3A_78 = tpu.vector_load %arg13[%get3A] {strides = array<i32>} : memref<1600xf32, #tpu.memory_space<vmem>>, vector<16xf32>,
      %get3A_79 = arith.index_cast %mul3A_77 : i32 to index
      %get3A_80 = tpu.vector_load %arg14[%get3A_79] {strides = array<i32>} : memref<1600xf32, #tpu.memory_space<vmem>>, vector<16xf32>,
      %sub3A = arith.subf %get3A_78, %get3A_80 : vector<16xf32>
      %add3A_81 = arith.addf %scan3A_75, %sub3A : vector<16xf32>
      scf.yield %add3A_81 : vector<16xf32>
    }
    %scan3A_72 = arith.constant 100 : i32
    %swap3A = arith.constant 0 : index
    %swap3A_73 = tpu.vector_load %arg21[%swap3A] {strides = array<i32>} : memref<16xf32, #tpu.memory_space<vmem>>, vector<16xf32>,
    tpu.vector_store %arg21[%swap3A], %scan3A_71 {strides = array<i32>} : memref<16xf32, #tpu.memory_space<vmem>>, vector<16xf32>,
    "tpu.region"() ({
      %run_scoped3A = tpu.sem_alloc : memref<!tpu.dma_semaphore, #tpu.memory_space<semaphore_mem>>
      %dma_start3A_74 = arith.constant 0 : i32
      %dma_start3A_75 = tpu.memref_slice %arg8[%add3A, %dma_start3A_74] : memref<32x16xf32, #tpu.memory_space<hbm>> -> memref<1x16xf32, #tpu.memory_space<hbm>>
      %dma_start3A_76 = tpu.memref_squeeze %dma_start3A_75 : memref<1x16xf32, #tpu.memory_space<hbm>> -> memref<16xf32, #tpu.memory_space<hbm>>
      %dma_start3A_77 = arith.constant 0 : i32
      %dma_start3A_78 = tpu.memref_slice %arg8[%add3A, %dma_start3A_77] : memref<32x16xf32, #tpu.memory_space<hbm>> -> memref<1x16xf32, #tpu.memory_space<hbm>>
      %dma_start3A_79 = tpu.memref_squeeze %dma_start3A_78 : memref<1x16xf32, #tpu.memory_space<hbm>> -> memref<16xf32, #tpu.memory_space<hbm>>
      tpu.enqueue_dma source(%arg21 : memref<16xf32, #tpu.memory_space<vmem>>) target(%dma_start3A_79 : memref<16xf32, #tpu.memory_space<hbm>>) target_semaphore(%run_scoped3A : memref<!tpu.dma_semaphore, #tpu.memory_space<semaphore_mem>>)
      %dma_wait3A_80 = arith.constant 0 : i32
      %dma_wait3A_81 = tpu.memref_slice %arg8[%add3A, %dma_wait3A_80] : memref<32x16xf32, #tpu.memory_space<hbm>> -> memref<1x16xf32, #tpu.memory_space<hbm>>
      %dma_wait3A_82 = tpu.memref_squeeze %dma_wait3A_81 : memref<1x16xf32, #tpu.memory_space<hbm>> -> memref<16xf32, #tpu.memory_space<hbm>>
      %dma_wait3A_83 = arith.constant 0 : i32
      %dma_wait3A_84 = tpu.memref_slice %arg8[%add3A, %dma_wait3A_83] : memref<32x16xf32, #tpu.memory_space<hbm>> -> memref<1x16xf32, #tpu.memory_space<hbm>>
      %dma_wait3A_85 = tpu.memref_squeeze %dma_wait3A_84 : memref<1x16xf32, #tpu.memory_space<hbm>> -> memref<16xf32, #tpu.memory_space<hbm>>
      tpu.wait_dma2 semaphore(%run_scoped3A : memref<!tpu.dma_semaphore, #tpu.memory_space<semaphore_mem>>) src(%arg21 : memref<16xf32, #tpu.memory_space<vmem>>) dst(%dma_wait3A_85 : memref<16xf32, #tpu.memory_space<hbm>>)
      tpu.yield
    }) : () -> ()
    return
  }
}

module attributes {stable_mosaic.version = 14 : i64} {
  func.func @_lse_body(%arg0: memref<1024x1024xf32, #tpu.memory_space<vmem>>, %arg1: memref<1024xf32, #tpu.memory_space<vmem>>) attributes {dimension_semantics = [], scalar_prefetch = 0 : i64, scratch_operands = 0 : i64, tpu.core_type = #tpu.core_type<tc>} {
    %get3A = arith.constant 0 : index
    %get3A_0 = arith.constant 0 : index
    %get3A_1 = vector.load %arg0[%get3A, %get3A_0] : memref<1024x1024xf32, #tpu.memory_space<vmem>>, vector<1024x1024xf32>
    %reduce_max3A = arith.constant dense<0xFF800000> : vector<1024xf32>
    %reduce_max3A_2 = vector.multi_reduction <maximumf>, %get3A_1, %reduce_max3A [1] : vector<1024x1024xf32> to vector<1024xf32>
    %broadcast_in_dim3A = vector.shape_cast %reduce_max3A_2 : vector<1024xf32> to vector<1024x1xf32>
    %sub3A = vector.broadcast %broadcast_in_dim3A : vector<1024x1xf32> to vector<1024x1024xf32>
    %sub3A_3 = arith.subf %get3A_1, %sub3A : vector<1024x1024xf32>
    %exp3A = math.exp %sub3A_3 : vector<1024x1024xf32>
    %reduce_sum3A = arith.constant dense<0.000000e+00> : vector<1024xf32>
    %reduce_sum3A_4 = vector.multi_reduction <add>, %exp3A, %reduce_sum3A [1] : vector<1024x1024xf32> to vector<1024xf32>
    %log3A = math.log %reduce_sum3A_4 : vector<1024xf32>
    %add3A = arith.addf %reduce_max3A_2, %log3A : vector<1024xf32>
    %swap3A = arith.constant 0 : index
    %swap3A_5 = vector.load %arg1[%swap3A] : memref<1024xf32, #tpu.memory_space<vmem>>, vector<1024xf32>
    tpu.vector_store %arg1[%swap3A], %add3A {strides = array<i32>} : memref<1024xf32, #tpu.memory_space<vmem>>, vector<1024xf32>,
    return
  }
}

module attributes {stable_mosaic.version = 14 : i64} {
  func.func @_mean_body(%arg0: memref<32x16xf32, #tpu.memory_space<vmem>>, %arg1: memref<1x1xf32, #tpu.memory_space<vmem>>) attributes {dimension_semantics = [], scalar_prefetch = 0 : i64, scratch_operands = 0 : i64, tpu.core_type = #tpu.core_type<tc>} {
    %get3A = arith.constant 0 : index
    %get3A_0 = arith.constant 0 : index
    %get3A_1 = vector.load %arg0[%get3A, %get3A_0] : memref<32x16xf32, #tpu.memory_space<vmem>>, vector<32x16xf32>
    %reduce_sum3A = vector.shape_cast %get3A_1 : vector<32x16xf32> to vector<1x32x16xf32>
    %reduce_sum3A_2 = arith.constant dense<0.000000e+00> : vector<1xf32>
    %reduce_sum3A_3 = vector.multi_reduction <add>, %reduce_sum3A, %reduce_sum3A_2 [1, 2] : vector<1x32x16xf32> to vector<1xf32>
    %reduce_sum3A_4 = vector.shape_cast %reduce_sum3A_3 : vector<1xf32> to vector<1x1x1xf32>
    %reduce_sum3A_5 = vector.extract %reduce_sum3A_4[0, 0, 0] : f32 from vector<1x1x1xf32>
    %mul3A = arith.constant 1.95312496E-5 : f32
    %mul3A_6 = arith.mulf %reduce_sum3A_5, %mul3A : f32
    %broadcast_in_dim3A = vector.broadcast %mul3A_6 : f32 to vector<1x1xf32>
    %swap3A = arith.constant 0 : index
    %swap3A_7 = arith.constant 0 : index
    %swap3A_8 = vector.load %arg1[%swap3A, %swap3A_7] : memref<1x1xf32, #tpu.memory_space<vmem>>, vector<1x1xf32>
    tpu.vector_store %arg1[%swap3A, %swap3A_7], %broadcast_in_dim3A {strides = array<i32>} : memref<1x1xf32, #tpu.memory_space<vmem>>, vector<1x1xf32>,
    return
  }
}

</mosaic_0001>

<sc_bundles>
// kernel: kernel.5.cloned.1.call-start
scs
__scs_entry_jumppad:
0x0: {  	(pc) =	sbr.rel $0x88, $3  }
0x1: {  	(tag) =	ssettag $0x0;
	lr =	simm.s32 $0x1  }
0x2: {  	[smem:$0x3F9E] =	sst lr;
	_ =	strace $0xD0000000  }
0x3: {  	_ = 	snop  }
0x4: {  	_ = 	snop  }
0x5: {  	_ = 	snop  }
0x6: {  	_ = 	snop  }
0x7: {  	_ = 	snop  }
__scs_overlays_trampoline_lowered:
0x8: {  	[smem:$0x3FAD] =	sst s0  }
0x9: {  	[smem:$0x3FAE] =	sst s1  }
0xa: {  	[smem:$0x3FAF] =	sst s2  }
0xb: {  	[smem:$0x3FB0] =	sst s3  }
0xc: {  	[smem:$0x3FB1] =	sst s4  }
0xd: {  	[smem:$0x3FB2] =	sst s5  }
0xe: {  	[smem:$0x3FB3] =	sst s6  }
0xf: {  	[smem:$0x3FB4] =	sst s7  }
0x10: {  	[smem:$0x3FB5] =	sst s8  }
0x11: {  	[smem:$0x3FB6] =	sst s9;
	s0 =	simm.s32 @!p0 $0x0  }
0x12: {  	s1 =	sld [smem:$0x3F9C];
	s0 =	simm.s32 @p0 $0x1  }
0x13: {  	[smem:$0x3FB7] =	sst s0;
	s0 =	simm.s32 @!p1 $0x0  }
0x14: {  	s2 =	sld [smem:$0x3F9B];
	s0 =	simm.s32 @p1 $0x1  }
0x15: {  	[smem:$0x3FB8] =	sst s0;
	s0 =	simm.s32 @!p2 $0x0  }
0x16: {  	s3 =	sld [smem:$0x3FDB];
	s0 =	simm.s32 @p2 $0x1  }
0x17: {  	s4 =	simm.s32 $0x1BF5;
	[smem:$0x3FBA] =	sst s0  }
0x18: {  	s0 =	sld [smem:$0x3F9D];
	_ =	swait.ge [sflag:s4], $0x0  }
0x19: {  	s7 =	sld [smem:$0x3F9E]  }
0x1a: {  	s8 =	sadd.s32 $0xFFFFE003, lr  }
0x1b: {  	s9 =	sadd.s32 $0xFFFFFEF7, lr;
	s5 =	simm.s32 $0xFFFFFFFF;
	p2 =	slt.u32 s8, $0xFFFFF086  }
0x1c: {  	p1 =	slt.u32 s9, $0xF7A;
	s5 =	simm.s32 @!p2 $0x0  }
0x1d: {  	s5 =	simm.s32 @p1 $0x1;
	p0 =	seq.s32 s7, s2  }
0x1e: {  	s7 =	smul.u32 @!p0 $0xF7A, s2;
	p2 =	seq.s32 @!p0 s5, $0x0  }
0x1f: {  	s9 =	smul.u32 $0xF7A, s1;
	s8 =	simm.s32 @!p0 $0x1BF5;
	p2 =	por !p2, p0  }
0x20: {  	[sflag:s8] =	ssyncset.s32 @!p0 $0xFFFFF086;
	s6 =	sadd.s32 @!p0 s3, s7;
	s7 =	simm.s32 @!p0 $0x108  }
0x21: {  	s3 =	sadd.s32 s3, s9;
	s6 =	sadd.s32 @!p0 $0x88, s6;
	s7 =	simm.s32 @p2 $0x1082  }
0x22: {  	[simem:s7], [sflag:s8] =	dma.local @!p0 [hbm:s6], $0xF7A  }
0x23: {  	s9 =	sor.u32 $0xD0000000, s2;
	s6 =	simm.s32 $0x108;
	_ =	swait.ge @!p0 [sflag:s8], $0x0  }
0x24: {  	s3 =	sadd.s32 $0x88, s3;
	s6 =	simm.s32 @!p1 $0x1082;
	[sflag:s4] =	ssyncset.s32 $0xFFFFF086  }
0x25: {  	[simem:s6], [sflag:s4] =	dma.local [hbm:s3], $0xF7A  }
0x26: {  	[smem:$0x3F9E] =	sst s1;
	(tag) =	ssettag s2;
	_ =	strace s9  }
0x27: {  	s1 =	sld [smem:$0x3FAE]  }
0x28: {  	s2 =	sld [smem:$0x3FAF]  }
0x29: {  	s4 =	sld [smem:$0x3FB1]  }
0x2a: {  	p0 =	seq.s32 s5, $0x0;
	s5 =	sld [smem:$0x3FB2]  }
0x2b: {  	s6 =	sld [smem:$0x3FB3]  }
0x2c: {  	s7 =	sld [smem:$0x3FB4]  }
0x2d: {  	s3 =	simm.s32 $0x108;
	s8 =	sld [smem:$0x3FB5]  }
0x2e: {  	s3 =	simm.s32 @!p0 $0x1082;
	s9 =	sld [smem:$0x3FB6]  }
0x2f: {  	lr =	sadd.s32 s0, s3;
	s0 =	sld [smem:$0x3FAD]  }
0x30: {  	s3 =	sld [smem:$0x3FB0]  }
0x31: {  	[smem:$0x3FB9] =	sst s10  }
0x32: {  	s10 =	sld [smem:$0x3FB7];
	_ =	sdelay $0x3  }
0x33: {  	p0 =	seq.s32 s10, $0x1;
	s10 =	sld [smem:$0x3FB9];
	_ =	sdelay $0x3  }
0x34: {  	[smem:$0x3FB9] =	sst s10  }
0x35: {  	s10 =	sld [smem:$0x3FB8];
	_ =	sdelay $0x3  }
0x36: {  	p1 =	seq.s32 s10, $0x1;
	s10 =	sld [smem:$0x3FB9];
	_ =	sdelay $0x3  }
0x37: {  	[smem:$0x3FB9] =	sst s10  }
0x38: {  	s10 =	sld [smem:$0x3FBA]  }
0x39: {  	_ = 	snop;
	(pc) =	sbr.ind lr, $3  }
0x3a: {  	_ = 	snop  }
0x3b: {  	_ = 	snop  }
0x3c: {  	p2 =	seq.s32 s10, $0x1;
	s10 =	sld [smem:$0x3FB9]  }
0x3d: {  	_ =	shalt  }
0x3e: {  	_ =	shalt  }
0x3f: {  	_ =	shalt  }
0x40: {  	_ =	shalt  }
0x41: {  	_ =	shalt  }
0x42: {  	_ =	shalt  }
0x43: {  	_ =	shalt  }
0x44: {  	_ =	shalt  }
0x45: {  	_ =	shalt  }
0x46: {  	_ =	shalt  }
0x47: {  	_ =	shalt  }
0x48: {  	_ =	shalt  }
0x49: {  	_ =	shalt  }
0x4a: {  	_ =	shalt  }
0x4b: {  	_ =	shalt  }
0x4c: {  	_ =	shalt  }
0x4d: {  	_ =	shalt  }
0x4e: {  	_ =	shalt  }
0x4f: {  	_ =	shalt  }
0x50: {  	_ =	shalt  }
0x51: {  	_ =	shalt  }
0x52: {  	_ =	shalt  }
0x53: {  	_ =	shalt  }
0x54: {  	_ =	shalt  }
0x55: {  	_ =	shalt  }
0x56: {  	_ =	shalt  }
0x57: {  	_ =	shalt  }
0x58: {  	_ =	shalt  }
0x59: {  	_ =	shalt  }
0x5a: {  	_ =	shalt  }
0x5b: {  	_ =	shalt  }
0x5c: {  	_ =	shalt  }
0x5d: {  	_ =	shalt  }
0x5e: {  	_ =	shalt  }
0x5f: {  	_ =	shalt  }
0x60: {  	_ =	shalt  }
0x61: {  	_ =	shalt  }
0x62: {  	_ =	shalt  }
0x63: {  	_ =	shalt  }
0x64: {  	_ =	shalt  }
0x65: {  	_ =	shalt  }
0x66: {  	_ =	shalt  }
0x67: {  	_ =	shalt  }
0x68: {  	_ =	shalt  }
0x69: {  	_ =	shalt  }
0x6a: {  	_ =	shalt  }
0x6b: {  	_ =	shalt  }
0x6c: {  	_ =	shalt  }
0x6d: {  	_ =	shalt  }
0x6e: {  	_ =	shalt  }
0x6f: {  	_ =	shalt  }
0x70: {  	_ =	shalt  }
0x71: {  	_ =	shalt  }
0x72: {  	_ =	shalt  }
0x73: {  	_ =	shalt  }
0x74: {  	_ =	shalt  }
0x75: {  	_ =	shalt  }
0x76: {  	_ =	shalt  }
0x77: {  	_ =	shalt  }
0x78: {  	_ =	shalt  }
0x79: {  	_ =	shalt  }
0x7a: {  	_ =	shalt  }
0x7b: {  	_ =	shalt  }
0x7c: {  	_ =	shalt  }
0x7d: {  	_ =	shalt  }
0x7e: {  	_ =	shalt  }
0x7f: {  	_ =	shalt  }
0x80: {  	_ =	shalt  }
0x81: {  	_ =	shalt  }
0x82: {  	_ =	shalt  }
0x83: {  	_ =	shalt  }
0x84: {  	_ =	shalt  }
0x85: {  	_ =	shalt  }
0x86: {  	_ =	shalt  }
0x87: {  	_ =	shalt  }
.Lfunc_end0:
.L_simem_size_0:
called_computation_lowered:
.L_overlay_start_0:
0x88: {  	s2 =	sld [smem:$0x3FD9]  }
0x89: {  	s3 =	sld [smem:$0x3FFE];
	_ =	sdelay $0x1  }
0x8a: {  	s1 =	srdreg.scid  }
0x8b: {  	s0 =	sand.u32 $0x1, s1  }
0x8c: {  	s14 =	sshll.u32 s0, $0xA;
	s2 =	sadd.s32 s3, s2  }
0x8d: {  	s2 =	sadd.s32 s2, s14  }
0x8e: {  	[smem:$0x3FC5] =	sst s2  }
0x8f: {  	_ = 	snop  }
0x90: {  	s2 =	sld [smem:$0x3FD0];
	_ =	sdelay $0x2  }
0x91: {  	s15 =	simm.s32 $0xA;
	s4 =	simm.s32 $0x10  }
0x92: {  	[smem:s4], [sflag:s15] =	dma.local [hbm:s2], $0x1  }
0x93: {  	_ =	swait.eq [sflag:s15], $0x1  }
0x94: {  	[sflag:s15] =	ssyncset.done $0x0  }
0x95: {  	[sflag:s15] =	ssyncadd.s32 $0xFFFFFFFF  }
0x96: {  	s16 =	sld [smem:$0x10];
	(tm) =	ssettm $0x1  }
0x97: {  	s17 =	sld [smem:$0x3FFB];
	_ =	sdelay $0x3  }
0x98: {  	_ =	strace s17  }
0x99: {  	s3 =	sld [smem:$0x3FFC];
	_ =	sdelay $0x3  }
0x9a: {  	_ =	strace s3  }
0x9b: {  	s3 =	sld [smem:$0x3FFD];
	_ =	sdelay $0x3  }
0x9c: {  	_ =	strace s3  }
0x9d: {  	_ =	strace $0x8FFFFFFF  }
0x9e: {  	s18 =	sld [smem:$0x3FDB];
	_ =	sdelay $0x1  }
0x9f: {  	s19 =	simm.s32 $_scs_section_size  }
0xa0: {  	s5 =	simm.s32 $_size__tile_overlayer_lowered;
	s6 =	simm.s32 $_tile_overlayer_lowered  }
0xa1: {  	s22 =	simm.s32 $0x1BFF;
	s21 =	sshll.u32 s6, $0x1;
	s3 =	sadd.s32 s19, s18  }
0xa2: {  	s7 =	simm.s32 $0x0;
	s20 =	sshll.u32 s5, $0x1;
	s5 =	sadd.s32 s21, s3  }
0xa3: {  	[timem:s7], [sflag:s22] =	dma.local [hbm:s5], s20  }
0xa4: {  	_ =	swait.ge [sflag:s22], s20  }
0xa5: {  	s4 =	ssub.s32 $0x0, s20;
	[sflag:s22] =	ssyncset.done $0x0  }
0xa6: {  	[sflag:s22] =	ssyncadd.s32 s4;
	_ =	sdelay $0x1  }
0xa7: {  	s23 =	simm.s32 $0x1B8B  }
0xa8: {  	_ =	swait.ge [sflag:s23], $0x1  }
0xa9: {  	[sflag:s23] =	ssyncset.done $0x0  }
0xaa: {  	s25 =	simm.s32 $0x1B8E;
	s24 =	sld [smem:$0x3FFE];
	[sflag:s23] =	ssyncadd.s32 $0xFFFFFFFF  }
0xab: {  	s26 =	simm.s32 $execute0_lowered;
	[smem:$0x3FD2] =	sst s25  }
0xac: {  	s5 =	sshll.u32 s26, $0x1;
	_ =	strace $0x80000046;
	[dreg:$0x1] =	wrdreg $0xFFFFFFFF  }
0xad: {  	s28 =	simm.s32 $_size_execute0_lowered;
	s3 =	sadd.s32 s3, s5;
	[dreg:$0x0] =	wrdreg $0x0  }
0xae: {  	s5 =	sshll.u32 s28, $0x1;
	[dreg:$0x2] =	wrdreg s3  }
0xaf: {  	[dreg:$0x3] =	wrdreg s5  }
0xb0: {  	[dreg:$0x4] =	wrdreg $0xC0  }
0xb1: {  	_ =	task [dreg:s7], $0x5FFFF  }
0xb2: {  	[dreg:$0x1] =	wrdreg $0xFFFFFFFF  }
0xb3: {  	[dreg:$0x0] =	wrdreg $0x60  }
0xb4: {  	[dreg:$0x2] =	wrdreg s24  }
0xb5: {  	[dreg:$0x3] =	wrdreg s16  }
0xb6: {  	[dreg:$0x4] =	wrdreg $0x77800  }
0xb7: {  	[dreg:$0x5] =	wrdreg $0x9  }
0xb8: {  	_ =	task.clear_ibuf [dreg:s7], $0x6FFFF;
	_ =	strace $0x90000046  }
0xb9: {  	s29 =	simm.s32 $0x9;
	_ =	strace $0x80000048  }
0xba: {  	_ =	swait.ge [sflag:s29], $0x1  }
0xbb: {  	[sflag:s29] =	ssyncadd.s32 $0xFFFFFFFF  }
0xbc: {  	_ =	strace $0x90000048  }
0xbd: {  	_ =	sfence  }
0xbe: {  	s30 =	sld [smem:$0x0];
	_ =	sdelay $0x2  }
0xbf: {  	s31 =	sshll.u32 s1, $0xD;
	s1 =	sshrl.u32 s1, $0x2  }
0xc0: {  	s3 =	sand.u32 $0x4000, s31;
	s1 =	sadd.s32 s1, s30  }
0xc1: {  	s0 =	sor.u32 s3, s0;
	s1 =	sshll.u32 s1, $0x11  }
0xc2: {  	s0 =	sor.u32 s1, s0  }
0xc3: {  	s0 =	sadd.s32 $0x8F2B, s0  }
0xc4: {  	[sflag:s0] =	ssyncadd.remote.s32 $0x1  }
0xc5: {  	_ =	sfence.sel $0xFFFF  }
0xc6: {  	[dreg:$0x0] =	wrdreg $0xFFFFFFFF;
	(pc) =	sbr.abs _section_cstart, $3  }
0xc7: {  	[dreg:$0x1] =	wrdreg $0xFFFFFFFF  }
0xc8: {  	_ =	task.clear_ibuf [dreg:s7], $0x2FFFF;
	_ =	strace $0x9FFFFFFF  }
0xc9: {  	(tm) =	ssettm $0x7FFFFFFF  }
tec
execute0_lowered:
.L_overlay_start_1:
0x0: {  	(tag) =	ssettag $0x1  }
0x1: {  	s0 =	rddreg [dreg:$0x0];
	s2 =	srdreg.scid  }
0x2: {  	s6 =	stileid.u32;
	s1 =	rddreg [dreg:$0x1]  }
0x3: {  	s19 =	simm.s32 $0x50;
	s20 =	simm.s32 $0x2700;
	s28 =	simm.s32 $0x2  }
0x4: {  	s29 =	simm.s32 $0x4700;
	s30 =	simm.s32 $0x4;
	s31 =	simm.s32 $0x5  }
0x5: {  	s16 =	simm.s32 $0x7;
	s7 =	sand.u32 $0x1, s2;
	s3 =	sshll.u32 s6, $0x1  }
0x6: {  	s2 =	rddreg [dreg:$0x2];
	s10 =	sadd.s32 $0xE00, s0;
	s4 =	sadd.s32 $0x42A00, s0  }
0x7: {  	s5 =	sadd.s32 $0x23600, s0;
	s12 =	sadd.s32 $0x4200, s0;
	s8 =	sor.u32 s7, s3  }
0x8: {  	p0 =	slt.u32 s6, $0x8;
	p1 =	sgt.u32 s6, $0x7;
	s9 =	smul.u32 $0xC8, s8  }
0x9: {  	s3 =	simm.s32 $0x0;
	s7 =	ssub.s32 $0x2, s7;
	s13 =	smul.u32 $0xC, s8  }
0xa: {  	[smem:$0x7FF] =	sst s3;
	s21 =	sshll.u32 s8, $0x4;
	s14 =	smul.u32 $0xD, s8  }
0xb: {  	s22 =	sshrl.u32 s7, $0x1;
	s8 =	smul.u32 $0x3400, s8;
	_ =	strace $0x80000047  }
0xc: {  	[dreg:$0x4] =	wrdreg s12;
	s7 =	ssub.s32 s7, s22;
	s22 =	simm.s32 $0x6700  }
0xd: {  	s11 =	sadd.s32 s9, s0;
	s0 =	sadd.s32 s21, s0;
	s12 =	sadd.s32 $0x10, s13  }
0xe: {  	s9 =	sadd.s32 s10, s9;
	s25 =	smax.u32 s7, $0x1;
	s21 =	simm.s32 $0x1  }
0xf: {  	s7 =	simm.s32 $0x0;
	[dreg:$0x5] =	wrdreg s9;
	s23 =	sadd.s32 $0x2800, s11  }
0x10: {  	s12 =	smov.u32 @p0 s14;
	s9 =	simm.s32 $0x1A;
	[dreg:$0x9] =	wrdreg s25  }
0x11: {  	s0 =	sadd.s32 $0x42C00, s0;
	s25 =	simm.s32 $0x7300;
	[dreg:$0x6] =	wrdreg s23  }
0x12: {  	s24 =	sshll.u32 s12, $0x4;
	s9 =	simm.s32 @!p0 $0x18;
	s12 =	sshll.u32 s12, $0x7  }
0x13: {  	[dreg:$0x8] =	wrdreg s0;
	p0 =	sne.s32 s6, $0x0;
	s23 =	simm.s32 $0x6B00  }
0x14: {  	s11 =	sand.u32 $0x1FFFFFF0, s24;
	s26 =	sadd.s32 s12, s1;
	s0 =	sshrl.u32 @!p0 s2, $0x3  }
0x15: {  	s12 =	simm.s32 $0x8;
	s24 =	simm.s32 $0x6F00;
	[dreg:$0xa] =	wrdreg s26  }
0x16: {  	s10 =	sadd.s32 s10, s11;
	s11 =	sadd.s32 $0x3000, s8;
	[dreg:$0xb] =	wrdreg s0  }
0x17: {  	s26 =	simm.s32 $0x3;
	s0 =	simm.s32 $0x6;
	[dreg:$0x7] =	wrdreg s10  }
.LBB2_1:
0x18: {  	[dreg:$0xc] =	wrdreg s7  }
0x19: {  	s7 =	rddreg [dreg:$0x4]  }
0x1a: {  	s6 =	simm.s32 @!p0 $0x1C08;
	s8 =	rddreg [dreg:$0xb]  }
0x1b: {  	[spmem:s8], [sflag:s6] =	dma.local @!p0 [hbm:s7], $0x1F400  }
0x1c: {  	s6 =	simm.s32 @!p0 $0x8  }
0x1d: {  	_ =	swait.ge @!p0 [sflag:s6], $0x1F400  }
0x1e: {  	[sflag:s6] =	ssyncset.done @!p0 $0x0  }
0x1f: {  	[sflag:s6] =	ssyncadd.s32 @!p0 $0xFFFE0C00  }
0x20: {  	[bflag:$0x0] =	sbarrier.arrive $0xFFFF  }
0x21: {  	s15 =	simm.s32 $0x680;
	s14 =	rddreg [dreg:$0x5]  }
0x22: {  	[tilespmem:s15], [sflag:$0x8] =	stream.linear.gather [hbm4b:s14+s3], $0x640, $0x38;
	[tilespmem:$0x17180] =	vst v63  }
0x23: {  	_ =	swait.ge [sflag:s12], $0x640  }
0x24: {  	[sflag:s12] =	ssyncset.done $0x0  }
0x25: {  	s18 =	simm.s32 $0xD00;
	s17 =	rddreg [dreg:$0x6];
	[sflag:s12] =	ssyncadd.s32 $0xFFFFF9C0  }
0x26: {  	[tilespmem:s18], [sflag:$0x8] =	stream.linear.gather [hbm4b:s17+s3], $0x640, $0x38;
	[tilespmem:$0x17180] =	vst v63  }
0x27: {  	_ =	swait.ge [sflag:s12], $0x640  }
0x28: {  	[sflag:s12] =	ssyncset.done $0x0  }
0x29: {  	s6 =	simm.s32 $0x0;
	[sflag:s12] =	ssyncadd.s32 $0xFFFFF9C0  }
0x2a: {  	v0 =	vld [tilespmem:s6+$0x680]  }
0x2b: {  	s7 =	simm.s32 $0x40;
	v1 =	vld [tilespmem:s6+$0xD00]  }
.LBB2_2:
0x2c: {  	p2 =	sne.s32 s7, $0x18C0  }
.Ltmp0:
0x2d: {  	_ = 	snop;
	(pc) =	sbr.rel @p2 .LBB2_2-.Ltmp0, $4  }
0x2e: {  	_ = 	snop  }
0x2f: {  	s8 =	sshra.s32 s7, $0x2;
	s7 =	sadd.s32 $0x40, s7;
	v2 =	vshll.u32 v0, $0xA  }
0x30: {  	v0 =	vld [tilespmem:s8+$0x680];
	v2 =	vadd.s32 v1, v2  }
0x31: {  	v1 =	vld [tilespmem:s8+$0xD00];
	[tilespmem:s6+$0x1380] =	vst v2;
	s6 =	smov.u32 s8  }
0x32: {  	_ =	sdelay $0x2  }
0x33: {  	v0 =	vshll.u32 v0, $0xA  }
0x34: {  	v0 =	vadd.s32 v1, v0  }
0x35: {  	s18 =	simm.s32 $0x1A00;
	s7 =	simm.s32 $0x680;
	[tilespmem:s6+$0x1380] =	vst v0  }
0x36: {  	[tilespmem:s18], [sflag:$0x7] =	stream.indirect.gather [hbm4b:s4+s19], $0x1, s7, s19, $0xb8;
	[tilespmem:$0x17180] =	vst v63  }
0x37: {  	s8 =	simm.s32 $0x1380;
	s6 =	simm.s32 $0x140;
	s7 =	simm.s32 $0x2080  }
.LBB2_4:
0x38: {  	[tilespmem:s7], [sflag:$0x7] =	stream.indirect.gather [hbm4b:s5+s19], $0x1, s8, s19, $0xb8;
	[tilespmem:$0x17180] =	vst v63  }
0x39: {  	s7 =	smov.u32 s6;
	p2 =	sne.s32 s6, $0x17C0  }
.Ltmp1:
0x3a: {  	s6 =	sadd.s32 $0x140, s6;
	(pc) =	sbr.rel @p2 .LBB2_4-.Ltmp1, $4  }
0x3b: {  	s8 =	sshra.s32 s7, $0x2  }
0x3c: {  	s7 =	sadd.s32 $0x1A00, s8;
	s10 =	sadd.s32 $0x680, s8  }
0x3d: {  	[tilespmem:s7], [sflag:$0x7] =	stream.indirect.gather [hbm4b:s4+s19], $0x1, s10, s19, $0xb8;
	[tilespmem:$0x17180] =	vst v63  }
0x3e: {  	s7 =	sadd.s32 $0x2080, s8;
	s8 =	sadd.s32 $0x1380, s8  }
0x3f: {  	[tilespmem:s7], [sflag:$0x7] =	stream.indirect.gather [hbm4b:s5+s19], $0x1, s8, s19, $0xb8;
	[tilespmem:$0x17180] =	vst v63  }
0x40: {  	s15 =	simm.s32 $0x0;
	s6 =	rddreg [dreg:$0x7]  }
0x41: {  	[tilespmem:s15], [sflag:$0x8] =	stream.linear.gather [hbm4b:s6+s15], $0x680, $0x38;
	[tilespmem:$0x17180] =	vst v63  }
.Ltmp2:
0x42: {  	_ = 	snop;
	(pc) =	sbr.rel .LBB2_6-.Ltmp2, $4  }
0x43: {  	_ =	swait.ge [sflag:s12], $0x680  }
0x44: {  	[sflag:s12] =	ssyncset.done $0x0  }
0x45: {  	s8 =	simm.s32 $0x0;
	s14 =	rddreg [dreg:$0xa];
	[sflag:s12] =	ssyncadd.s32 $0xFFFFF980  }
0x46: {  	[tilespmem:s20], [sflag:$0x1] =	stream.linear.gather [spmem:s2], $0x2000, $0x38;
	[tilespmem:$0x17180] =	vst v63  }
.LBB2_15:
0x47: {  	s8 =	sadd.s32 $0x1, s8  }
0x48: {  	p2 =	sne.s32 s8, $0x3F  }
.Ltmp3:
0x49: {  	_ = 	snop;
	(pc) =	sbr.rel @!p2 .LBB2_16-.Ltmp3, $2  }
0x4a: {  	_ =	sdelay $0x2  }
0x4b: {  	s14 =	sadd.s32 $0x19000, s14;
	s15 =	sadd.s32 s9, s15  }
.LBB2_6:
0x4c: {  	s10 =	sshllo.u32 s8, $0x1  }
0x4d: {  	p2 =	sgt.u32 s10, $0x7C  }
0x4e: {  	s6 =	sshll.u32 @!p2 s10, $0xD  }
0x4f: {  	s6 =	sand.u32 @!p2 $0x3FFFE000, s6  }
0x50: {  	s7 =	simm.s32 @!p2 $0x4700;
	s6 =	sadd.s32 @!p2 s6, s2  }
0x51: {  	[tilespmem:s7], [sflag:$0x2] =	stream.linear.gather @!p2 [spmem:s6], $0x2000, $0x38;
	[tilespmem:$0x17180] =	vst v63  }
0x52: {  	_ =	swait.ge [sflag:s21], $0x2000  }
0x53: {  	s12 =	smul.u32 $0xC8000, s8;
	s13 =	simm.s32 $0x100;
	[sflag:s21] =	ssyncset.done $0x0  }
0x54: {  	s6 =	smov.u32 s15;
	s7 =	simm.s32 $0x0;
	[sflag:s21] =	ssyncadd.s32 $0xFFFFE000  }
.LBB2_7:
0x55: {  	p3 =	slt.u32 s6, $0x4  }
0x56: {  	s17 =	simm.s32 @!p3 $0x3  }
0x57: {  	_ =	swait.ge @!p3 [sflag:s17], $0x400  }
0x58: {  	[sflag:s17] =	ssyncset.done @!p3 $0x0  }
0x59: {  	[sflag:s17] =	ssyncadd.s32 @!p3 $0xFFFFFC00  }
0x5a: {  	v0 =	vld [tilespmem:s13+$0xFFFFFF00]  }
0x5b: {  	v1 =	vld [tilespmem:s13+$0xFFFFFF10]  }
0x5c: {  	v2 =	vld [tilespmem:s13+$0xFFFFFF20];
	_ =	sdelay $0x5  }
0x5d: {  	v3 =	vld.idx.msk [tilespmem:v0+s20+$0x0], $0xffff  }
0x5e: {  	v4 =	vadd.s32 $0x400, v0;
	v5 =	vld.idx.msk [tilespmem:v1+s20+$0x0], $0xffff  }
0x5f: {  	v6 =	vadd.s32 $0x400, v1;
	v7 =	vld.idx.msk [tilespmem:v2+s20+$0x0], $0xffff  }
0x60: {  	v8 =	vadd.s32 $0x400, v2;
	_ =	sdelay $0x1  }
0x61: {  	[tilespmem:$0x6700] =	vst v3  }
0x62: {  	[tilespmem:$0x6710] =	vst v5;
	v3 =	vld.idx.msk [tilespmem:v4+s20+$0x0], $0xffff  }
0x63: {  	v60 =	vadd.s32 $0x800, v0;
	[tilespmem:$0x6720] =	vst v7;
	v5 =	vld.idx.msk [tilespmem:v6+s20+$0x0], $0xffff  }
0x64: {  	v61 =	vadd.s32 $0x800, v1;
	v7 =	vld.idx.msk [tilespmem:v8+s20+$0x0], $0xffff  }
0x65: {  	v62 =	vadd.s32 $0x800, v2;
	_ =	sdelay $0x1  }
0x66: {  	[tilespmem:$0x6780] =	vst v3  }
0x67: {  	[tilespmem:$0x6790] =	vst v5;
	v3 =	vld.idx.msk [tilespmem:v60+s20+$0x0], $0xffff  }
0x68: {  	v63 =	vadd.s32 $0xC00, v0;
	[tilespmem:$0x67A0] =	vst v7;
	v5 =	vld.idx.msk [tilespmem:v61+s20+$0x0], $0xffff  }
0x69: {  	v12 =	vadd.s32 $0xC00, v1;
	v7 =	vld.idx.msk [tilespmem:v62+s20+$0x0], $0xffff  }
0x6a: {  	v13 =	vadd.s32 $0xC00, v2;
	_ =	sdelay $0x1  }
0x6b: {  	[tilespmem:$0x6800] =	vst v3  }
0x6c: {  	[tilespmem:$0x6810] =	vst v5;
	v3 =	vld.idx.msk [tilespmem:v63+s20+$0x0], $0xffff  }
0x6d: {  	v14 =	vadd.s32 $0x1000, v0;
	[tilespmem:$0x6820] =	vst v7;
	v5 =	vld.idx.msk [tilespmem:v12+s20+$0x0], $0xffff  }
0x6e: {  	v15 =	vadd.s32 $0x1000, v1;
	v7 =	vld.idx.msk [tilespmem:v13+s20+$0x0], $0xffff  }
0x6f: {  	v16 =	vadd.s32 $0x1000, v2;
	_ =	sdelay $0x1  }
0x70: {  	[tilespmem:$0x6880] =	vst v3  }
0x71: {  	[tilespmem:$0x6890] =	vst v5;
	v3 =	vld.idx.msk [tilespmem:v14+s20+$0x0], $0xffff  }
0x72: {  	v17 =	vadd.s32 $0x1400, v0;
	[tilespmem:$0x68A0] =	vst v7;
	v5 =	vld.idx.msk [tilespmem:v15+s20+$0x0], $0xffff  }
0x73: {  	v18 =	vadd.s32 $0x1400, v1;
	v7 =	vld.idx.msk [tilespmem:v16+s20+$0x0], $0xffff  }
0x74: {  	v19 =	vadd.s32 $0x1400, v2;
	_ =	sdelay $0x1  }
0x75: {  	[tilespmem:$0x6900] =	vst v3  }
0x76: {  	[tilespmem:$0x6910] =	vst v5;
	v3 =	vld.idx.msk [tilespmem:v17+s20+$0x0], $0xffff  }
0x77: {  	v20 =	vadd.s32 $0x1800, v0;
	[tilespmem:$0x6920] =	vst v7;
	v5 =	vld.idx.msk [tilespmem:v18+s20+$0x0], $0xffff  }
0x78: {  	v21 =	vadd.s32 $0x1800, v1;
	v7 =	vld.idx.msk [tilespmem:v19+s20+$0x0], $0xffff  }
0x79: {  	v24 =	vld [tilespmem:s13+$0xFFFFFF30];
	v22 =	vadd.s32 $0x1800, v2;
	_ =	sdelay $0x1  }
0x7a: {  	[tilespmem:$0x6980] =	vst v3  }
0x7b: {  	[tilespmem:$0x6990] =	vst v5;
	v3 =	vld.idx.msk [tilespmem:v20+s20+$0x0], $0xffff  }
0x7c: {  	v0 =	vadd.s32 $0x1C00, v0;
	[tilespmem:$0x69A0] =	vst v7;
	v23 =	vld.idx.msk [tilespmem:v21+s20+$0x0], $0xffff  }
0x7d: {  	v1 =	vadd.s32 $0x1C00, v1;
	v25 =	vld.idx.msk [tilespmem:v22+s20+$0x0], $0xffff  }
0x7e: {  	v2 =	vadd.s32 $0x1C00, v2;
	_ =	sdelay $0x1  }
0x7f: {  	v26 =	vld.idx.msk [tilespmem:v24+s20+$0x0], $0xffff;
	[tilespmem:$0x6A00] =	vst v3  }
0x80: {  	[tilespmem:$0x6A10] =	vst v23;
	v0 =	vld.idx.msk [tilespmem:v0+s20+$0x0], $0xffff  }
0x81: {  	[tilespmem:$0x6A20] =	vst v25;
	v1 =	vld.idx.msk [tilespmem:v1+s20+$0x0], $0xffff  }
0x82: {  	v2 =	vld.idx.msk [tilespmem:v2+s20+$0x0], $0xffff  }
0x83: {  	v27 =	vadd.s32 $0x400, v24  }
0x84: {  	[tilespmem:$0x6730] =	vst v26  }
0x85: {  	[tilespmem:$0x6A80] =	vst v0  }
0x86: {  	[tilespmem:$0x6A90] =	vst v1  }
0x87: {  	[tilespmem:$0x6AA0] =	vst v2  }
0x88: {  	v0 =	vld.idx.msk [tilespmem:v27+s20+$0x0], $0xffff  }
0x89: {  	v28 =	vld [tilespmem:s13+$0xFFFFFF40]  }
0x8a: {  	v29 =	vld [tilespmem:s13+$0xFFFFFF50]  }
0x8b: {  	v30 =	vld [tilespmem:s13+$0xFFFFFF60]  }
0x8c: {  	v4 =	vld [tilespmem:s13+$0xFFFFFF70];
	_ =	sdelay $0x4  }
0x8d: {  	v31 =	vld.idx.msk [tilespmem:v28+s20+$0x0], $0xffff  }
0x8e: {  	v32 =	vadd.s32 $0x400, v28;
	v33 =	vld.idx.msk [tilespmem:v29+s20+$0x0], $0xffff  }
0x8f: {  	v9 =	vadd.s32 $0x400, v29;
	v10 =	vld.idx.msk [tilespmem:v30+s20+$0x0], $0xffff  }
0x90: {  	v11 =	vadd.s32 $0x400, v30;
	v12 =	vld.idx.msk [tilespmem:v4+s20+$0x0], $0xffff  }
0x91: {  	v13 =	vadd.s32 $0x400, v4  }
0x92: {  	[tilespmem:$0x6740] =	vst v31  }
0x93: {  	v34 =	vadd.s32 $0x800, v24;
	[tilespmem:$0x6750] =	vst v33;
	v7 =	vld.idx.msk [tilespmem:v32+s20+$0x0], $0xffff  }
0x94: {  	v35 =	vadd.s32 $0x800, v28;
	[tilespmem:$0x6760] =	vst v10;
	v9 =	vld.idx.msk [tilespmem:v9+s20+$0x0], $0xffff  }
0x95: {  	v36 =	vadd.s32 $0x800, v29;
	[tilespmem:$0x6770] =	vst v12;
	v11 =	vld.idx.msk [tilespmem:v11+s20+$0x0], $0xffff  }
0x96: {  	v37 =	vadd.s32 $0x800, v30;
	v13 =	vld.idx.msk [tilespmem:v13+s20+$0x0], $0xffff  }
0x97: {  	[tilespmem:$0x67B0] =	vst v0;
	v38 =	vadd.s32 $0x800, v4  }
0x98: {  	v6 =	vld.idx.msk [tilespmem:v34+s20+$0x0], $0xffff;
	[tilespmem:$0x67C0] =	vst v7  }
0x99: {  	v39 =	vadd.s32 $0xC00, v24;
	[tilespmem:$0x67D0] =	vst v9;
	v8 =	vld.idx.msk [tilespmem:v35+s20+$0x0], $0xffff  }
0x9a: {  	v40 =	vadd.s32 $0xC00, v28;
	[tilespmem:$0x67E0] =	vst v11;
	v10 =	vld.idx.msk [tilespmem:v36+s20+$0x0], $0xffff  }
0x9b: {  	v41 =	vadd.s32 $0xC00, v29;
	[tilespmem:$0x67F0] =	vst v13;
	v12 =	vld.idx.msk [tilespmem:v37+s20+$0x0], $0xffff  }
0x9c: {  	v42 =	vadd.s32 $0xC00, v30;
	v0 =	vld.idx.msk [tilespmem:v38+s20+$0x0], $0xffff  }
0x9d: {  	v43 =	vadd.s32 $0xC00, v4;
	[tilespmem:$0x6830] =	vst v6  }
0x9e: {  	v7 =	vld.idx.msk [tilespmem:v39+s20+$0x0], $0xffff;
	[tilespmem:$0x6840] =	vst v8  }
0x9f: {  	v44 =	vadd.s32 $0x1000, v24;
	[tilespmem:$0x6850] =	vst v10;
	v9 =	vld.idx.msk [tilespmem:v40+s20+$0x0], $0xffff  }
0xa0: {  	v45 =	vadd.s32 $0x1000, v28;
	[tilespmem:$0x6860] =	vst v12;
	v11 =	vld.idx.msk [tilespmem:v41+s20+$0x0], $0xffff  }
0xa1: {  	v46 =	vadd.s32 $0x1000, v29;
	[tilespmem:$0x6870] =	vst v0;
	v13 =	vld.idx.msk [tilespmem:v42+s20+$0x0], $0xffff  }
0xa2: {  	v47 =	vadd.s32 $0x1000, v30;
	v6 =	vld.idx.msk [tilespmem:v43+s20+$0x0], $0xffff  }
0xa3: {  	v48 =	vadd.s32 $0x1000, v4;
	[tilespmem:$0x68B0] =	vst v7  }
0xa4: {  	v8 =	vld.idx.msk [tilespmem:v44+s20+$0x0], $0xffff;
	[tilespmem:$0x68C0] =	vst v9  }
0xa5: {  	v49 =	vadd.s32 $0x1400, v24;
	[tilespmem:$0x68D0] =	vst v11;
	v10 =	vld.idx.msk [tilespmem:v45+s20+$0x0], $0xffff  }
0xa6: {  	v50 =	vadd.s32 $0x1400, v28;
	[tilespmem:$0x68E0] =	vst v13;
	v12 =	vld.idx.msk [tilespmem:v46+s20+$0x0], $0xffff  }
0xa7: {  	v51 =	vadd.s32 $0x1400, v29;
	[tilespmem:$0x68F0] =	vst v6;
	v0 =	vld.idx.msk [tilespmem:v47+s20+$0x0], $0xffff  }
0xa8: {  	v52 =	vadd.s32 $0x1400, v30;
	v7 =	vld.idx.msk [tilespmem:v48+s20+$0x0], $0xffff  }
0xa9: {  	v53 =	vadd.s32 $0x1400, v4;
	[tilespmem:$0x6930] =	vst v8  }
0xaa: {  	v9 =	vld.idx.msk [tilespmem:v49+s20+$0x0], $0xffff;
	[tilespmem:$0x6940] =	vst v10  }
0xab: {  	v54 =	vadd.s32 $0x1800, v24;
	[tilespmem:$0x6950] =	vst v12;
	v11 =	vld.idx.msk [tilespmem:v50+s20+$0x0], $0xffff  }
0xac: {  	v55 =	vadd.s32 $0x1800, v28;
	[tilespmem:$0x6960] =	vst v0;
	v13 =	vld.idx.msk [tilespmem:v51+s20+$0x0], $0xffff  }
0xad: {  	v56 =	vadd.s32 $0x1800, v29;
	[tilespmem:$0x6970] =	vst v7;
	v6 =	vld.idx.msk [tilespmem:v52+s20+$0x0], $0xffff  }
0xae: {  	v57 =	vadd.s32 $0x1800, v30;
	v8 =	vld.idx.msk [tilespmem:v53+s20+$0x0], $0xffff  }
0xaf: {  	v58 =	vadd.s32 $0x1800, v4;
	[tilespmem:$0x69B0] =	vst v9  }
0xb0: {  	v10 =	vld.idx.msk [tilespmem:v54+s20+$0x0], $0xffff;
	[tilespmem:$0x69C0] =	vst v11  }
0xb1: {  	v5 =	vadd.s32 $0x1C00, v24;
	[tilespmem:$0x69D0] =	vst v13;
	v11 =	vld.idx.msk [tilespmem:v55+s20+$0x0], $0xffff  }
0xb2: {  	v1 =	vadd.s32 $0x1C00, v28;
	[tilespmem:$0x69E0] =	vst v6;
	v0 =	vld.idx.msk [tilespmem:v56+s20+$0x0], $0xffff  }
0xb3: {  	v2 =	vadd.s32 $0x1C00, v29;
	[tilespmem:$0x69F0] =	vst v8;
	v6 =	vld.idx.msk [tilespmem:v57+s20+$0x0], $0xffff  }
0xb4: {  	v3 =	vadd.s32 $0x1C00, v30;
	v59 =	vld.idx.msk [tilespmem:v58+s20+$0x0], $0xffff  }
0xb5: {  	v4 =	vadd.s32 $0x1C00, v4;
	[tilespmem:$0x6A30] =	vst v10  }
0xb6: {  	v5 =	vld.idx.msk [tilespmem:v5+s20+$0x0], $0xffff;
	[tilespmem:$0x6A40] =	vst v11  }
0xb7: {  	[tilespmem:$0x6A50] =	vst v0;
	v1 =	vld.idx.msk [tilespmem:v1+s20+$0x0], $0xffff  }
0xb8: {  	[tilespmem:$0x6A60] =	vst v6;
	v0 =	vld.idx.msk [tilespmem:v2+s20+$0x0], $0xffff  }
0xb9: {  	[tilespmem:$0x6A70] =	vst v59;
	v60 =	vld.idx.msk [tilespmem:v3+s20+$0x0], $0xffff  }
0xba: {  	v61 =	vld.idx.msk [tilespmem:v4+s20+$0x0], $0xffff  }
0xbb: {  	[tilespmem:$0x6AB0] =	vst v5  }
0xbc: {  	[tilespmem:$0x6AC0] =	vst v1  }
0xbd: {  	[tilespmem:$0x6AD0] =	vst v0  }
0xbe: {  	[tilespmem:$0x6AE0] =	vst v60  }
0xbf: {  	s18 =	simm.s32 @!p3 $0x4;
	s17 =	sadd.s32 s7, s14;
	[tilespmem:$0x6AF0] =	vst v61  }
0xc0: {  	[hbm4b:s17+s3] =	stream.linear.scatter [tilespmem:s22], [sflag:$0x3], $0x400, $0x38;
	[tilespmem:$0x17180] =	vst v63  }
0xc1: {  	_ =	swait.ge @!p3 [sflag:s18], $0x400  }
0xc2: {  	[sflag:s18] =	ssyncset.done @!p3 $0x0  }
0xc3: {  	[sflag:s18] =	ssyncadd.s32 @!p3 $0xFFFFFC00  }
0xc4: {  	v62 =	vld [tilespmem:s13+$0xFFFFFF80]  }
0xc5: {  	v63 =	vld [tilespmem:s13+$0xFFFFFF90];
	_ =	sdelay $0x6  }
0xc6: {  	v8 =	vld.idx.msk [tilespmem:v62+s20+$0x0], $0xffff  }
0xc7: {  	v9 =	vadd.s32 $0x400, v62;
	v10 =	vld.idx.msk [tilespmem:v63+s20+$0x0], $0xffff  }
0xc8: {  	v11 =	vadd.s32 $0x400, v63;
	_ =	sdelay $0x2  }
0xc9: {  	[tilespmem:$0x6B00] =	vst v8  }
0xca: {  	[tilespmem:$0x6B10] =	vst v10;
	v2 =	vld.idx.msk [tilespmem:v9+s20+$0x0], $0xffff  }
0xcb: {  	v12 =	vadd.s32 $0x800, v62;
	v4 =	vld.idx.msk [tilespmem:v11+s20+$0x0], $0xffff  }
0xcc: {  	v13 =	vadd.s32 $0x800, v63;
	_ =	sdelay $0x2  }
0xcd: {  	[tilespmem:$0x6B80] =	vst v2  }
0xce: {  	[tilespmem:$0x6B90] =	vst v4;
	v2 =	vld.idx.msk [tilespmem:v12+s20+$0x0], $0xffff  }
0xcf: {  	v14 =	vadd.s32 $0xC00, v62;
	v4 =	vld.idx.msk [tilespmem:v13+s20+$0x0], $0xffff  }
0xd0: {  	v15 =	vadd.s32 $0xC00, v63;
	_ =	sdelay $0x2  }
0xd1: {  	[tilespmem:$0x6C00] =	vst v2  }
0xd2: {  	[tilespmem:$0x6C10] =	vst v4;
	v2 =	vld.idx.msk [tilespmem:v14+s20+$0x0], $0xffff  }
0xd3: {  	v16 =	vadd.s32 $0x1000, v62;
	v4 =	vld.idx.msk [tilespmem:v15+s20+$0x0], $0xffff  }
0xd4: {  	v17 =	vadd.s32 $0x1000, v63  }
0xd5: {  	v23 =	vld [tilespmem:s13+$0xFFFFFFA0]  }
0xd6: {  	v24 =	vld [tilespmem:s13+$0xFFFFFFB0]  }
0xd7: {  	v27 =	vld [tilespmem:s13+$0xFFFFFFE0];
	[tilespmem:$0x6C80] =	vst v2  }
0xd8: {  	[tilespmem:$0x6C90] =	vst v4;
	v2 =	vld.idx.msk [tilespmem:v16+s20+$0x0], $0xffff  }
0xd9: {  	v18 =	vadd.s32 $0x1400, v62;
	v4 =	vld.idx.msk [tilespmem:v17+s20+$0x0], $0xffff  }
0xda: {  	v25 =	vld [tilespmem:s13+$0xFFFFFFC0];
	v19 =	vadd.s32 $0x1400, v63  }
0xdb: {  	v28 =	vld [tilespmem:s13+$0xFFFFFFF0]  }
0xdc: {  	v26 =	vld [tilespmem:s13+$0xFFFFFFD0]  }
0xdd: {  	v29 =	vld.idx.msk [tilespmem:v23+s20+$0x0], $0xffff;
	[tilespmem:$0x6D00] =	vst v2  }
0xde: {  	[tilespmem:$0x6D10] =	vst v4;
	v2 =	vld.idx.msk [tilespmem:v18+s20+$0x0], $0xffff  }
0xdf: {  	v20 =	vadd.s32 $0x1800, v62;
	v4 =	vld.idx.msk [tilespmem:v19+s20+$0x0], $0xffff  }
0xe0: {  	v21 =	vadd.s32 $0x1800, v63;
	v31 =	vld.idx.msk [tilespmem:v24+s20+$0x0], $0xffff  }
0xe1: {  	v14 =	vld.idx.msk [tilespmem:v27+s20+$0x0], $0xffff  }
0xe2: {  	v37 =	vadd.s32 $0x400, v27;
	v33 =	vld.idx.msk [tilespmem:v25+s20+$0x0], $0xffff;
	[tilespmem:$0x6B20] =	vst v29  }
0xe3: {  	v30 =	vadd.s32 $0x400, v23;
	v15 =	vld.idx.msk [tilespmem:v28+s20+$0x0], $0xffff;
	[tilespmem:$0x6D80] =	vst v2  }
0xe4: {  	v38 =	vadd.s32 $0x400, v28;
	[tilespmem:$0x6D90] =	vst v4;
	v2 =	vld.idx.msk [tilespmem:v20+s20+$0x0], $0xffff  }
0xe5: {  	v0 =	vadd.s32 $0x1C00, v62;
	[tilespmem:$0x6B30] =	vst v31;
	v22 =	vld.idx.msk [tilespmem:v21+s20+$0x0], $0xffff  }
0xe6: {  	v1 =	vadd.s32 $0x1C00, v63;
	v35 =	vld.idx.msk [tilespmem:v26+s20+$0x0], $0xffff;
	[tilespmem:$0x6B60] =	vst v14  }
0xe7: {  	v32 =	vadd.s32 $0x400, v24;
	[tilespmem:$0x6B40] =	vst v33;
	v3 =	vld.idx.msk [tilespmem:v37+s20+$0x0], $0xffff  }
0xe8: {  	v43 =	vadd.s32 $0x800, v27;
	v9 =	vld.idx.msk [tilespmem:v30+s20+$0x0], $0xffff;
	[tilespmem:$0x6B70] =	vst v15  }
0xe9: {  	v39 =	vadd.s32 $0x800, v23;
	v10 =	vld.idx.msk [tilespmem:v38+s20+$0x0], $0xffff;
	[tilespmem:$0x6E00] =	vst v2  }
0xea: {  	v34 =	vadd.s32 $0x400, v25;
	[tilespmem:$0x6E10] =	vst v22;
	v0 =	vld.idx.msk [tilespmem:v0+s20+$0x0], $0xffff  }
0xeb: {  	v36 =	vadd.s32 $0x400, v26;
	[tilespmem:$0x6B50] =	vst v35;
	v1 =	vld.idx.msk [tilespmem:v1+s20+$0x0], $0xffff  }
0xec: {  	v44 =	vadd.s32 $0x800, v28;
	v11 =	vld.idx.msk [tilespmem:v32+s20+$0x0], $0xffff;
	[tilespmem:$0x6BE0] =	vst v3  }
0xed: {  	v40 =	vadd.s32 $0x800, v24;
	[tilespmem:$0x6BA0] =	vst v9;
	v9 =	vld.idx.msk [tilespmem:v43+s20+$0x0], $0xffff  }
0xee: {  	v49 =	vadd.s32 $0xC00, v27;
	v12 =	vld.idx.msk [tilespmem:v39+s20+$0x0], $0xffff;
	[tilespmem:$0x6BF0] =	vst v10  }
0xef: {  	v45 =	vadd.s32 $0xC00, v23;
	[tilespmem:$0x6E80] =	vst v0;
	v0 =	vld.idx.msk [tilespmem:v34+s20+$0x0], $0xffff  }
0xf0: {  	v41 =	vadd.s32 $0x800, v25;
	[tilespmem:$0x6E90] =	vst v1;
	v1 =	vld.idx.msk [tilespmem:v36+s20+$0x0], $0xffff  }
0xf1: {  	v42 =	vadd.s32 $0x800, v26;
	[tilespmem:$0x6BB0] =	vst v11;
	v11 =	vld.idx.msk [tilespmem:v44+s20+$0x0], $0xffff  }
0xf2: {  	v50 =	vadd.s32 $0xC00, v28;
	v13 =	vld.idx.msk [tilespmem:v40+s20+$0x0], $0xffff;
	[tilespmem:$0x6C60] =	vst v9  }
0xf3: {  	v46 =	vadd.s32 $0xC00, v24;
	[tilespmem:$0x6C20] =	vst v12;
	v12 =	vld.idx.msk [tilespmem:v49+s20+$0x0], $0xffff  }
0xf4: {  	v55 =	vadd.s32 $0x1000, v27;
	[tilespmem:$0x6BC0] =	vst v0;
	v0 =	vld.idx.msk [tilespmem:v45+s20+$0x0], $0xffff  }
0xf5: {  	v51 =	vadd.s32 $0x1000, v23;
	[tilespmem:$0x6BD0] =	vst v1;
	v14 =	vld.idx.msk [tilespmem:v41+s20+$0x0], $0xffff  }
0xf6: {  	v47 =	vadd.s32 $0xC00, v25;
	[tilespmem:$0x6C70] =	vst v11;
	v15 =	vld.idx.msk [tilespmem:v42+s20+$0x0], $0xffff  }
0xf7: {  	v48 =	vadd.s32 $0xC00, v26;
	[tilespmem:$0x6C30] =	vst v13;
	v13 =	vld.idx.msk [tilespmem:v50+s20+$0x0], $0xffff  }
0xf8: {  	v56 =	vadd.s32 $0x1000, v28;
	[tilespmem:$0x6CE0] =	vst v12;
	v1 =	vld.idx.msk [tilespmem:v46+s20+$0x0], $0xffff  }
0xf9: {  	v52 =	vadd.s32 $0x1000, v24;
	[tilespmem:$0x6CA0] =	vst v0;
	v0 =	vld.idx.msk [tilespmem:v55+s20+$0x0], $0xffff  }
0xfa: {  	[tilespmem:$0x6C40] =	vst v14;
	v14 =	vld.idx.msk [tilespmem:v51+s20+$0x0], $0xffff  }
0xfb: {  	v61 =	vadd.s32 $0x1400, v27;
	[tilespmem:$0x6C50] =	vst v15;
	v3 =	vld.idx.msk [tilespmem:v47+s20+$0x0], $0xffff  }
0xfc: {  	v53 =	vadd.s32 $0x1000, v25;
	[tilespmem:$0x6CF0] =	vst v13;
	v10 =	vld.idx.msk [tilespmem:v48+s20+$0x0], $0xffff  }
0xfd: {  	v54 =	vadd.s32 $0x1000, v26;
	[tilespmem:$0x6CB0] =	vst v1;
	v1 =	vld.idx.msk [tilespmem:v56+s20+$0x0], $0xffff  }
0xfe: {  	v62 =	vadd.s32 $0x1400, v28;
	v15 =	vld.idx.msk [tilespmem:v52+s20+$0x0], $0xffff;
	[tilespmem:$0x6D60] =	vst v0  }
0xff: {  	v57 =	vadd.s32 $0x1400, v23;
	[tilespmem:$0x6D20] =	vst v14  }
0x100: {  	v14 =	vld.idx.msk [tilespmem:v61+s20+$0x0], $0xffff;
	[tilespmem:$0x6CC0] =	vst v3  }
0x101: {  	v58 =	vadd.s32 $0x1400, v24;
	[tilespmem:$0x6CD0] =	vst v10;
	v9 =	vld.idx.msk [tilespmem:v53+s20+$0x0], $0xffff  }
0x102: {  	v59 =	vadd.s32 $0x1400, v25;
	[tilespmem:$0x6D70] =	vst v1;
	v11 =	vld.idx.msk [tilespmem:v54+s20+$0x0], $0xffff  }
0x103: {  	v60 =	vadd.s32 $0x1400, v26;
	[tilespmem:$0x6D30] =	vst v15;
	v15 =	vld.idx.msk [tilespmem:v62+s20+$0x0], $0xffff  }
0x104: {  	v21 =	vadd.s32 $0x1800, v27;
	v3 =	vld.idx.msk [tilespmem:v57+s20+$0x0], $0xffff  }
0x105: {  	v22 =	vadd.s32 $0x1800, v28;
	[tilespmem:$0x6DE0] =	vst v14  }
0x106: {  	v63 =	vadd.s32 $0x1800, v23;
	v10 =	vld.idx.msk [tilespmem:v58+s20+$0x0], $0xffff;
	[tilespmem:$0x6D40] =	vst v9  }
0x107: {  	v18 =	vadd.s32 $0x1800, v24;
	[tilespmem:$0x6D50] =	vst v11;
	v12 =	vld.idx.msk [tilespmem:v59+s20+$0x0], $0xffff  }
0x108: {  	v19 =	vadd.s32 $0x1800, v25;
	[tilespmem:$0x6DF0] =	vst v15;
	v13 =	vld.idx.msk [tilespmem:v60+s20+$0x0], $0xffff  }
0x109: {  	v20 =	vadd.s32 $0x1800, v26;
	[tilespmem:$0x6DA0] =	vst v3;
	v3 =	vld.idx.msk [tilespmem:v21+s20+$0x0], $0xffff  }
0x10a: {  	v8 =	vadd.s32 $0x1C00, v27;
	v4 =	vadd.s32 $0x1C00, v23;
	v23 =	vld.idx.msk [tilespmem:v22+s20+$0x0], $0xffff  }
0x10b: {  	v2 =	vadd.s32 $0x1C00, v28;
	[tilespmem:$0x6DB0] =	vst v10;
	v9 =	vld.idx.msk [tilespmem:v63+s20+$0x0], $0xffff  }
0x10c: {  	v11 =	vld.idx.msk [tilespmem:v18+s20+$0x0], $0xffff;
	[tilespmem:$0x6DC0] =	vst v12  }
0x10d: {  	v5 =	vadd.s32 $0x1C00, v24;
	[tilespmem:$0x6DD0] =	vst v13;
	v0 =	vld.idx.msk [tilespmem:v19+s20+$0x0], $0xffff  }
0x10e: {  	v6 =	vadd.s32 $0x1C00, v25;
	[tilespmem:$0x6E60] =	vst v3;
	v1 =	vld.idx.msk [tilespmem:v20+s20+$0x0], $0xffff  }
0x10f: {  	v7 =	vadd.s32 $0x1C00, v26;
	[tilespmem:$0x6E70] =	vst v23;
	v3 =	vld.idx.msk [tilespmem:v8+s20+$0x0], $0xffff  }
0x110: {  	[tilespmem:$0x6E20] =	vst v9;
	v2 =	vld.idx.msk [tilespmem:v2+s20+$0x0], $0xffff  }
0x111: {  	[tilespmem:$0x6E30] =	vst v11;
	v4 =	vld.idx.msk [tilespmem:v4+s20+$0x0], $0xffff  }
0x112: {  	v5 =	vld.idx.msk [tilespmem:v5+s20+$0x0], $0xffff;
	[tilespmem:$0x6E40] =	vst v0  }
0x113: {  	[tilespmem:$0x6E50] =	vst v1;
	v0 =	vld.idx.msk [tilespmem:v6+s20+$0x0], $0xffff  }
0x114: {  	[tilespmem:$0x6EE0] =	vst v3;
	v1 =	vld.idx.msk [tilespmem:v7+s20+$0x0], $0xffff  }
0x115: {  	[tilespmem:$0x6EF0] =	vst v2  }
0x116: {  	[tilespmem:$0x6EA0] =	vst v4  }
0x117: {  	[tilespmem:$0x6EB0] =	vst v5  }
0x118: {  	[tilespmem:$0x6EC0] =	vst v0  }
0x119: {  	s18 =	sadd.s32 $0x80, s17;
	[tilespmem:$0x6ED0] =	vst v1  }
0x11a: {  	[hbm4b:s18+s3] =	stream.linear.scatter [tilespmem:s23], [sflag:$0x4], $0x400, $0x38;
	[tilespmem:$0x17180] =	vst v63  }
0x11b: {  	s18 =	sadd.s32 $0x2, s6  }
0x11c: {  	p3 =	slt.u32 s18, $0x4  }
0x11d: {  	s18 =	simm.s32 @!p3 $0x5  }
0x11e: {  	_ =	swait.ge @!p3 [sflag:s18], $0x400  }
0x11f: {  	[sflag:s18] =	ssyncset.done @!p3 $0x0  }
0x120: {  	[sflag:s18] =	ssyncadd.s32 @!p3 $0xFFFFFC00  }
0x121: {  	v24 =	vld [tilespmem:s13+$0x0]  }
0x122: {  	v25 =	vld [tilespmem:s13+$0x10];
	_ =	sdelay $0x6  }
0x123: {  	v26 =	vld.idx.msk [tilespmem:v24+s20+$0x0], $0xffff  }
0x124: {  	v27 =	vadd.s32 $0x400, v24;
	v28 =	vld.idx.msk [tilespmem:v25+s20+$0x0], $0xffff  }
0x125: {  	v29 =	vadd.s32 $0x400, v25;
	_ =	sdelay $0x2  }
0x126: {  	[tilespmem:$0x6F00] =	vst v26  }
0x127: {  	[tilespmem:$0x6F10] =	vst v28;
	v2 =	vld.idx.msk [tilespmem:v27+s20+$0x0], $0xffff  }
0x128: {  	v30 =	vadd.s32 $0x800, v24;
	v4 =	vld.idx.msk [tilespmem:v29+s20+$0x0], $0xffff  }
0x129: {  	v31 =	vadd.s32 $0x800, v25;
	_ =	sdelay $0x2  }
0x12a: {  	[tilespmem:$0x6F80] =	vst v2  }
0x12b: {  	[tilespmem:$0x6F90] =	vst v4;
	v2 =	vld.idx.msk [tilespmem:v30+s20+$0x0], $0xffff  }
0x12c: {  	v32 =	vadd.s32 $0xC00, v24;
	v4 =	vld.idx.msk [tilespmem:v31+s20+$0x0], $0xffff  }
0x12d: {  	v33 =	vadd.s32 $0xC00, v25;
	_ =	sdelay $0x2  }
0x12e: {  	[tilespmem:$0x7000] =	vst v2  }
0x12f: {  	[tilespmem:$0x7010] =	vst v4;
	v2 =	vld.idx.msk [tilespmem:v32+s20+$0x0], $0xffff  }
0x130: {  	v34 =	vadd.s32 $0x1000, v24;
	v4 =	vld.idx.msk [tilespmem:v33+s20+$0x0], $0xffff  }
0x131: {  	v35 =	vadd.s32 $0x1000, v25;
	_ =	sdelay $0x2  }
0x132: {  	[tilespmem:$0x7080] =	vst v2  }
0x133: {  	[tilespmem:$0x7090] =	vst v4;
	v2 =	vld.idx.msk [tilespmem:v34+s20+$0x0], $0xffff  }
0x134: {  	v36 =	vadd.s32 $0x1400, v24;
	v4 =	vld.idx.msk [tilespmem:v35+s20+$0x0], $0xffff  }
0x135: {  	v37 =	vadd.s32 $0x1400, v25  }
0x136: {  	v5 =	vld [tilespmem:s13+$0x30];
	_ =	sdelay $0x1  }
0x137: {  	v41 =	vld [tilespmem:s13+$0x40];
	[tilespmem:$0x7100] =	vst v2  }
0x138: {  	[tilespmem:$0x7110] =	vst v4;
	v2 =	vld.idx.msk [tilespmem:v36+s20+$0x0], $0xffff  }
0x139: {  	v4 =	vld.idx.msk [tilespmem:v37+s20+$0x0], $0xffff  }
0x13a: {  	v44 =	vld [tilespmem:s13+$0x70];
	v38 =	vadd.s32 $0x1800, v24  }
0x13b: {  	v42 =	vld [tilespmem:s13+$0x50];
	v39 =	vadd.s32 $0x1800, v25  }
0x13c: {  	v43 =	vld [tilespmem:s13+$0x60]  }
0x13d: {  	v47 =	vld.idx.msk [tilespmem:v5+s20+$0x0], $0xffff;
	[tilespmem:$0x7180] =	vst v2  }
0x13e: {  	[tilespmem:$0x7190] =	vst v4;
	v4 =	vld [tilespmem:s13+$0x20]  }
0x13f: {  	v2 =	vld.idx.msk [tilespmem:v38+s20+$0x0], $0xffff  }
0x140: {  	v0 =	vadd.s32 $0x1C00, v24;
	v40 =	vld.idx.msk [tilespmem:v39+s20+$0x0], $0xffff  }
0x141: {  	v1 =	vadd.s32 $0x1C00, v25;
	v49 =	vld.idx.msk [tilespmem:v41+s20+$0x0], $0xffff  }
0x142: {  	v55 =	vld.idx.msk [tilespmem:v44+s20+$0x0], $0xffff  }
0x143: {  	v56 =	vadd.s32 $0x400, v44;
	v51 =	vld.idx.msk [tilespmem:v42+s20+$0x0], $0xffff;
	[tilespmem:$0x6F30] =	vst v47  }
0x144: {  	v48 =	vadd.s32 $0x400, v5;
	v53 =	vld.idx.msk [tilespmem:v43+s20+$0x0], $0xffff;
	[tilespmem:$0x7200] =	vst v2  }
0x145: {  	v50 =	vadd.s32 $0x400, v41;
	[tilespmem:$0x7210] =	vst v40;
	v0 =	vld.idx.msk [tilespmem:v0+s20+$0x0], $0xffff  }
0x146: {  	v52 =	vadd.s32 $0x400, v42;
	[tilespmem:$0x6F40] =	vst v49;
	v1 =	vld.idx.msk [tilespmem:v1+s20+$0x0], $0xffff  }
0x147: {  	v54 =	vadd.s32 $0x400, v43;
	[tilespmem:$0x6F70] =	vst v55;
	v45 =	vld.idx.msk [tilespmem:v4+s20+$0x0], $0xffff  }
0x148: {  	[tilespmem:$0x6F50] =	vst v51;
	v10 =	vld.idx.msk [tilespmem:v56+s20+$0x0], $0xffff;
	v46 =	vadd.s32 $0x400, v4  }
0x149: {  	v62 =	vadd.s32 $0x800, v44;
	[tilespmem:$0x6F60] =	vst v53;
	v11 =	vld.idx.msk [tilespmem:v48+s20+$0x0], $0xffff  }
0x14a: {  	v58 =	vadd.s32 $0x800, v5;
	[tilespmem:$0x7280] =	vst v0;
	v0 =	vld.idx.msk [tilespmem:v50+s20+$0x0], $0xffff  }
0x14b: {  	v59 =	vadd.s32 $0x800, v41;
	[tilespmem:$0x7290] =	vst v1;
	v1 =	vld.idx.msk [tilespmem:v52+s20+$0x0], $0xffff  }
0x14c: {  	v60 =	vadd.s32 $0x800, v42;
	v3 =	vld.idx.msk [tilespmem:v54+s20+$0x0], $0xffff;
	[tilespmem:$0x6F20] =	vst v45  }
0x14d: {  	v61 =	vadd.s32 $0x800, v43;
	[tilespmem:$0x6FF0] =	vst v10;
	v9 =	vld.idx.msk [tilespmem:v46+s20+$0x0], $0xffff  }
0x14e: {  	[tilespmem:$0x6FB0] =	vst v11;
	v11 =	vld.idx.msk [tilespmem:v62+s20+$0x0], $0xffff;
	v57 =	vadd.s32 $0x800, v4  }
0x14f: {  	v22 =	vadd.s32 $0xC00, v44;
	v13 =	vld.idx.msk [tilespmem:v58+s20+$0x0], $0xffff;
	[tilespmem:$0x6FC0] =	vst v0  }
0x150: {  	v18 =	vadd.s32 $0xC00, v5;
	[tilespmem:$0x6FD0] =	vst v1;
	v14 =	vld.idx.msk [tilespmem:v59+s20+$0x0], $0xffff  }
0x151: {  	v19 =	vadd.s32 $0xC00, v41;
	[tilespmem:$0x6FE0] =	vst v3;
	v15 =	vld.idx.msk [tilespmem:v60+s20+$0x0], $0xffff  }
0x152: {  	v20 =	vadd.s32 $0xC00, v42;
	[tilespmem:$0x6FA0] =	vst v9;
	v9 =	vld.idx.msk [tilespmem:v61+s20+$0x0], $0xffff  }
0x153: {  	v21 =	vadd.s32 $0xC00, v43;
	[tilespmem:$0x7070] =	vst v11;
	v12 =	vld.idx.msk [tilespmem:v57+s20+$0x0], $0xffff  }
0x154: {  	[tilespmem:$0x7030] =	vst v13;
	v13 =	vld.idx.msk [tilespmem:v22+s20+$0x0], $0xffff;
	v63 =	vadd.s32 $0xC00, v4  }
0x155: {  	v28 =	vadd.s32 $0x1000, v44;
	v1 =	vld.idx.msk [tilespmem:v18+s20+$0x0], $0xffff;
	[tilespmem:$0x7040] =	vst v14  }
0x156: {  	v24 =	vadd.s32 $0x1000, v5;
	[tilespmem:$0x7050] =	vst v15;
	v3 =	vld.idx.msk [tilespmem:v19+s20+$0x0], $0xffff  }
0x157: {  	v25 =	vadd.s32 $0x1000, v41;
	[tilespmem:$0x7060] =	vst v9;
	v10 =	vld.idx.msk [tilespmem:v20+s20+$0x0], $0xffff  }
0x158: {  	v26 =	vadd.s32 $0x1000, v42;
	[tilespmem:$0x7020] =	vst v12;
	v12 =	vld.idx.msk [tilespmem:v21+s20+$0x0], $0xffff  }
0x159: {  	v27 =	vadd.s32 $0x1000, v43;
	[tilespmem:$0x70F0] =	vst v13;
	v0 =	vld.idx.msk [tilespmem:v63+s20+$0x0], $0xffff  }
0x15a: {  	v23 =	vadd.s32 $0x1000, v4;
	[tilespmem:$0x70B0] =	vst v1;
	v1 =	vld.idx.msk [tilespmem:v28+s20+$0x0], $0xffff  }
0x15b: {  	v34 =	vadd.s32 $0x1400, v44;
	v15 =	vld.idx.msk [tilespmem:v24+s20+$0x0], $0xffff;
	[tilespmem:$0x70C0] =	vst v3  }
0x15c: {  	v30 =	vadd.s32 $0x1400, v5;
	[tilespmem:$0x70D0] =	vst v10;
	v9 =	vld.idx.msk [tilespmem:v25+s20+$0x0], $0xffff  }
0x15d: {  	v31 =	vadd.s32 $0x1400, v41;
	[tilespmem:$0x70E0] =	vst v12;
	v11 =	vld.idx.msk [tilespmem:v26+s20+$0x0], $0xffff  }
0x15e: {  	v32 =	vadd.s32 $0x1400, v42;
	[tilespmem:$0x70A0] =	vst v0;
	v0 =	vld.idx.msk [tilespmem:v27+s20+$0x0], $0xffff  }
0x15f: {  	v33 =	vadd.s32 $0x1400, v43;
	[tilespmem:$0x7170] =	vst v1;
	v14 =	vld.idx.msk [tilespmem:v23+s20+$0x0], $0xffff  }
0x160: {  	v29 =	vadd.s32 $0x1400, v4;
	[tilespmem:$0x7130] =	vst v15;
	v15 =	vld.idx.msk [tilespmem:v34+s20+$0x0], $0xffff  }
0x161: {  	v40 =	vadd.s32 $0x1800, v44;
	v10 =	vld.idx.msk [tilespmem:v30+s20+$0x0], $0xffff;
	[tilespmem:$0x7140] =	vst v9  }
0x162: {  	v36 =	vadd.s32 $0x1800, v5;
	[tilespmem:$0x7150] =	vst v11;
	v12 =	vld.idx.msk [tilespmem:v31+s20+$0x0], $0xffff  }
0x163: {  	v37 =	vadd.s32 $0x1800, v41;
	[tilespmem:$0x7160] =	vst v0;
	v13 =	vld.idx.msk [tilespmem:v32+s20+$0x0], $0xffff  }
0x164: {  	v38 =	vadd.s32 $0x1800, v42;
	[tilespmem:$0x7120] =	vst v14;
	v14 =	vld.idx.msk [tilespmem:v33+s20+$0x0], $0xffff  }
0x165: {  	v39 =	vadd.s32 $0x1800, v43;
	[tilespmem:$0x71F0] =	vst v15;
	v3 =	vld.idx.msk [tilespmem:v29+s20+$0x0], $0xffff  }
0x166: {  	v6 =	vadd.s32 $0x1C00, v41;
	v35 =	vadd.s32 $0x1800, v4;
	[tilespmem:$0x71B0] =	vst v10;
	v41 =	vld.idx.msk [tilespmem:v40+s20+$0x0], $0xffff  }
0x167: {  	v2 =	vadd.s32 $0x1C00, v44;
	v11 =	vld.idx.msk [tilespmem:v36+s20+$0x0], $0xffff;
	[tilespmem:$0x71C0] =	vst v12  }
0x168: {  	v5 =	vadd.s32 $0x1C00, v5;
	[tilespmem:$0x71D0] =	vst v13;
	v0 =	vld.idx.msk [tilespmem:v37+s20+$0x0], $0xffff  }
0x169: {  	v1 =	vld.idx.msk [tilespmem:v38+s20+$0x0], $0xffff;
	[tilespmem:$0x71E0] =	vst v14  }
0x16a: {  	v7 =	vadd.s32 $0x1C00, v42;
	[tilespmem:$0x71A0] =	vst v3;
	v3 =	vld.idx.msk [tilespmem:v39+s20+$0x0], $0xffff  }
0x16b: {  	v8 =	vadd.s32 $0x1C00, v43;
	[tilespmem:$0x7270] =	vst v41;
	v9 =	vld.idx.msk [tilespmem:v35+s20+$0x0], $0xffff  }
0x16c: {  	v4 =	vadd.s32 $0x1C00, v4;
	[tilespmem:$0x7230] =	vst v11;
	v2 =	vld.idx.msk [tilespmem:v2+s20+$0x0], $0xffff  }
0x16d: {  	v5 =	vld.idx.msk [tilespmem:v5+s20+$0x0], $0xffff;
	[tilespmem:$0x7240] =	vst v0  }
0x16e: {  	[tilespmem:$0x7250] =	vst v1;
	v0 =	vld.idx.msk [tilespmem:v6+s20+$0x0], $0xffff  }
0x16f: {  	v1 =	vld.idx.msk [tilespmem:v7+s20+$0x0], $0xffff;
	[tilespmem:$0x7260] =	vst v3  }
0x170: {  	[tilespmem:$0x7220] =	vst v9;
	v3 =	vld.idx.msk [tilespmem:v8+s20+$0x0], $0xffff  }
0x171: {  	[tilespmem:$0x72F0] =	vst v2;
	v4 =	vld.idx.msk [tilespmem:v4+s20+$0x0], $0xffff  }
0x172: {  	[tilespmem:$0x72B0] =	vst v5  }
0x173: {  	[tilespmem:$0x72C0] =	vst v0  }
0x174: {  	[tilespmem:$0x72D0] =	vst v1  }
0x175: {  	[tilespmem:$0x72E0] =	vst v3  }
0x176: {  	s18 =	sadd.s32 $0x100, s17;
	[tilespmem:$0x72A0] =	vst v4  }
0x177: {  	[hbm4b:s18+s3] =	stream.linear.scatter [tilespmem:s24], [sflag:$0x5], $0x400, $0x38;
	[tilespmem:$0x17180] =	vst v63  }
0x178: {  	s18 =	sadd.s32 $0x3, s6  }
0x179: {  	p3 =	slt.u32 s18, $0x4  }
0x17a: {  	s18 =	simm.s32 @!p3 $0x6  }
0x17b: {  	_ =	swait.ge @!p3 [sflag:s18], $0x400  }
0x17c: {  	[sflag:s18] =	ssyncset.done @!p3 $0x0  }
0x17d: {  	[sflag:s18] =	ssyncadd.s32 @!p3 $0xFFFFFC00  }
0x17e: {  	v42 =	vld [tilespmem:s13+$0x80]  }
0x17f: {  	v43 =	vld [tilespmem:s13+$0x90];
	_ =	sdelay $0x6  }
0x180: {  	v44 =	vld.idx.msk [tilespmem:v42+s20+$0x0], $0xffff  }
0x181: {  	v45 =	vadd.s32 $0x400, v42;
	v46 =	vld.idx.msk [tilespmem:v43+s20+$0x0], $0xffff  }
0x182: {  	v47 =	vadd.s32 $0x400, v43;
	_ =	sdelay $0x2  }
0x183: {  	[tilespmem:$0x7300] =	vst v44  }
0x184: {  	[tilespmem:$0x7310] =	vst v46;
	v2 =	vld.idx.msk [tilespmem:v45+s20+$0x0], $0xffff  }
0x185: {  	v48 =	vadd.s32 $0x800, v42;
	v4 =	vld.idx.msk [tilespmem:v47+s20+$0x0], $0xffff  }
0x186: {  	v49 =	vadd.s32 $0x800, v43;
	_ =	sdelay $0x2  }
0x187: {  	[tilespmem:$0x7380] =	vst v2  }
0x188: {  	[tilespmem:$0x7390] =	vst v4;
	v2 =	vld.idx.msk [tilespmem:v48+s20+$0x0], $0xffff  }
0x189: {  	v50 =	vadd.s32 $0xC00, v42;
	v4 =	vld.idx.msk [tilespmem:v49+s20+$0x0], $0xffff  }
0x18a: {  	v51 =	vadd.s32 $0xC00, v43;
	_ =	sdelay $0x2  }
0x18b: {  	[tilespmem:$0x7400] =	vst v2  }
0x18c: {  	[tilespmem:$0x7410] =	vst v4;
	v2 =	vld.idx.msk [tilespmem:v50+s20+$0x0], $0xffff  }
0x18d: {  	v52 =	vadd.s32 $0x1000, v42;
	v4 =	vld.idx.msk [tilespmem:v51+s20+$0x0], $0xffff  }
0x18e: {  	v53 =	vadd.s32 $0x1000, v43;
	_ =	sdelay $0x2  }
0x18f: {  	[tilespmem:$0x7480] =	vst v2  }
0x190: {  	[tilespmem:$0x7490] =	vst v4;
	v2 =	vld.idx.msk [tilespmem:v52+s20+$0x0], $0xffff  }
0x191: {  	v54 =	vadd.s32 $0x1400, v42;
	v4 =	vld.idx.msk [tilespmem:v53+s20+$0x0], $0xffff  }
0x192: {  	v55 =	vadd.s32 $0x1400, v43  }
0x193: {  	v59 =	vld [tilespmem:s13+$0xB0];
	_ =	sdelay $0x1  }
0x194: {  	v60 =	vld [tilespmem:s13+$0xC0];
	[tilespmem:$0x7500] =	vst v2  }
0x195: {  	[tilespmem:$0x7510] =	vst v4;
	v2 =	vld.idx.msk [tilespmem:v54+s20+$0x0], $0xffff  }
0x196: {  	v4 =	vld.idx.msk [tilespmem:v55+s20+$0x0], $0xffff  }
0x197: {  	v63 =	vld [tilespmem:s13+$0xF0];
	v56 =	vadd.s32 $0x1800, v42  }
0x198: {  	v61 =	vld [tilespmem:s13+$0xD0];
	v57 =	vadd.s32 $0x1800, v43  }
0x199: {  	v62 =	vld [tilespmem:s13+$0xE0]  }
0x19a: {  	v19 =	vld.idx.msk [tilespmem:v59+s20+$0x0], $0xffff;
	[tilespmem:$0x7580] =	vst v2  }
0x19b: {  	[tilespmem:$0x7590] =	vst v4;
	v4 =	vld [tilespmem:s13+$0xA0]  }
0x19c: {  	v2 =	vld.idx.msk [tilespmem:v56+s20+$0x0], $0xffff  }
0x19d: {  	v0 =	vadd.s32 $0x1C00, v42;
	v58 =	vld.idx.msk [tilespmem:v57+s20+$0x0], $0xffff  }
0x19e: {  	v1 =	vadd.s32 $0x1C00, v43;
	v21 =	vld.idx.msk [tilespmem:v60+s20+$0x0], $0xffff  }
0x19f: {  	v27 =	vld.idx.msk [tilespmem:v63+s20+$0x0], $0xffff  }
0x1a0: {  	v28 =	vadd.s32 $0x400, v63;
	v23 =	vld.idx.msk [tilespmem:v61+s20+$0x0], $0xffff;
	[tilespmem:$0x7330] =	vst v19  }
0x1a1: {  	v20 =	vadd.s32 $0x400, v59;
	v25 =	vld.idx.msk [tilespmem:v62+s20+$0x0], $0xffff;
	[tilespmem:$0x7600] =	vst v2  }
0x1a2: {  	v22 =	vadd.s32 $0x400, v60;
	[tilespmem:$0x7610] =	vst v58;
	v0 =	vld.idx.msk [tilespmem:v0+s20+$0x0], $0xffff  }
0x1a3: {  	v24 =	vadd.s32 $0x400, v61;
	[tilespmem:$0x7340] =	vst v21;
	v1 =	vld.idx.msk [tilespmem:v1+s20+$0x0], $0xffff  }
0x1a4: {  	v26 =	vadd.s32 $0x400, v62;
	[tilespmem:$0x7370] =	vst v27;
	v17 =	vld.idx.msk [tilespmem:v4+s20+$0x0], $0xffff  }
0x1a5: {  	[tilespmem:$0x7350] =	vst v23;
	v10 =	vld.idx.msk [tilespmem:v28+s20+$0x0], $0xffff;
	v18 =	vadd.s32 $0x400, v4  }
0x1a6: {  	v34 =	vadd.s32 $0x800, v63;
	[tilespmem:$0x7360] =	vst v25;
	v11 =	vld.idx.msk [tilespmem:v20+s20+$0x0], $0xffff  }
0x1a7: {  	v30 =	vadd.s32 $0x800, v59;
	[tilespmem:$0x7680] =	vst v0;
	v0 =	vld.idx.msk [tilespmem:v22+s20+$0x0], $0xffff  }
0x1a8: {  	v31 =	vadd.s32 $0x800, v60;
	[tilespmem:$0x7690] =	vst v1;
	v1 =	vld.idx.msk [tilespmem:v24+s20+$0x0], $0xffff  }
0x1a9: {  	v32 =	vadd.s32 $0x800, v61;
	v3 =	vld.idx.msk [tilespmem:v26+s20+$0x0], $0xffff;
	[tilespmem:$0x7320] =	vst v17  }
0x1aa: {  	v33 =	vadd.s32 $0x800, v62;
	[tilespmem:$0x73F0] =	vst v10;
	v9 =	vld.idx.msk [tilespmem:v18+s20+$0x0], $0xffff  }
0x1ab: {  	[tilespmem:$0x73B0] =	vst v11;
	v11 =	vld.idx.msk [tilespmem:v34+s20+$0x0], $0xffff;
	v29 =	vadd.s32 $0x800, v4  }
0x1ac: {  	v40 =	vadd.s32 $0xC00, v63;
	v13 =	vld.idx.msk [tilespmem:v30+s20+$0x0], $0xffff;
	[tilespmem:$0x73C0] =	vst v0  }
0x1ad: {  	v36 =	vadd.s32 $0xC00, v59;
	[tilespmem:$0x73D0] =	vst v1;
	v14 =	vld.idx.msk [tilespmem:v31+s20+$0x0], $0xffff  }
0x1ae: {  	v37 =	vadd.s32 $0xC00, v60;
	[tilespmem:$0x73E0] =	vst v3;
	v15 =	vld.idx.msk [tilespmem:v32+s20+$0x0], $0xffff  }
0x1af: {  	v38 =	vadd.s32 $0xC00, v61;
	[tilespmem:$0x73A0] =	vst v9;
	v9 =	vld.idx.msk [tilespmem:v33+s20+$0x0], $0xffff  }
0x1b0: {  	v39 =	vadd.s32 $0xC00, v62;
	[tilespmem:$0x7470] =	vst v11;
	v12 =	vld.idx.msk [tilespmem:v29+s20+$0x0], $0xffff  }
0x1b1: {  	[tilespmem:$0x7430] =	vst v13;
	v13 =	vld.idx.msk [tilespmem:v40+s20+$0x0], $0xffff;
	v35 =	vadd.s32 $0xC00, v4  }
0x1b2: {  	v46 =	vadd.s32 $0x1000, v63;
	v1 =	vld.idx.msk [tilespmem:v36+s20+$0x0], $0xffff;
	[tilespmem:$0x7440] =	vst v14  }
0x1b3: {  	v42 =	vadd.s32 $0x1000, v59;
	[tilespmem:$0x7450] =	vst v15;
	v3 =	vld.idx.msk [tilespmem:v37+s20+$0x0], $0xffff  }
0x1b4: {  	v43 =	vadd.s32 $0x1000, v60;
	[tilespmem:$0x7460] =	vst v9;
	v10 =	vld.idx.msk [tilespmem:v38+s20+$0x0], $0xffff  }
0x1b5: {  	v44 =	vadd.s32 $0x1000, v61;
	[tilespmem:$0x7420] =	vst v12;
	v12 =	vld.idx.msk [tilespmem:v39+s20+$0x0], $0xffff  }
0x1b6: {  	v45 =	vadd.s32 $0x1000, v62;
	[tilespmem:$0x74F0] =	vst v13;
	v0 =	vld.idx.msk [tilespmem:v35+s20+$0x0], $0xffff  }
0x1b7: {  	v41 =	vadd.s32 $0x1000, v4;
	[tilespmem:$0x74B0] =	vst v1;
	v1 =	vld.idx.msk [tilespmem:v46+s20+$0x0], $0xffff  }
0x1b8: {  	v52 =	vadd.s32 $0x1400, v63;
	v15 =	vld.idx.msk [tilespmem:v42+s20+$0x0], $0xffff;
	[tilespmem:$0x74C0] =	vst v3  }
0x1b9: {  	v48 =	vadd.s32 $0x1400, v59;
	[tilespmem:$0x74D0] =	vst v10;
	v9 =	vld.idx.msk [tilespmem:v43+s20+$0x0], $0xffff  }
0x1ba: {  	v49 =	vadd.s32 $0x1400, v60;
	[tilespmem:$0x74E0] =	vst v12;
	v11 =	vld.idx.msk [tilespmem:v44+s20+$0x0], $0xffff  }
0x1bb: {  	v50 =	vadd.s32 $0x1400, v61;
	[tilespmem:$0x74A0] =	vst v0;
	v0 =	vld.idx.msk [tilespmem:v45+s20+$0x0], $0xffff  }
0x1bc: {  	v51 =	vadd.s32 $0x1400, v62;
	[tilespmem:$0x7570] =	vst v1;
	v14 =	vld.idx.msk [tilespmem:v41+s20+$0x0], $0xffff  }
0x1bd: {  	v47 =	vadd.s32 $0x1400, v4;
	[tilespmem:$0x7530] =	vst v15;
	v15 =	vld.idx.msk [tilespmem:v52+s20+$0x0], $0xffff  }
0x1be: {  	v58 =	vadd.s32 $0x1800, v63;
	v10 =	vld.idx.msk [tilespmem:v48+s20+$0x0], $0xffff;
	[tilespmem:$0x7540] =	vst v9  }
0x1bf: {  	v54 =	vadd.s32 $0x1800, v59;
	[tilespmem:$0x7550] =	vst v11;
	v12 =	vld.idx.msk [tilespmem:v49+s20+$0x0], $0xffff  }
0x1c0: {  	v55 =	vadd.s32 $0x1800, v60;
	[tilespmem:$0x7560] =	vst v0;
	v13 =	vld.idx.msk [tilespmem:v50+s20+$0x0], $0xffff  }
0x1c1: {  	v56 =	vadd.s32 $0x1800, v61;
	[tilespmem:$0x7520] =	vst v14;
	v14 =	vld.idx.msk [tilespmem:v51+s20+$0x0], $0xffff  }
0x1c2: {  	v57 =	vadd.s32 $0x1800, v62;
	[tilespmem:$0x75F0] =	vst v15;
	v3 =	vld.idx.msk [tilespmem:v47+s20+$0x0], $0xffff  }
0x1c3: {  	v5 =	vadd.s32 $0x1C00, v59;
	v53 =	vadd.s32 $0x1800, v4;
	[tilespmem:$0x75B0] =	vst v10;
	v59 =	vld.idx.msk [tilespmem:v58+s20+$0x0], $0xffff  }
0x1c4: {  	v2 =	vadd.s32 $0x1C00, v63;
	v11 =	vld.idx.msk [tilespmem:v54+s20+$0x0], $0xffff;
	[tilespmem:$0x75C0] =	vst v12  }
0x1c5: {  	[tilespmem:$0x75D0] =	vst v13;
	v0 =	vld.idx.msk [tilespmem:v55+s20+$0x0], $0xffff  }
0x1c6: {  	v6 =	vadd.s32 $0x1C00, v60;
	[tilespmem:$0x75E0] =	vst v14;
	v1 =	vld.idx.msk [tilespmem:v56+s20+$0x0], $0xffff  }
0x1c7: {  	v7 =	vadd.s32 $0x1C00, v61;
	[tilespmem:$0x75A0] =	vst v3;
	v3 =	vld.idx.msk [tilespmem:v57+s20+$0x0], $0xffff  }
0x1c8: {  	v8 =	vadd.s32 $0x1C00, v62;
	[tilespmem:$0x7670] =	vst v59;
	v9 =	vld.idx.msk [tilespmem:v53+s20+$0x0], $0xffff  }
0x1c9: {  	v4 =	vadd.s32 $0x1C00, v4;
	[tilespmem:$0x7630] =	vst v11;
	v2 =	vld.idx.msk [tilespmem:v2+s20+$0x0], $0xffff  }
0x1ca: {  	v60 =	vld.idx.msk [tilespmem:v5+s20+$0x0], $0xffff;
	[tilespmem:$0x7640] =	vst v0  }
0x1cb: {  	[tilespmem:$0x7650] =	vst v1;
	v61 =	vld.idx.msk [tilespmem:v6+s20+$0x0], $0xffff  }
0x1cc: {  	[tilespmem:$0x7660] =	vst v3;
	v62 =	vld.idx.msk [tilespmem:v7+s20+$0x0], $0xffff  }
0x1cd: {  	[tilespmem:$0x7620] =	vst v9;
	v63 =	vld.idx.msk [tilespmem:v8+s20+$0x0], $0xffff  }
0x1ce: {  	s7 =	sadd.s32 $0x200, s7;
	[tilespmem:$0x76F0] =	vst v2;
	v4 =	vld.idx.msk [tilespmem:v4+s20+$0x0], $0xffff  }
0x1cf: {  	p3 =	sne.s32 s7, $0x600;
	[tilespmem:$0x76B0] =	vst v60  }
.Ltmp4:
0x1d0: {  	[tilespmem:$0x76C0] =	vst v61;
	(pc) =	sbr.rel @p3 .LBB2_7-.Ltmp4, $4  }
0x1d1: {  	[tilespmem:$0x76D0] =	vst v62  }
0x1d2: {  	[tilespmem:$0x76E0] =	vst v63  }
0x1d3: {  	s17 =	sadd.s32 $0x180, s17;
	s6 =	sadd.s32 $0x4, s6;
	s13 =	sadd.s32 $0x200, s13;
	[tilespmem:$0x76A0] =	vst v4  }
0x1d4: {  	[hbm4b:s17+s3] =	stream.linear.scatter [tilespmem:s25], [sflag:$0x6], $0x400, $0x38;
	[tilespmem:$0x17180] =	vst v63  }
.Ltmp5:
0x1d5: {  	(pc) =	sbr.rel @p1 .LBB2_10-.Ltmp5, $1  }
0x1d6: {  	_ =	sdelay $0x3  }
0x1d7: {  	_ =	swait.ge [sflag:s26], $0x400  }
0x1d8: {  	[sflag:s26] =	ssyncset.done $0x0  }
0x1d9: {  	[sflag:s26] =	ssyncadd.s32 $0xFFFFFC00  }
0x1da: {  	v0 =	vld [tilespmem:$0x600]  }
0x1db: {  	v1 =	vld [tilespmem:$0x610];
	_ =	sdelay $0x6  }
0x1dc: {  	v2 =	vld.idx.msk [tilespmem:v0+s20+$0x0], $0xffff  }
0x1dd: {  	v3 =	vadd.s32 $0x400, v0;
	v4 =	vld.idx.msk [tilespmem:v1+s20+$0x0], $0xffff  }
0x1de: {  	v5 =	vadd.s32 $0x400, v1;
	_ =	sdelay $0x2  }
0x1df: {  	[tilespmem:$0x6700] =	vst v2  }
0x1e0: {  	[tilespmem:$0x6710] =	vst v4;
	v2 =	vld.idx.msk [tilespmem:v3+s20+$0x0], $0xffff  }
0x1e1: {  	v10 =	vadd.s32 $0x800, v0;
	v4 =	vld.idx.msk [tilespmem:v5+s20+$0x0], $0xffff  }
0x1e2: {  	v11 =	vadd.s32 $0x800, v1;
	_ =	sdelay $0x2  }
0x1e3: {  	[tilespmem:$0x6780] =	vst v2  }
0x1e4: {  	[tilespmem:$0x6790] =	vst v4;
	v2 =	vld.idx.msk [tilespmem:v10+s20+$0x0], $0xffff  }
0x1e5: {  	v12 =	vadd.s32 $0xC00, v0;
	v4 =	vld.idx.msk [tilespmem:v11+s20+$0x0], $0xffff  }
0x1e6: {  	v13 =	vadd.s32 $0xC00, v1;
	_ =	sdelay $0x2  }
0x1e7: {  	v21 =	vld [tilespmem:$0x620];
	[tilespmem:$0x6800] =	vst v2  }
0x1e8: {  	[tilespmem:$0x6810] =	vst v4;
	v2 =	vld.idx.msk [tilespmem:v12+s20+$0x0], $0xffff  }
0x1e9: {  	v14 =	vadd.s32 $0x1000, v0;
	v4 =	vld.idx.msk [tilespmem:v13+s20+$0x0], $0xffff  }
0x1ea: {  	v15 =	vadd.s32 $0x1000, v1;
	_ =	sdelay $0x1  }
0x1eb: {  	v22 =	vld [tilespmem:$0x630]  }
0x1ec: {  	v8 =	vld [tilespmem:$0x660];
	[tilespmem:$0x6880] =	vst v2  }
0x1ed: {  	[tilespmem:$0x6890] =	vst v4;
	v2 =	vld.idx.msk [tilespmem:v14+s20+$0x0], $0xffff  }
0x1ee: {  	v16 =	vadd.s32 $0x1400, v0;
	v4 =	vld.idx.msk [tilespmem:v15+s20+$0x0], $0xffff  }
0x1ef: {  	v17 =	vadd.s32 $0x1400, v1;
	v24 =	vld.idx.msk [tilespmem:v21+s20+$0x0], $0xffff  }
0x1f0: {  	v23 =	vld [tilespmem:$0x670];
	v9 =	vadd.s32 $0x400, v21  }
0x1f1: {  	v6 =	vld [tilespmem:$0x640]  }
0x1f2: {  	v7 =	vld [tilespmem:$0x650];
	[tilespmem:$0x6900] =	vst v2  }
0x1f3: {  	[tilespmem:$0x6910] =	vst v4;
	v2 =	vld.idx.msk [tilespmem:v16+s20+$0x0], $0xffff  }
0x1f4: {  	v18 =	vadd.s32 $0x1800, v0;
	[tilespmem:$0x6720] =	vst v24;
	v4 =	vld.idx.msk [tilespmem:v17+s20+$0x0], $0xffff  }
0x1f5: {  	v19 =	vadd.s32 $0x1800, v1;
	v9 =	vld.idx.msk [tilespmem:v9+s20+$0x0], $0xffff  }
0x1f6: {  	v14 =	vld.idx.msk [tilespmem:v8+s20+$0x0], $0xffff  }
0x1f7: {  	v27 =	vadd.s32 $0x400, v8;
	v10 =	vld.idx.msk [tilespmem:v22+s20+$0x0], $0xffff  }
0x1f8: {  	v15 =	vld.idx.msk [tilespmem:v23+s20+$0x0], $0xffff;
	[tilespmem:$0x6980] =	vst v2  }
0x1f9: {  	v28 =	vadd.s32 $0x400, v23;
	[tilespmem:$0x6990] =	vst v4;
	v2 =	vld.idx.msk [tilespmem:v18+s20+$0x0], $0xffff  }
0x1fa: {  	v0 =	vadd.s32 $0x1C00, v0;
	[tilespmem:$0x67A0] =	vst v9;
	v20 =	vld.idx.msk [tilespmem:v19+s20+$0x0], $0xffff  }
0x1fb: {  	v1 =	vadd.s32 $0x1C00, v1;
	v12 =	vld.idx.msk [tilespmem:v6+s20+$0x0], $0xffff;
	[tilespmem:$0x6760] =	vst v14  }
0x1fc: {  	v11 =	vadd.s32 $0x400, v22;
	[tilespmem:$0x6730] =	vst v10;
	v3 =	vld.idx.msk [tilespmem:v27+s20+$0x0], $0xffff  }
0x1fd: {  	v33 =	vadd.s32 $0x800, v8;
	v13 =	vld.idx.msk [tilespmem:v7+s20+$0x0], $0xffff;
	[tilespmem:$0x6770] =	vst v15  }
0x1fe: {  	v29 =	vadd.s32 $0x800, v21;
	v10 =	vld.idx.msk [tilespmem:v28+s20+$0x0], $0xffff;
	[tilespmem:$0x6A00] =	vst v2  }
0x1ff: {  	v25 =	vadd.s32 $0x400, v6;
	[tilespmem:$0x6A10] =	vst v20;
	v0 =	vld.idx.msk [tilespmem:v0+s20+$0x0], $0xffff  }
0x200: {  	v26 =	vadd.s32 $0x400, v7;
	[tilespmem:$0x6740] =	vst v12;
	v1 =	vld.idx.msk [tilespmem:v1+s20+$0x0], $0xffff  }
0x201: {  	v34 =	vadd.s32 $0x800, v23;
	v11 =	vld.idx.msk [tilespmem:v11+s20+$0x0], $0xffff;
	[tilespmem:$0x67E0] =	vst v3  }
0x202: {  	v30 =	vadd.s32 $0x800, v22;
	[tilespmem:$0x6750] =	vst v13;
	v9 =	vld.idx.msk [tilespmem:v33+s20+$0x0], $0xffff  }
0x203: {  	v39 =	vadd.s32 $0xC00, v8;
	v12 =	vld.idx.msk [tilespmem:v29+s20+$0x0], $0xffff;
	[tilespmem:$0x67F0] =	vst v10  }
0x204: {  	v35 =	vadd.s32 $0xC00, v21;
	[tilespmem:$0x6A80] =	vst v0;
	v0 =	vld.idx.msk [tilespmem:v25+s20+$0x0], $0xffff  }
0x205: {  	v31 =	vadd.s32 $0x800, v6;
	[tilespmem:$0x6A90] =	vst v1;
	v1 =	vld.idx.msk [tilespmem:v26+s20+$0x0], $0xffff  }
0x206: {  	v32 =	vadd.s32 $0x800, v7;
	[tilespmem:$0x67B0] =	vst v11;
	v11 =	vld.idx.msk [tilespmem:v34+s20+$0x0], $0xffff  }
0x207: {  	v40 =	vadd.s32 $0xC00, v23;
	v13 =	vld.idx.msk [tilespmem:v30+s20+$0x0], $0xffff;
	[tilespmem:$0x6860] =	vst v9  }
0x208: {  	v36 =	vadd.s32 $0xC00, v22;
	[tilespmem:$0x6820] =	vst v12;
	v12 =	vld.idx.msk [tilespmem:v39+s20+$0x0], $0xffff  }
0x209: {  	v45 =	vadd.s32 $0x1000, v8;
	[tilespmem:$0x67C0] =	vst v0;
	v0 =	vld.idx.msk [tilespmem:v35+s20+$0x0], $0xffff  }
0x20a: {  	v41 =	vadd.s32 $0x1000, v21;
	[tilespmem:$0x67D0] =	vst v1;
	v14 =	vld.idx.msk [tilespmem:v31+s20+$0x0], $0xffff  }
0x20b: {  	v37 =	vadd.s32 $0xC00, v6;
	[tilespmem:$0x6870] =	vst v11;
	v15 =	vld.idx.msk [tilespmem:v32+s20+$0x0], $0xffff  }
0x20c: {  	v38 =	vadd.s32 $0xC00, v7;
	[tilespmem:$0x6830] =	vst v13;
	v13 =	vld.idx.msk [tilespmem:v40+s20+$0x0], $0xffff  }
0x20d: {  	v46 =	vadd.s32 $0x1000, v23;
	[tilespmem:$0x68E0] =	vst v12;
	v1 =	vld.idx.msk [tilespmem:v36+s20+$0x0], $0xffff  }
0x20e: {  	v42 =	vadd.s32 $0x1000, v22;
	[tilespmem:$0x68A0] =	vst v0;
	v0 =	vld.idx.msk [tilespmem:v45+s20+$0x0], $0xffff  }
0x20f: {  	[tilespmem:$0x6840] =	vst v14;
	v14 =	vld.idx.msk [tilespmem:v41+s20+$0x0], $0xffff  }
0x210: {  	v51 =	vadd.s32 $0x1400, v8;
	[tilespmem:$0x6850] =	vst v15;
	v3 =	vld.idx.msk [tilespmem:v37+s20+$0x0], $0xffff  }
0x211: {  	v43 =	vadd.s32 $0x1000, v6;
	[tilespmem:$0x68F0] =	vst v13;
	v10 =	vld.idx.msk [tilespmem:v38+s20+$0x0], $0xffff  }
0x212: {  	v44 =	vadd.s32 $0x1000, v7;
	[tilespmem:$0x68B0] =	vst v1;
	v1 =	vld.idx.msk [tilespmem:v46+s20+$0x0], $0xffff  }
0x213: {  	v52 =	vadd.s32 $0x1400, v23;
	v15 =	vld.idx.msk [tilespmem:v42+s20+$0x0], $0xffff;
	[tilespmem:$0x6960] =	vst v0  }
0x214: {  	v47 =	vadd.s32 $0x1400, v21;
	[tilespmem:$0x6920] =	vst v14  }
0x215: {  	v14 =	vld.idx.msk [tilespmem:v51+s20+$0x0], $0xffff;
	[tilespmem:$0x68C0] =	vst v3  }
0x216: {  	v48 =	vadd.s32 $0x1400, v22;
	[tilespmem:$0x68D0] =	vst v10;
	v9 =	vld.idx.msk [tilespmem:v43+s20+$0x0], $0xffff  }
0x217: {  	v49 =	vadd.s32 $0x1400, v6;
	[tilespmem:$0x6970] =	vst v1;
	v11 =	vld.idx.msk [tilespmem:v44+s20+$0x0], $0xffff  }
0x218: {  	v50 =	vadd.s32 $0x1400, v7;
	[tilespmem:$0x6930] =	vst v15;
	v15 =	vld.idx.msk [tilespmem:v52+s20+$0x0], $0xffff  }
0x219: {  	v57 =	vadd.s32 $0x1800, v8;
	v3 =	vld.idx.msk [tilespmem:v47+s20+$0x0], $0xffff  }
0x21a: {  	v58 =	vadd.s32 $0x1800, v23;
	[tilespmem:$0x69E0] =	vst v14  }
0x21b: {  	v53 =	vadd.s32 $0x1800, v21;
	v10 =	vld.idx.msk [tilespmem:v48+s20+$0x0], $0xffff;
	[tilespmem:$0x6940] =	vst v9  }
0x21c: {  	v54 =	vadd.s32 $0x1800, v22;
	[tilespmem:$0x6950] =	vst v11;
	v12 =	vld.idx.msk [tilespmem:v49+s20+$0x0], $0xffff  }
0x21d: {  	v55 =	vadd.s32 $0x1800, v6;
	[tilespmem:$0x69F0] =	vst v15;
	v13 =	vld.idx.msk [tilespmem:v50+s20+$0x0], $0xffff  }
0x21e: {  	v56 =	vadd.s32 $0x1800, v7;
	[tilespmem:$0x69A0] =	vst v3;
	v3 =	vld.idx.msk [tilespmem:v57+s20+$0x0], $0xffff  }
0x21f: {  	v8 =	vadd.s32 $0x1C00, v8;
	v59 =	vld.idx.msk [tilespmem:v58+s20+$0x0], $0xffff  }
0x220: {  	v2 =	vadd.s32 $0x1C00, v23;
	[tilespmem:$0x69B0] =	vst v10;
	v9 =	vld.idx.msk [tilespmem:v53+s20+$0x0], $0xffff  }
0x221: {  	v4 =	vadd.s32 $0x1C00, v21;
	v11 =	vld.idx.msk [tilespmem:v54+s20+$0x0], $0xffff;
	[tilespmem:$0x69C0] =	vst v12  }
0x222: {  	v5 =	vadd.s32 $0x1C00, v22;
	[tilespmem:$0x69D0] =	vst v13;
	v0 =	vld.idx.msk [tilespmem:v55+s20+$0x0], $0xffff  }
0x223: {  	v6 =	vadd.s32 $0x1C00, v6;
	[tilespmem:$0x6A60] =	vst v3;
	v1 =	vld.idx.msk [tilespmem:v56+s20+$0x0], $0xffff  }
0x224: {  	v7 =	vadd.s32 $0x1C00, v7;
	[tilespmem:$0x6A70] =	vst v59;
	v63 =	vld.idx.msk [tilespmem:v8+s20+$0x0], $0xffff  }
0x225: {  	[tilespmem:$0x6A20] =	vst v9;
	v2 =	vld.idx.msk [tilespmem:v2+s20+$0x0], $0xffff  }
0x226: {  	[tilespmem:$0x6A30] =	vst v11;
	v4 =	vld.idx.msk [tilespmem:v4+s20+$0x0], $0xffff  }
0x227: {  	v60 =	vld.idx.msk [tilespmem:v5+s20+$0x0], $0xffff;
	[tilespmem:$0x6A40] =	vst v0  }
0x228: {  	[tilespmem:$0x6A50] =	vst v1;
	v61 =	vld.idx.msk [tilespmem:v6+s20+$0x0], $0xffff  }
0x229: {  	[tilespmem:$0x6AE0] =	vst v63;
	v62 =	vld.idx.msk [tilespmem:v7+s20+$0x0], $0xffff  }
0x22a: {  	[tilespmem:$0x6AF0] =	vst v2  }
0x22b: {  	[tilespmem:$0x6AA0] =	vst v4  }
0x22c: {  	s6 =	sadd.s32 s12, s11;
	[tilespmem:$0x6AB0] =	vst v60  }
0x22d: {  	s6 =	sshrl.u32 s6, $0x3;
	[tilespmem:$0x6AC0] =	vst v61  }
0x22e: {  	s6 =	sadd.s32 s1, s6;
	[tilespmem:$0x6AD0] =	vst v62  }
0x22f: {  	[hbm4b:s6+s3] =	stream.linear.scatter [tilespmem:s22], [sflag:$0x3], $0x400, $0x38;
	[tilespmem:$0x17180] =	vst v63  }
.LBB2_10:
.Ltmp6:
0x230: {  	(pc) =	sbr.rel @p2 .LBB2_15-.Ltmp6, $1  }
0x231: {  	_ =	sdelay $0x3  }
0x232: {  	s6 =	sshll.u32 s8, $0xE  }
0x233: {  	s6 =	sand.u32 $0x3FFFC000, s6  }
0x234: {  	s6 =	sadd.s32 s6, s2  }
0x235: {  	s6 =	sadd.s32 $0x4000, s6  }
0x236: {  	[tilespmem:s20], [sflag:$0x1] =	stream.linear.gather [spmem:s6], $0x2000, $0x38;
	[tilespmem:$0x17180] =	vst v63  }
0x237: {  	_ =	swait.ge [sflag:s28], $0x2000  }
0x238: {  	s10 =	smul.u32 $0x64000, s10;
	[sflag:s28] =	ssyncset.done $0x0  }
0x239: {  	s7 =	simm.s32 $0x100;
	s6 =	simm.s32 $0x0;
	[sflag:s28] =	ssyncadd.s32 $0xFFFFE000  }
.LBB2_12:
0x23a: {  	_ =	swait.ge [sflag:s26], $0x400  }
0x23b: {  	[sflag:s26] =	ssyncset.done $0x0  }
0x23c: {  	[sflag:s26] =	ssyncadd.s32 $0xFFFFFC00  }
0x23d: {  	v0 =	vld [tilespmem:s7+$0xFFFFFF00]  }
0x23e: {  	v1 =	vld [tilespmem:s7+$0xFFFFFF10]  }
0x23f: {  	v2 =	vld [tilespmem:s7+$0xFFFFFF20];
	_ =	sdelay $0x5  }
0x240: {  	v3 =	vld.idx.msk [tilespmem:v0+s29+$0x0], $0xffff  }
0x241: {  	v4 =	vadd.s32 $0x400, v0;
	v5 =	vld.idx.msk [tilespmem:v1+s29+$0x0], $0xffff  }
0x242: {  	v6 =	vadd.s32 $0x400, v1;
	v7 =	vld.idx.msk [tilespmem:v2+s29+$0x0], $0xffff  }
0x243: {  	v8 =	vadd.s32 $0x400, v2;
	_ =	sdelay $0x1  }
0x244: {  	[tilespmem:$0x6700] =	vst v3  }
0x245: {  	[tilespmem:$0x6710] =	vst v5;
	v3 =	vld.idx.msk [tilespmem:v4+s29+$0x0], $0xffff  }
0x246: {  	v60 =	vadd.s32 $0x800, v0;
	[tilespmem:$0x6720] =	vst v7;
	v5 =	vld.idx.msk [tilespmem:v6+s29+$0x0], $0xffff  }
0x247: {  	v61 =	vadd.s32 $0x800, v1;
	v7 =	vld.idx.msk [tilespmem:v8+s29+$0x0], $0xffff  }
0x248: {  	v62 =	vadd.s32 $0x800, v2;
	_ =	sdelay $0x1  }
0x249: {  	[tilespmem:$0x6780] =	vst v3  }
0x24a: {  	[tilespmem:$0x6790] =	vst v5;
	v3 =	vld.idx.msk [tilespmem:v60+s29+$0x0], $0xffff  }
0x24b: {  	v63 =	vadd.s32 $0xC00, v0;
	[tilespmem:$0x67A0] =	vst v7;
	v5 =	vld.idx.msk [tilespmem:v61+s29+$0x0], $0xffff  }
0x24c: {  	v12 =	vadd.s32 $0xC00, v1;
	v7 =	vld.idx.msk [tilespmem:v62+s29+$0x0], $0xffff  }
0x24d: {  	v13 =	vadd.s32 $0xC00, v2;
	_ =	sdelay $0x1  }
0x24e: {  	[tilespmem:$0x6800] =	vst v3  }
0x24f: {  	[tilespmem:$0x6810] =	vst v5;
	v3 =	vld.idx.msk [tilespmem:v63+s29+$0x0], $0xffff  }
0x250: {  	v14 =	vadd.s32 $0x1000, v0;
	[tilespmem:$0x6820] =	vst v7;
	v5 =	vld.idx.msk [tilespmem:v12+s29+$0x0], $0xffff  }
0x251: {  	v15 =	vadd.s32 $0x1000, v1;
	v7 =	vld.idx.msk [tilespmem:v13+s29+$0x0], $0xffff  }
0x252: {  	v16 =	vadd.s32 $0x1000, v2;
	_ =	sdelay $0x1  }
0x253: {  	[tilespmem:$0x6880] =	vst v3  }
0x254: {  	[tilespmem:$0x6890] =	vst v5;
	v3 =	vld.idx.msk [tilespmem:v14+s29+$0x0], $0xffff  }
0x255: {  	v17 =	vadd.s32 $0x1400, v0;
	[tilespmem:$0x68A0] =	vst v7;
	v5 =	vld.idx.msk [tilespmem:v15+s29+$0x0], $0xffff  }
0x256: {  	v18 =	vadd.s32 $0x1400, v1;
	v7 =	vld.idx.msk [tilespmem:v16+s29+$0x0], $0xffff  }
0x257: {  	v19 =	vadd.s32 $0x1400, v2;
	_ =	sdelay $0x1  }
0x258: {  	[tilespmem:$0x6900] =	vst v3  }
0x259: {  	[tilespmem:$0x6910] =	vst v5;
	v3 =	vld.idx.msk [tilespmem:v17+s29+$0x0], $0xffff  }
0x25a: {  	v20 =	vadd.s32 $0x1800, v0;
	[tilespmem:$0x6920] =	vst v7;
	v5 =	vld.idx.msk [tilespmem:v18+s29+$0x0], $0xffff  }
0x25b: {  	v21 =	vadd.s32 $0x1800, v1;
	v7 =	vld.idx.msk [tilespmem:v19+s29+$0x0], $0xffff  }
0x25c: {  	v24 =	vld [tilespmem:s7+$0xFFFFFF30];
	v22 =	vadd.s32 $0x1800, v2;
	_ =	sdelay $0x1  }
0x25d: {  	[tilespmem:$0x6980] =	vst v3  }
0x25e: {  	[tilespmem:$0x6990] =	vst v5;
	v3 =	vld.idx.msk [tilespmem:v20+s29+$0x0], $0xffff  }
0x25f: {  	v0 =	vadd.s32 $0x1C00, v0;
	[tilespmem:$0x69A0] =	vst v7;
	v23 =	vld.idx.msk [tilespmem:v21+s29+$0x0], $0xffff  }
0x260: {  	v1 =	vadd.s32 $0x1C00, v1;
	v25 =	vld.idx.msk [tilespmem:v22+s29+$0x0], $0xffff  }
0x261: {  	v2 =	vadd.s32 $0x1C00, v2;
	_ =	sdelay $0x1  }
0x262: {  	v26 =	vld.idx.msk [tilespmem:v24+s29+$0x0], $0xffff;
	[tilespmem:$0x6A00] =	vst v3  }
0x263: {  	[tilespmem:$0x6A10] =	vst v23;
	v0 =	vld.idx.msk [tilespmem:v0+s29+$0x0], $0xffff  }
0x264: {  	[tilespmem:$0x6A20] =	vst v25;
	v1 =	vld.idx.msk [tilespmem:v1+s29+$0x0], $0xffff  }
0x265: {  	v2 =	vld.idx.msk [tilespmem:v2+s29+$0x0], $0xffff  }
0x266: {  	v27 =	vadd.s32 $0x400, v24  }
0x267: {  	[tilespmem:$0x6730] =	vst v26  }
0x268: {  	[tilespmem:$0x6A80] =	vst v0  }
0x269: {  	[tilespmem:$0x6A90] =	vst v1  }
0x26a: {  	[tilespmem:$0x6AA0] =	vst v2  }
0x26b: {  	v0 =	vld.idx.msk [tilespmem:v27+s29+$0x0], $0xffff  }
0x26c: {  	v28 =	vld [tilespmem:s7+$0xFFFFFF40]  }
0x26d: {  	v29 =	vld [tilespmem:s7+$0xFFFFFF50]  }
0x26e: {  	v30 =	vld [tilespmem:s7+$0xFFFFFF60]  }
0x26f: {  	v4 =	vld [tilespmem:s7+$0xFFFFFF70];
	_ =	sdelay $0x4  }
0x270: {  	v31 =	vld.idx.msk [tilespmem:v28+s29+$0x0], $0xffff  }
0x271: {  	v32 =	vadd.s32 $0x400, v28;
	v33 =	vld.idx.msk [tilespmem:v29+s29+$0x0], $0xffff  }
0x272: {  	v9 =	vadd.s32 $0x400, v29;
	v10 =	vld.idx.msk [tilespmem:v30+s29+$0x0], $0xffff  }
0x273: {  	v11 =	vadd.s32 $0x400, v30;
	v12 =	vld.idx.msk [tilespmem:v4+s29+$0x0], $0xffff  }
0x274: {  	v13 =	vadd.s32 $0x400, v4  }
0x275: {  	[tilespmem:$0x6740] =	vst v31  }
0x276: {  	v34 =	vadd.s32 $0x800, v24;
	[tilespmem:$0x6750] =	vst v33;
	v7 =	vld.idx.msk [tilespmem:v32+s29+$0x0], $0xffff  }
0x277: {  	v35 =	vadd.s32 $0x800, v28;
	[tilespmem:$0x6760] =	vst v10;
	v9 =	vld.idx.msk [tilespmem:v9+s29+$0x0], $0xffff  }
0x278: {  	v36 =	vadd.s32 $0x800, v29;
	[tilespmem:$0x6770] =	vst v12;
	v11 =	vld.idx.msk [tilespmem:v11+s29+$0x0], $0xffff  }
0x279: {  	v37 =	vadd.s32 $0x800, v30;
	v13 =	vld.idx.msk [tilespmem:v13+s29+$0x0], $0xffff  }
0x27a: {  	[tilespmem:$0x67B0] =	vst v0;
	v38 =	vadd.s32 $0x800, v4  }
0x27b: {  	v6 =	vld.idx.msk [tilespmem:v34+s29+$0x0], $0xffff;
	[tilespmem:$0x67C0] =	vst v7  }
0x27c: {  	v39 =	vadd.s32 $0xC00, v24;
	[tilespmem:$0x67D0] =	vst v9;
	v8 =	vld.idx.msk [tilespmem:v35+s29+$0x0], $0xffff  }
0x27d: {  	v40 =	vadd.s32 $0xC00, v28;
	[tilespmem:$0x67E0] =	vst v11;
	v10 =	vld.idx.msk [tilespmem:v36+s29+$0x0], $0xffff  }
0x27e: {  	v41 =	vadd.s32 $0xC00, v29;
	[tilespmem:$0x67F0] =	vst v13;
	v12 =	vld.idx.msk [tilespmem:v37+s29+$0x0], $0xffff  }
0x27f: {  	v42 =	vadd.s32 $0xC00, v30;
	v0 =	vld.idx.msk [tilespmem:v38+s29+$0x0], $0xffff  }
0x280: {  	v43 =	vadd.s32 $0xC00, v4;
	[tilespmem:$0x6830] =	vst v6  }
0x281: {  	v7 =	vld.idx.msk [tilespmem:v39+s29+$0x0], $0xffff;
	[tilespmem:$0x6840] =	vst v8  }
0x282: {  	v44 =	vadd.s32 $0x1000, v24;
	[tilespmem:$0x6850] =	vst v10;
	v9 =	vld.idx.msk [tilespmem:v40+s29+$0x0], $0xffff  }
0x283: {  	v45 =	vadd.s32 $0x1000, v28;
	[tilespmem:$0x6860] =	vst v12;
	v11 =	vld.idx.msk [tilespmem:v41+s29+$0x0], $0xffff  }
0x284: {  	v46 =	vadd.s32 $0x1000, v29;
	[tilespmem:$0x6870] =	vst v0;
	v13 =	vld.idx.msk [tilespmem:v42+s29+$0x0], $0xffff  }
0x285: {  	v47 =	vadd.s32 $0x1000, v30;
	v6 =	vld.idx.msk [tilespmem:v43+s29+$0x0], $0xffff  }
0x286: {  	v48 =	vadd.s32 $0x1000, v4;
	[tilespmem:$0x68B0] =	vst v7  }
0x287: {  	v8 =	vld.idx.msk [tilespmem:v44+s29+$0x0], $0xffff;
	[tilespmem:$0x68C0] =	vst v9  }
0x288: {  	v49 =	vadd.s32 $0x1400, v24;
	[tilespmem:$0x68D0] =	vst v11;
	v10 =	vld.idx.msk [tilespmem:v45+s29+$0x0], $0xffff  }
0x289: {  	v50 =	vadd.s32 $0x1400, v28;
	[tilespmem:$0x68E0] =	vst v13;
	v12 =	vld.idx.msk [tilespmem:v46+s29+$0x0], $0xffff  }
0x28a: {  	v51 =	vadd.s32 $0x1400, v29;
	[tilespmem:$0x68F0] =	vst v6;
	v0 =	vld.idx.msk [tilespmem:v47+s29+$0x0], $0xffff  }
0x28b: {  	v52 =	vadd.s32 $0x1400, v30;
	v7 =	vld.idx.msk [tilespmem:v48+s29+$0x0], $0xffff  }
0x28c: {  	v53 =	vadd.s32 $0x1400, v4;
	[tilespmem:$0x6930] =	vst v8  }
0x28d: {  	v9 =	vld.idx.msk [tilespmem:v49+s29+$0x0], $0xffff;
	[tilespmem:$0x6940] =	vst v10  }
0x28e: {  	v54 =	vadd.s32 $0x1800, v24;
	[tilespmem:$0x6950] =	vst v12;
	v11 =	vld.idx.msk [tilespmem:v50+s29+$0x0], $0xffff  }
0x28f: {  	v55 =	vadd.s32 $0x1800, v28;
	[tilespmem:$0x6960] =	vst v0;
	v13 =	vld.idx.msk [tilespmem:v51+s29+$0x0], $0xffff  }
0x290: {  	v56 =	vadd.s32 $0x1800, v29;
	[tilespmem:$0x6970] =	vst v7;
	v6 =	vld.idx.msk [tilespmem:v52+s29+$0x0], $0xffff  }
0x291: {  	v57 =	vadd.s32 $0x1800, v30;
	v8 =	vld.idx.msk [tilespmem:v53+s29+$0x0], $0xffff  }
0x292: {  	v58 =	vadd.s32 $0x1800, v4;
	[tilespmem:$0x69B0] =	vst v9  }
0x293: {  	v10 =	vld.idx.msk [tilespmem:v54+s29+$0x0], $0xffff;
	[tilespmem:$0x69C0] =	vst v11  }
0x294: {  	v5 =	vadd.s32 $0x1C00, v24;
	[tilespmem:$0x69D0] =	vst v13;
	v11 =	vld.idx.msk [tilespmem:v55+s29+$0x0], $0xffff  }
0x295: {  	v1 =	vadd.s32 $0x1C00, v28;
	[tilespmem:$0x69E0] =	vst v6;
	v0 =	vld.idx.msk [tilespmem:v56+s29+$0x0], $0xffff  }
0x296: {  	v2 =	vadd.s32 $0x1C00, v29;
	[tilespmem:$0x69F0] =	vst v8;
	v6 =	vld.idx.msk [tilespmem:v57+s29+$0x0], $0xffff  }
0x297: {  	v3 =	vadd.s32 $0x1C00, v30;
	v59 =	vld.idx.msk [tilespmem:v58+s29+$0x0], $0xffff  }
0x298: {  	v4 =	vadd.s32 $0x1C00, v4;
	[tilespmem:$0x6A30] =	vst v10  }
0x299: {  	v5 =	vld.idx.msk [tilespmem:v5+s29+$0x0], $0xffff;
	[tilespmem:$0x6A40] =	vst v11  }
0x29a: {  	[tilespmem:$0x6A50] =	vst v0;
	v1 =	vld.idx.msk [tilespmem:v1+s29+$0x0], $0xffff  }
0x29b: {  	[tilespmem:$0x6A60] =	vst v6;
	v0 =	vld.idx.msk [tilespmem:v2+s29+$0x0], $0xffff  }
0x29c: {  	[tilespmem:$0x6A70] =	vst v59;
	v60 =	vld.idx.msk [tilespmem:v3+s29+$0x0], $0xffff  }
0x29d: {  	v61 =	vld.idx.msk [tilespmem:v4+s29+$0x0], $0xffff  }
0x29e: {  	[tilespmem:$0x6AB0] =	vst v5  }
0x29f: {  	[tilespmem:$0x6AC0] =	vst v1  }
0x2a0: {  	[tilespmem:$0x6AD0] =	vst v0  }
0x2a1: {  	s12 =	sadd.s32 s6, s14;
	[tilespmem:$0x6AE0] =	vst v60  }
0x2a2: {  	s13 =	sadd.s32 $0xC800, s12;
	[tilespmem:$0x6AF0] =	vst v61  }
0x2a3: {  	[hbm4b:s13+s3] =	stream.linear.scatter [tilespmem:s22], [sflag:$0x3], $0x400, $0x38;
	[tilespmem:$0x17180] =	vst v63  }
0x2a4: {  	_ =	swait.ge [sflag:s30], $0x400  }
0x2a5: {  	[sflag:s30] =	ssyncset.done $0x0  }
0x2a6: {  	[sflag:s30] =	ssyncadd.s32 $0xFFFFFC00  }
0x2a7: {  	v62 =	vld [tilespmem:s7+$0xFFFFFF80]  }
0x2a8: {  	v63 =	vld [tilespmem:s7+$0xFFFFFF90];
	_ =	sdelay $0x6  }
0x2a9: {  	v8 =	vld.idx.msk [tilespmem:v62+s29+$0x0], $0xffff  }
0x2aa: {  	v9 =	vadd.s32 $0x400, v62;
	v10 =	vld.idx.msk [tilespmem:v63+s29+$0x0], $0xffff  }
0x2ab: {  	v11 =	vadd.s32 $0x400, v63;
	_ =	sdelay $0x2  }
0x2ac: {  	[tilespmem:$0x6B00] =	vst v8  }
0x2ad: {  	[tilespmem:$0x6B10] =	vst v10;
	v2 =	vld.idx.msk [tilespmem:v9+s29+$0x0], $0xffff  }
0x2ae: {  	v12 =	vadd.s32 $0x800, v62;
	v4 =	vld.idx.msk [tilespmem:v11+s29+$0x0], $0xffff  }
0x2af: {  	v13 =	vadd.s32 $0x800, v63;
	_ =	sdelay $0x2  }
0x2b0: {  	[tilespmem:$0x6B80] =	vst v2  }
0x2b1: {  	[tilespmem:$0x6B90] =	vst v4;
	v2 =	vld.idx.msk [tilespmem:v12+s29+$0x0], $0xffff  }
0x2b2: {  	v14 =	vadd.s32 $0xC00, v62;
	v4 =	vld.idx.msk [tilespmem:v13+s29+$0x0], $0xffff  }
0x2b3: {  	v15 =	vadd.s32 $0xC00, v63;
	_ =	sdelay $0x2  }
0x2b4: {  	[tilespmem:$0x6C00] =	vst v2  }
0x2b5: {  	[tilespmem:$0x6C10] =	vst v4;
	v2 =	vld.idx.msk [tilespmem:v14+s29+$0x0], $0xffff  }
0x2b6: {  	v16 =	vadd.s32 $0x1000, v62;
	v4 =	vld.idx.msk [tilespmem:v15+s29+$0x0], $0xffff  }
0x2b7: {  	v17 =	vadd.s32 $0x1000, v63  }
0x2b8: {  	v23 =	vld [tilespmem:s7+$0xFFFFFFA0]  }
0x2b9: {  	v24 =	vld [tilespmem:s7+$0xFFFFFFB0]  }
0x2ba: {  	v27 =	vld [tilespmem:s7+$0xFFFFFFE0];
	[tilespmem:$0x6C80] =	vst v2  }
0x2bb: {  	[tilespmem:$0x6C90] =	vst v4;
	v2 =	vld.idx.msk [tilespmem:v16+s29+$0x0], $0xffff  }
0x2bc: {  	v18 =	vadd.s32 $0x1400, v62;
	v4 =	vld.idx.msk [tilespmem:v17+s29+$0x0], $0xffff  }
0x2bd: {  	v25 =	vld [tilespmem:s7+$0xFFFFFFC0];
	v19 =	vadd.s32 $0x1400, v63  }
0x2be: {  	v28 =	vld [tilespmem:s7+$0xFFFFFFF0]  }
0x2bf: {  	v26 =	vld [tilespmem:s7+$0xFFFFFFD0]  }
0x2c0: {  	v29 =	vld.idx.msk [tilespmem:v23+s29+$0x0], $0xffff;
	[tilespmem:$0x6D00] =	vst v2  }
0x2c1: {  	[tilespmem:$0x6D10] =	vst v4;
	v2 =	vld.idx.msk [tilespmem:v18+s29+$0x0], $0xffff  }
0x2c2: {  	v20 =	vadd.s32 $0x1800, v62;
	v4 =	vld.idx.msk [tilespmem:v19+s29+$0x0], $0xffff  }
0x2c3: {  	v21 =	vadd.s32 $0x1800, v63;
	v31 =	vld.idx.msk [tilespmem:v24+s29+$0x0], $0xffff  }
0x2c4: {  	v14 =	vld.idx.msk [tilespmem:v27+s29+$0x0], $0xffff  }
0x2c5: {  	v37 =	vadd.s32 $0x400, v27;
	v33 =	vld.idx.msk [tilespmem:v25+s29+$0x0], $0xffff;
	[tilespmem:$0x6B20] =	vst v29  }
0x2c6: {  	v30 =	vadd.s32 $0x400, v23;
	v15 =	vld.idx.msk [tilespmem:v28+s29+$0x0], $0xffff;
	[tilespmem:$0x6D80] =	vst v2  }
0x2c7: {  	v38 =	vadd.s32 $0x400, v28;
	[tilespmem:$0x6D90] =	vst v4;
	v2 =	vld.idx.msk [tilespmem:v20+s29+$0x0], $0xffff  }
0x2c8: {  	v0 =	vadd.s32 $0x1C00, v62;
	[tilespmem:$0x6B30] =	vst v31;
	v22 =	vld.idx.msk [tilespmem:v21+s29+$0x0], $0xffff  }
0x2c9: {  	v1 =	vadd.s32 $0x1C00, v63;
	v35 =	vld.idx.msk [tilespmem:v26+s29+$0x0], $0xffff;
	[tilespmem:$0x6B60] =	vst v14  }
0x2ca: {  	v32 =	vadd.s32 $0x400, v24;
	[tilespmem:$0x6B40] =	vst v33;
	v3 =	vld.idx.msk [tilespmem:v37+s29+$0x0], $0xffff  }
0x2cb: {  	v43 =	vadd.s32 $0x800, v27;
	v9 =	vld.idx.msk [tilespmem:v30+s29+$0x0], $0xffff;
	[tilespmem:$0x6B70] =	vst v15  }
0x2cc: {  	v39 =	vadd.s32 $0x800, v23;
	v10 =	vld.idx.msk [tilespmem:v38+s29+$0x0], $0xffff;
	[tilespmem:$0x6E00] =	vst v2  }
0x2cd: {  	v34 =	vadd.s32 $0x400, v25;
	[tilespmem:$0x6E10] =	vst v22;
	v0 =	vld.idx.msk [tilespmem:v0+s29+$0x0], $0xffff  }
0x2ce: {  	v36 =	vadd.s32 $0x400, v26;
	[tilespmem:$0x6B50] =	vst v35;
	v1 =	vld.idx.msk [tilespmem:v1+s29+$0x0], $0xffff  }
0x2cf: {  	v44 =	vadd.s32 $0x800, v28;
	v11 =	vld.idx.msk [tilespmem:v32+s29+$0x0], $0xffff;
	[tilespmem:$0x6BE0] =	vst v3  }
0x2d0: {  	v40 =	vadd.s32 $0x800, v24;
	[tilespmem:$0x6BA0] =	vst v9;
	v9 =	vld.idx.msk [tilespmem:v43+s29+$0x0], $0xffff  }
0x2d1: {  	v49 =	vadd.s32 $0xC00, v27;
	v12 =	vld.idx.msk [tilespmem:v39+s29+$0x0], $0xffff;
	[tilespmem:$0x6BF0] =	vst v10  }
0x2d2: {  	v45 =	vadd.s32 $0xC00, v23;
	[tilespmem:$0x6E80] =	vst v0;
	v0 =	vld.idx.msk [tilespmem:v34+s29+$0x0], $0xffff  }
0x2d3: {  	v41 =	vadd.s32 $0x800, v25;
	[tilespmem:$0x6E90] =	vst v1;
	v1 =	vld.idx.msk [tilespmem:v36+s29+$0x0], $0xffff  }
0x2d4: {  	v42 =	vadd.s32 $0x800, v26;
	[tilespmem:$0x6BB0] =	vst v11;
	v11 =	vld.idx.msk [tilespmem:v44+s29+$0x0], $0xffff  }
0x2d5: {  	v50 =	vadd.s32 $0xC00, v28;
	v13 =	vld.idx.msk [tilespmem:v40+s29+$0x0], $0xffff;
	[tilespmem:$0x6C60] =	vst v9  }
0x2d6: {  	v46 =	vadd.s32 $0xC00, v24;
	[tilespmem:$0x6C20] =	vst v12;
	v12 =	vld.idx.msk [tilespmem:v49+s29+$0x0], $0xffff  }
0x2d7: {  	v55 =	vadd.s32 $0x1000, v27;
	[tilespmem:$0x6BC0] =	vst v0;
	v0 =	vld.idx.msk [tilespmem:v45+s29+$0x0], $0xffff  }
0x2d8: {  	v51 =	vadd.s32 $0x1000, v23;
	[tilespmem:$0x6BD0] =	vst v1;
	v14 =	vld.idx.msk [tilespmem:v41+s29+$0x0], $0xffff  }
0x2d9: {  	v47 =	vadd.s32 $0xC00, v25;
	[tilespmem:$0x6C70] =	vst v11;
	v15 =	vld.idx.msk [tilespmem:v42+s29+$0x0], $0xffff  }
0x2da: {  	v48 =	vadd.s32 $0xC00, v26;
	[tilespmem:$0x6C30] =	vst v13;
	v13 =	vld.idx.msk [tilespmem:v50+s29+$0x0], $0xffff  }
0x2db: {  	v56 =	vadd.s32 $0x1000, v28;
	[tilespmem:$0x6CE0] =	vst v12;
	v1 =	vld.idx.msk [tilespmem:v46+s29+$0x0], $0xffff  }
0x2dc: {  	v52 =	vadd.s32 $0x1000, v24;
	[tilespmem:$0x6CA0] =	vst v0;
	v0 =	vld.idx.msk [tilespmem:v55+s29+$0x0], $0xffff  }
0x2dd: {  	[tilespmem:$0x6C40] =	vst v14;
	v14 =	vld.idx.msk [tilespmem:v51+s29+$0x0], $0xffff  }
0x2de: {  	v61 =	vadd.s32 $0x1400, v27;
	[tilespmem:$0x6C50] =	vst v15;
	v3 =	vld.idx.msk [tilespmem:v47+s29+$0x0], $0xffff  }
0x2df: {  	v53 =	vadd.s32 $0x1000, v25;
	[tilespmem:$0x6CF0] =	vst v13;
	v10 =	vld.idx.msk [tilespmem:v48+s29+$0x0], $0xffff  }
0x2e0: {  	v54 =	vadd.s32 $0x1000, v26;
	[tilespmem:$0x6CB0] =	vst v1;
	v1 =	vld.idx.msk [tilespmem:v56+s29+$0x0], $0xffff  }
0x2e1: {  	v62 =	vadd.s32 $0x1400, v28;
	v15 =	vld.idx.msk [tilespmem:v52+s29+$0x0], $0xffff;
	[tilespmem:$0x6D60] =	vst v0  }
0x2e2: {  	v57 =	vadd.s32 $0x1400, v23;
	[tilespmem:$0x6D20] =	vst v14  }
0x2e3: {  	v14 =	vld.idx.msk [tilespmem:v61+s29+$0x0], $0xffff;
	[tilespmem:$0x6CC0] =	vst v3  }
0x2e4: {  	v58 =	vadd.s32 $0x1400, v24;
	[tilespmem:$0x6CD0] =	vst v10;
	v9 =	vld.idx.msk [tilespmem:v53+s29+$0x0], $0xffff  }
0x2e5: {  	v59 =	vadd.s32 $0x1400, v25;
	[tilespmem:$0x6D70] =	vst v1;
	v11 =	vld.idx.msk [tilespmem:v54+s29+$0x0], $0xffff  }
0x2e6: {  	v60 =	vadd.s32 $0x1400, v26;
	[tilespmem:$0x6D30] =	vst v15;
	v15 =	vld.idx.msk [tilespmem:v62+s29+$0x0], $0xffff  }
0x2e7: {  	v21 =	vadd.s32 $0x1800, v27;
	v3 =	vld.idx.msk [tilespmem:v57+s29+$0x0], $0xffff  }
0x2e8: {  	v22 =	vadd.s32 $0x1800, v28;
	[tilespmem:$0x6DE0] =	vst v14  }
0x2e9: {  	v63 =	vadd.s32 $0x1800, v23;
	v10 =	vld.idx.msk [tilespmem:v58+s29+$0x0], $0xffff;
	[tilespmem:$0x6D40] =	vst v9  }
0x2ea: {  	v18 =	vadd.s32 $0x1800, v24;
	[tilespmem:$0x6D50] =	vst v11;
	v12 =	vld.idx.msk [tilespmem:v59+s29+$0x0], $0xffff  }
0x2eb: {  	v19 =	vadd.s32 $0x1800, v25;
	[tilespmem:$0x6DF0] =	vst v15;
	v13 =	vld.idx.msk [tilespmem:v60+s29+$0x0], $0xffff  }
0x2ec: {  	v20 =	vadd.s32 $0x1800, v26;
	[tilespmem:$0x6DA0] =	vst v3;
	v3 =	vld.idx.msk [tilespmem:v21+s29+$0x0], $0xffff  }
0x2ed: {  	v8 =	vadd.s32 $0x1C00, v27;
	v4 =	vadd.s32 $0x1C00, v23;
	v23 =	vld.idx.msk [tilespmem:v22+s29+$0x0], $0xffff  }
0x2ee: {  	v2 =	vadd.s32 $0x1C00, v28;
	[tilespmem:$0x6DB0] =	vst v10;
	v9 =	vld.idx.msk [tilespmem:v63+s29+$0x0], $0xffff  }
0x2ef: {  	v11 =	vld.idx.msk [tilespmem:v18+s29+$0x0], $0xffff;
	[tilespmem:$0x6DC0] =	vst v12  }
0x2f0: {  	v5 =	vadd.s32 $0x1C00, v24;
	[tilespmem:$0x6DD0] =	vst v13;
	v0 =	vld.idx.msk [tilespmem:v19+s29+$0x0], $0xffff  }
0x2f1: {  	v6 =	vadd.s32 $0x1C00, v25;
	[tilespmem:$0x6E60] =	vst v3;
	v1 =	vld.idx.msk [tilespmem:v20+s29+$0x0], $0xffff  }
0x2f2: {  	v7 =	vadd.s32 $0x1C00, v26;
	[tilespmem:$0x6E70] =	vst v23;
	v3 =	vld.idx.msk [tilespmem:v8+s29+$0x0], $0xffff  }
0x2f3: {  	[tilespmem:$0x6E20] =	vst v9;
	v2 =	vld.idx.msk [tilespmem:v2+s29+$0x0], $0xffff  }
0x2f4: {  	[tilespmem:$0x6E30] =	vst v11;
	v4 =	vld.idx.msk [tilespmem:v4+s29+$0x0], $0xffff  }
0x2f5: {  	v5 =	vld.idx.msk [tilespmem:v5+s29+$0x0], $0xffff;
	[tilespmem:$0x6E40] =	vst v0  }
0x2f6: {  	[tilespmem:$0x6E50] =	vst v1;
	v0 =	vld.idx.msk [tilespmem:v6+s29+$0x0], $0xffff  }
0x2f7: {  	[tilespmem:$0x6EE0] =	vst v3;
	v1 =	vld.idx.msk [tilespmem:v7+s29+$0x0], $0xffff  }
0x2f8: {  	[tilespmem:$0x6EF0] =	vst v2  }
0x2f9: {  	[tilespmem:$0x6EA0] =	vst v4  }
0x2fa: {  	[tilespmem:$0x6EB0] =	vst v5  }
0x2fb: {  	[tilespmem:$0x6EC0] =	vst v0  }
0x2fc: {  	s17 =	sadd.s32 $0xC880, s12;
	[tilespmem:$0x6ED0] =	vst v1  }
0x2fd: {  	[hbm4b:s17+s3] =	stream.linear.scatter [tilespmem:s23], [sflag:$0x4], $0x400, $0x38;
	[tilespmem:$0x17180] =	vst v63  }
0x2fe: {  	_ =	swait.ge [sflag:s31], $0x400  }
0x2ff: {  	[sflag:s31] =	ssyncset.done $0x0  }
0x300: {  	[sflag:s31] =	ssyncadd.s32 $0xFFFFFC00  }
0x301: {  	v24 =	vld [tilespmem:s7+$0x0]  }
0x302: {  	v25 =	vld [tilespmem:s7+$0x10];
	_ =	sdelay $0x6  }
0x303: {  	v26 =	vld.idx.msk [tilespmem:v24+s29+$0x0], $0xffff  }
0x304: {  	v27 =	vadd.s32 $0x400, v24;
	v28 =	vld.idx.msk [tilespmem:v25+s29+$0x0], $0xffff  }
0x305: {  	v29 =	vadd.s32 $0x400, v25;
	_ =	sdelay $0x2  }
0x306: {  	[tilespmem:$0x6F00] =	vst v26  }
0x307: {  	[tilespmem:$0x6F10] =	vst v28;
	v2 =	vld.idx.msk [tilespmem:v27+s29+$0x0], $0xffff  }
0x308: {  	v30 =	vadd.s32 $0x800, v24;
	v4 =	vld.idx.msk [tilespmem:v29+s29+$0x0], $0xffff  }
0x309: {  	v31 =	vadd.s32 $0x800, v25;
	_ =	sdelay $0x2  }
0x30a: {  	[tilespmem:$0x6F80] =	vst v2  }
0x30b: {  	[tilespmem:$0x6F90] =	vst v4;
	v2 =	vld.idx.msk [tilespmem:v30+s29+$0x0], $0xffff  }
0x30c: {  	v32 =	vadd.s32 $0xC00, v24;
	v4 =	vld.idx.msk [tilespmem:v31+s29+$0x0], $0xffff  }
0x30d: {  	v33 =	vadd.s32 $0xC00, v25;
	_ =	sdelay $0x2  }
0x30e: {  	[tilespmem:$0x7000] =	vst v2  }
0x30f: {  	[tilespmem:$0x7010] =	vst v4;
	v2 =	vld.idx.msk [tilespmem:v32+s29+$0x0], $0xffff  }
0x310: {  	v34 =	vadd.s32 $0x1000, v24;
	v4 =	vld.idx.msk [tilespmem:v33+s29+$0x0], $0xffff  }
0x311: {  	v35 =	vadd.s32 $0x1000, v25;
	_ =	sdelay $0x2  }
0x312: {  	[tilespmem:$0x7080] =	vst v2  }
0x313: {  	[tilespmem:$0x7090] =	vst v4;
	v2 =	vld.idx.msk [tilespmem:v34+s29+$0x0], $0xffff  }
0x314: {  	v36 =	vadd.s32 $0x1400, v24;
	v4 =	vld.idx.msk [tilespmem:v35+s29+$0x0], $0xffff  }
0x315: {  	v37 =	vadd.s32 $0x1400, v25  }
0x316: {  	v5 =	vld [tilespmem:s7+$0x30];
	_ =	sdelay $0x1  }
0x317: {  	v41 =	vld [tilespmem:s7+$0x40];
	[tilespmem:$0x7100] =	vst v2  }
0x318: {  	[tilespmem:$0x7110] =	vst v4;
	v2 =	vld.idx.msk [tilespmem:v36+s29+$0x0], $0xffff  }
0x319: {  	v4 =	vld.idx.msk [tilespmem:v37+s29+$0x0], $0xffff  }
0x31a: {  	v44 =	vld [tilespmem:s7+$0x70];
	v38 =	vadd.s32 $0x1800, v24  }
0x31b: {  	v42 =	vld [tilespmem:s7+$0x50];
	v39 =	vadd.s32 $0x1800, v25  }
0x31c: {  	v43 =	vld [tilespmem:s7+$0x60]  }
0x31d: {  	v47 =	vld.idx.msk [tilespmem:v5+s29+$0x0], $0xffff;
	[tilespmem:$0x7180] =	vst v2  }
0x31e: {  	[tilespmem:$0x7190] =	vst v4;
	v4 =	vld [tilespmem:s7+$0x20]  }
0x31f: {  	v2 =	vld.idx.msk [tilespmem:v38+s29+$0x0], $0xffff  }
0x320: {  	v0 =	vadd.s32 $0x1C00, v24;
	v40 =	vld.idx.msk [tilespmem:v39+s29+$0x0], $0xffff  }
0x321: {  	v1 =	vadd.s32 $0x1C00, v25;
	v49 =	vld.idx.msk [tilespmem:v41+s29+$0x0], $0xffff  }
0x322: {  	v55 =	vld.idx.msk [tilespmem:v44+s29+$0x0], $0xffff  }
0x323: {  	v56 =	vadd.s32 $0x400, v44;
	v51 =	vld.idx.msk [tilespmem:v42+s29+$0x0], $0xffff;
	[tilespmem:$0x6F30] =	vst v47  }
0x324: {  	v48 =	vadd.s32 $0x400, v5;
	v53 =	vld.idx.msk [tilespmem:v43+s29+$0x0], $0xffff;
	[tilespmem:$0x7200] =	vst v2  }
0x325: {  	v50 =	vadd.s32 $0x400, v41;
	[tilespmem:$0x7210] =	vst v40;
	v0 =	vld.idx.msk [tilespmem:v0+s29+$0x0], $0xffff  }
0x326: {  	v52 =	vadd.s32 $0x400, v42;
	[tilespmem:$0x6F40] =	vst v49;
	v1 =	vld.idx.msk [tilespmem:v1+s29+$0x0], $0xffff  }
0x327: {  	v54 =	vadd.s32 $0x400, v43;
	[tilespmem:$0x6F70] =	vst v55;
	v45 =	vld.idx.msk [tilespmem:v4+s29+$0x0], $0xffff  }
0x328: {  	[tilespmem:$0x6F50] =	vst v51;
	v10 =	vld.idx.msk [tilespmem:v56+s29+$0x0], $0xffff;
	v46 =	vadd.s32 $0x400, v4  }
0x329: {  	v62 =	vadd.s32 $0x800, v44;
	[tilespmem:$0x6F60] =	vst v53;
	v11 =	vld.idx.msk [tilespmem:v48+s29+$0x0], $0xffff  }
0x32a: {  	v58 =	vadd.s32 $0x800, v5;
	[tilespmem:$0x7280] =	vst v0;
	v0 =	vld.idx.msk [tilespmem:v50+s29+$0x0], $0xffff  }
0x32b: {  	v59 =	vadd.s32 $0x800, v41;
	[tilespmem:$0x7290] =	vst v1;
	v1 =	vld.idx.msk [tilespmem:v52+s29+$0x0], $0xffff  }
0x32c: {  	v60 =	vadd.s32 $0x800, v42;
	v3 =	vld.idx.msk [tilespmem:v54+s29+$0x0], $0xffff;
	[tilespmem:$0x6F20] =	vst v45  }
0x32d: {  	v61 =	vadd.s32 $0x800, v43;
	[tilespmem:$0x6FF0] =	vst v10;
	v9 =	vld.idx.msk [tilespmem:v46+s29+$0x0], $0xffff  }
0x32e: {  	[tilespmem:$0x6FB0] =	vst v11;
	v11 =	vld.idx.msk [tilespmem:v62+s29+$0x0], $0xffff;
	v57 =	vadd.s32 $0x800, v4  }
0x32f: {  	v22 =	vadd.s32 $0xC00, v44;
	v13 =	vld.idx.msk [tilespmem:v58+s29+$0x0], $0xffff;
	[tilespmem:$0x6FC0] =	vst v0  }
0x330: {  	v18 =	vadd.s32 $0xC00, v5;
	[tilespmem:$0x6FD0] =	vst v1;
	v14 =	vld.idx.msk [tilespmem:v59+s29+$0x0], $0xffff  }
0x331: {  	v19 =	vadd.s32 $0xC00, v41;
	[tilespmem:$0x6FE0] =	vst v3;
	v15 =	vld.idx.msk [tilespmem:v60+s29+$0x0], $0xffff  }
0x332: {  	v20 =	vadd.s32 $0xC00, v42;
	[tilespmem:$0x6FA0] =	vst v9;
	v9 =	vld.idx.msk [tilespmem:v61+s29+$0x0], $0xffff  }
0x333: {  	v21 =	vadd.s32 $0xC00, v43;
	[tilespmem:$0x7070] =	vst v11;
	v12 =	vld.idx.msk [tilespmem:v57+s29+$0x0], $0xffff  }
0x334: {  	[tilespmem:$0x7030] =	vst v13;
	v13 =	vld.idx.msk [tilespmem:v22+s29+$0x0], $0xffff;
	v63 =	vadd.s32 $0xC00, v4  }
0x335: {  	v28 =	vadd.s32 $0x1000, v44;
	v1 =	vld.idx.msk [tilespmem:v18+s29+$0x0], $0xffff;
	[tilespmem:$0x7040] =	vst v14  }
0x336: {  	v24 =	vadd.s32 $0x1000, v5;
	[tilespmem:$0x7050] =	vst v15;
	v3 =	vld.idx.msk [tilespmem:v19+s29+$0x0], $0xffff  }
0x337: {  	v25 =	vadd.s32 $0x1000, v41;
	[tilespmem:$0x7060] =	vst v9;
	v10 =	vld.idx.msk [tilespmem:v20+s29+$0x0], $0xffff  }
0x338: {  	v26 =	vadd.s32 $0x1000, v42;
	[tilespmem:$0x7020] =	vst v12;
	v12 =	vld.idx.msk [tilespmem:v21+s29+$0x0], $0xffff  }
0x339: {  	v27 =	vadd.s32 $0x1000, v43;
	[tilespmem:$0x70F0] =	vst v13;
	v0 =	vld.idx.msk [tilespmem:v63+s29+$0x0], $0xffff  }
0x33a: {  	v23 =	vadd.s32 $0x1000, v4;
	[tilespmem:$0x70B0] =	vst v1;
	v1 =	vld.idx.msk [tilespmem:v28+s29+$0x0], $0xffff  }
0x33b: {  	v34 =	vadd.s32 $0x1400, v44;
	v15 =	vld.idx.msk [tilespmem:v24+s29+$0x0], $0xffff;
	[tilespmem:$0x70C0] =	vst v3  }
0x33c: {  	v30 =	vadd.s32 $0x1400, v5;
	[tilespmem:$0x70D0] =	vst v10;
	v9 =	vld.idx.msk [tilespmem:v25+s29+$0x0], $0xffff  }
0x33d: {  	v31 =	vadd.s32 $0x1400, v41;
	[tilespmem:$0x70E0] =	vst v12;
	v11 =	vld.idx.msk [tilespmem:v26+s29+$0x0], $0xffff  }
0x33e: {  	v32 =	vadd.s32 $0x1400, v42;
	[tilespmem:$0x70A0] =	vst v0;
	v0 =	vld.idx.msk [tilespmem:v27+s29+$0x0], $0xffff  }
0x33f: {  	v33 =	vadd.s32 $0x1400, v43;
	[tilespmem:$0x7170] =	vst v1;
	v14 =	vld.idx.msk [tilespmem:v23+s29+$0x0], $0xffff  }
0x340: {  	v29 =	vadd.s32 $0x1400, v4;
	[tilespmem:$0x7130] =	vst v15;
	v15 =	vld.idx.msk [tilespmem:v34+s29+$0x0], $0xffff  }
0x341: {  	v40 =	vadd.s32 $0x1800, v44;
	v10 =	vld.idx.msk [tilespmem:v30+s29+$0x0], $0xffff;
	[tilespmem:$0x7140] =	vst v9  }
0x342: {  	v36 =	vadd.s32 $0x1800, v5;
	[tilespmem:$0x7150] =	vst v11;
	v12 =	vld.idx.msk [tilespmem:v31+s29+$0x0], $0xffff  }
0x343: {  	v37 =	vadd.s32 $0x1800, v41;
	[tilespmem:$0x7160] =	vst v0;
	v13 =	vld.idx.msk [tilespmem:v32+s29+$0x0], $0xffff  }
0x344: {  	v38 =	vadd.s32 $0x1800, v42;
	[tilespmem:$0x7120] =	vst v14;
	v14 =	vld.idx.msk [tilespmem:v33+s29+$0x0], $0xffff  }
0x345: {  	v39 =	vadd.s32 $0x1800, v43;
	[tilespmem:$0x71F0] =	vst v15;
	v3 =	vld.idx.msk [tilespmem:v29+s29+$0x0], $0xffff  }
0x346: {  	v6 =	vadd.s32 $0x1C00, v41;
	v35 =	vadd.s32 $0x1800, v4;
	[tilespmem:$0x71B0] =	vst v10;
	v41 =	vld.idx.msk [tilespmem:v40+s29+$0x0], $0xffff  }
0x347: {  	v2 =	vadd.s32 $0x1C00, v44;
	v11 =	vld.idx.msk [tilespmem:v36+s29+$0x0], $0xffff;
	[tilespmem:$0x71C0] =	vst v12  }
0x348: {  	v5 =	vadd.s32 $0x1C00, v5;
	[tilespmem:$0x71D0] =	vst v13;
	v0 =	vld.idx.msk [tilespmem:v37+s29+$0x0], $0xffff  }
0x349: {  	v1 =	vld.idx.msk [tilespmem:v38+s29+$0x0], $0xffff;
	[tilespmem:$0x71E0] =	vst v14  }
0x34a: {  	v7 =	vadd.s32 $0x1C00, v42;
	[tilespmem:$0x71A0] =	vst v3;
	v3 =	vld.idx.msk [tilespmem:v39+s29+$0x0], $0xffff  }
0x34b: {  	v8 =	vadd.s32 $0x1C00, v43;
	[tilespmem:$0x7270] =	vst v41;
	v9 =	vld.idx.msk [tilespmem:v35+s29+$0x0], $0xffff  }
0x34c: {  	v4 =	vadd.s32 $0x1C00, v4;
	[tilespmem:$0x7230] =	vst v11;
	v2 =	vld.idx.msk [tilespmem:v2+s29+$0x0], $0xffff  }
0x34d: {  	v5 =	vld.idx.msk [tilespmem:v5+s29+$0x0], $0xffff;
	[tilespmem:$0x7240] =	vst v0  }
0x34e: {  	[tilespmem:$0x7250] =	vst v1;
	v0 =	vld.idx.msk [tilespmem:v6+s29+$0x0], $0xffff  }
0x34f: {  	v1 =	vld.idx.msk [tilespmem:v7+s29+$0x0], $0xffff;
	[tilespmem:$0x7260] =	vst v3  }
0x350: {  	[tilespmem:$0x7220] =	vst v9;
	v3 =	vld.idx.msk [tilespmem:v8+s29+$0x0], $0xffff  }
0x351: {  	[tilespmem:$0x72F0] =	vst v2;
	v4 =	vld.idx.msk [tilespmem:v4+s29+$0x0], $0xffff  }
0x352: {  	[tilespmem:$0x72B0] =	vst v5  }
0x353: {  	[tilespmem:$0x72C0] =	vst v0  }
0x354: {  	[tilespmem:$0x72D0] =	vst v1  }
0x355: {  	[tilespmem:$0x72E0] =	vst v3  }
0x356: {  	s18 =	sadd.s32 $0xC900, s12;
	[tilespmem:$0x72A0] =	vst v4  }
0x357: {  	[hbm4b:s18+s3] =	stream.linear.scatter [tilespmem:s24], [sflag:$0x5], $0x400, $0x38;
	[tilespmem:$0x17180] =	vst v63  }
0x358: {  	_ =	swait.ge [sflag:s0], $0x400  }
0x359: {  	[sflag:s0] =	ssyncset.done $0x0  }
0x35a: {  	[sflag:s0] =	ssyncadd.s32 $0xFFFFFC00  }
0x35b: {  	v42 =	vld [tilespmem:s7+$0x80]  }
0x35c: {  	v43 =	vld [tilespmem:s7+$0x90];
	_ =	sdelay $0x6  }
0x35d: {  	v44 =	vld.idx.msk [tilespmem:v42+s29+$0x0], $0xffff  }
0x35e: {  	v45 =	vadd.s32 $0x400, v42;
	v46 =	vld.idx.msk [tilespmem:v43+s29+$0x0], $0xffff  }
0x35f: {  	v47 =	vadd.s32 $0x400, v43;
	_ =	sdelay $0x2  }
0x360: {  	[tilespmem:$0x7300] =	vst v44  }
0x361: {  	[tilespmem:$0x7310] =	vst v46;
	v2 =	vld.idx.msk [tilespmem:v45+s29+$0x0], $0xffff  }
0x362: {  	v48 =	vadd.s32 $0x800, v42;
	v4 =	vld.idx.msk [tilespmem:v47+s29+$0x0], $0xffff  }
0x363: {  	v49 =	vadd.s32 $0x800, v43;
	_ =	sdelay $0x2  }
0x364: {  	[tilespmem:$0x7380] =	vst v2  }
0x365: {  	[tilespmem:$0x7390] =	vst v4;
	v2 =	vld.idx.msk [tilespmem:v48+s29+$0x0], $0xffff  }
0x366: {  	v50 =	vadd.s32 $0xC00, v42;
	v4 =	vld.idx.msk [tilespmem:v49+s29+$0x0], $0xffff  }
0x367: {  	v51 =	vadd.s32 $0xC00, v43;
	_ =	sdelay $0x2  }
0x368: {  	[tilespmem:$0x7400] =	vst v2  }
0x369: {  	[tilespmem:$0x7410] =	vst v4;
	v2 =	vld.idx.msk [tilespmem:v50+s29+$0x0], $0xffff  }
0x36a: {  	v52 =	vadd.s32 $0x1000, v42;
	v4 =	vld.idx.msk [tilespmem:v51+s29+$0x0], $0xffff  }
0x36b: {  	v53 =	vadd.s32 $0x1000, v43;
	_ =	sdelay $0x2  }
0x36c: {  	[tilespmem:$0x7480] =	vst v2  }
0x36d: {  	[tilespmem:$0x7490] =	vst v4;
	v2 =	vld.idx.msk [tilespmem:v52+s29+$0x0], $0xffff  }
0x36e: {  	v54 =	vadd.s32 $0x1400, v42;
	v4 =	vld.idx.msk [tilespmem:v53+s29+$0x0], $0xffff  }
0x36f: {  	v55 =	vadd.s32 $0x1400, v43  }
0x370: {  	v59 =	vld [tilespmem:s7+$0xB0];
	_ =	sdelay $0x1  }
0x371: {  	v60 =	vld [tilespmem:s7+$0xC0];
	[tilespmem:$0x7500] =	vst v2  }
0x372: {  	[tilespmem:$0x7510] =	vst v4;
	v2 =	vld.idx.msk [tilespmem:v54+s29+$0x0], $0xffff  }
0x373: {  	v4 =	vld.idx.msk [tilespmem:v55+s29+$0x0], $0xffff  }
0x374: {  	v63 =	vld [tilespmem:s7+$0xF0];
	v56 =	vadd.s32 $0x1800, v42  }
0x375: {  	v61 =	vld [tilespmem:s7+$0xD0];
	v57 =	vadd.s32 $0x1800, v43  }
0x376: {  	v62 =	vld [tilespmem:s7+$0xE0]  }
0x377: {  	v19 =	vld.idx.msk [tilespmem:v59+s29+$0x0], $0xffff;
	[tilespmem:$0x7580] =	vst v2  }
0x378: {  	[tilespmem:$0x7590] =	vst v4;
	v4 =	vld [tilespmem:s7+$0xA0]  }
0x379: {  	v2 =	vld.idx.msk [tilespmem:v56+s29+$0x0], $0xffff  }
0x37a: {  	v0 =	vadd.s32 $0x1C00, v42;
	v58 =	vld.idx.msk [tilespmem:v57+s29+$0x0], $0xffff  }
0x37b: {  	v1 =	vadd.s32 $0x1C00, v43;
	v21 =	vld.idx.msk [tilespmem:v60+s29+$0x0], $0xffff  }
0x37c: {  	v27 =	vld.idx.msk [tilespmem:v63+s29+$0x0], $0xffff  }
0x37d: {  	v28 =	vadd.s32 $0x400, v63;
	v23 =	vld.idx.msk [tilespmem:v61+s29+$0x0], $0xffff;
	[tilespmem:$0x7330] =	vst v19  }
0x37e: {  	v20 =	vadd.s32 $0x400, v59;
	v25 =	vld.idx.msk [tilespmem:v62+s29+$0x0], $0xffff;
	[tilespmem:$0x7600] =	vst v2  }
0x37f: {  	v22 =	vadd.s32 $0x400, v60;
	[tilespmem:$0x7610] =	vst v58;
	v0 =	vld.idx.msk [tilespmem:v0+s29+$0x0], $0xffff  }
0x380: {  	v24 =	vadd.s32 $0x400, v61;
	[tilespmem:$0x7340] =	vst v21;
	v1 =	vld.idx.msk [tilespmem:v1+s29+$0x0], $0xffff  }
0x381: {  	v26 =	vadd.s32 $0x400, v62;
	[tilespmem:$0x7370] =	vst v27;
	v17 =	vld.idx.msk [tilespmem:v4+s29+$0x0], $0xffff  }
0x382: {  	[tilespmem:$0x7350] =	vst v23;
	v10 =	vld.idx.msk [tilespmem:v28+s29+$0x0], $0xffff;
	v18 =	vadd.s32 $0x400, v4  }
0x383: {  	v34 =	vadd.s32 $0x800, v63;
	[tilespmem:$0x7360] =	vst v25;
	v11 =	vld.idx.msk [tilespmem:v20+s29+$0x0], $0xffff  }
0x384: {  	v30 =	vadd.s32 $0x800, v59;
	[tilespmem:$0x7680] =	vst v0;
	v0 =	vld.idx.msk [tilespmem:v22+s29+$0x0], $0xffff  }
0x385: {  	v31 =	vadd.s32 $0x800, v60;
	[tilespmem:$0x7690] =	vst v1;
	v1 =	vld.idx.msk [tilespmem:v24+s29+$0x0], $0xffff  }
0x386: {  	v32 =	vadd.s32 $0x800, v61;
	v3 =	vld.idx.msk [tilespmem:v26+s29+$0x0], $0xffff;
	[tilespmem:$0x7320] =	vst v17  }
0x387: {  	v33 =	vadd.s32 $0x800, v62;
	[tilespmem:$0x73F0] =	vst v10;
	v9 =	vld.idx.msk [tilespmem:v18+s29+$0x0], $0xffff  }
0x388: {  	[tilespmem:$0x73B0] =	vst v11;
	v11 =	vld.idx.msk [tilespmem:v34+s29+$0x0], $0xffff;
	v29 =	vadd.s32 $0x800, v4  }
0x389: {  	v40 =	vadd.s32 $0xC00, v63;
	v13 =	vld.idx.msk [tilespmem:v30+s29+$0x0], $0xffff;
	[tilespmem:$0x73C0] =	vst v0  }
0x38a: {  	v36 =	vadd.s32 $0xC00, v59;
	[tilespmem:$0x73D0] =	vst v1;
	v14 =	vld.idx.msk [tilespmem:v31+s29+$0x0], $0xffff  }
0x38b: {  	v37 =	vadd.s32 $0xC00, v60;
	[tilespmem:$0x73E0] =	vst v3;
	v15 =	vld.idx.msk [tilespmem:v32+s29+$0x0], $0xffff  }
0x38c: {  	v38 =	vadd.s32 $0xC00, v61;
	[tilespmem:$0x73A0] =	vst v9;
	v9 =	vld.idx.msk [tilespmem:v33+s29+$0x0], $0xffff  }
0x38d: {  	v39 =	vadd.s32 $0xC00, v62;
	[tilespmem:$0x7470] =	vst v11;
	v12 =	vld.idx.msk [tilespmem:v29+s29+$0x0], $0xffff  }
0x38e: {  	[tilespmem:$0x7430] =	vst v13;
	v13 =	vld.idx.msk [tilespmem:v40+s29+$0x0], $0xffff;
	v35 =	vadd.s32 $0xC00, v4  }
0x38f: {  	v46 =	vadd.s32 $0x1000, v63;
	v1 =	vld.idx.msk [tilespmem:v36+s29+$0x0], $0xffff;
	[tilespmem:$0x7440] =	vst v14  }
0x390: {  	v42 =	vadd.s32 $0x1000, v59;
	[tilespmem:$0x7450] =	vst v15;
	v3 =	vld.idx.msk [tilespmem:v37+s29+$0x0], $0xffff  }
0x391: {  	v43 =	vadd.s32 $0x1000, v60;
	[tilespmem:$0x7460] =	vst v9;
	v10 =	vld.idx.msk [tilespmem:v38+s29+$0x0], $0xffff  }
0x392: {  	v44 =	vadd.s32 $0x1000, v61;
	[tilespmem:$0x7420] =	vst v12;
	v12 =	vld.idx.msk [tilespmem:v39+s29+$0x0], $0xffff  }
0x393: {  	v45 =	vadd.s32 $0x1000, v62;
	[tilespmem:$0x74F0] =	vst v13;
	v0 =	vld.idx.msk [tilespmem:v35+s29+$0x0], $0xffff  }
0x394: {  	v41 =	vadd.s32 $0x1000, v4;
	[tilespmem:$0x74B0] =	vst v1;
	v1 =	vld.idx.msk [tilespmem:v46+s29+$0x0], $0xffff  }
0x395: {  	v52 =	vadd.s32 $0x1400, v63;
	v15 =	vld.idx.msk [tilespmem:v42+s29+$0x0], $0xffff;
	[tilespmem:$0x74C0] =	vst v3  }
0x396: {  	v48 =	vadd.s32 $0x1400, v59;
	[tilespmem:$0x74D0] =	vst v10;
	v9 =	vld.idx.msk [tilespmem:v43+s29+$0x0], $0xffff  }
0x397: {  	v49 =	vadd.s32 $0x1400, v60;
	[tilespmem:$0x74E0] =	vst v12;
	v11 =	vld.idx.msk [tilespmem:v44+s29+$0x0], $0xffff  }
0x398: {  	v50 =	vadd.s32 $0x1400, v61;
	[tilespmem:$0x74A0] =	vst v0;
	v0 =	vld.idx.msk [tilespmem:v45+s29+$0x0], $0xffff  }
0x399: {  	v51 =	vadd.s32 $0x1400, v62;
	[tilespmem:$0x7570] =	vst v1;
	v14 =	vld.idx.msk [tilespmem:v41+s29+$0x0], $0xffff  }
0x39a: {  	v47 =	vadd.s32 $0x1400, v4;
	[tilespmem:$0x7530] =	vst v15;
	v15 =	vld.idx.msk [tilespmem:v52+s29+$0x0], $0xffff  }
0x39b: {  	v58 =	vadd.s32 $0x1800, v63;
	v10 =	vld.idx.msk [tilespmem:v48+s29+$0x0], $0xffff;
	[tilespmem:$0x7540] =	vst v9  }
0x39c: {  	v54 =	vadd.s32 $0x1800, v59;
	[tilespmem:$0x7550] =	vst v11;
	v12 =	vld.idx.msk [tilespmem:v49+s29+$0x0], $0xffff  }
0x39d: {  	v55 =	vadd.s32 $0x1800, v60;
	[tilespmem:$0x7560] =	vst v0;
	v13 =	vld.idx.msk [tilespmem:v50+s29+$0x0], $0xffff  }
0x39e: {  	v56 =	vadd.s32 $0x1800, v61;
	[tilespmem:$0x7520] =	vst v14;
	v14 =	vld.idx.msk [tilespmem:v51+s29+$0x0], $0xffff  }
0x39f: {  	v57 =	vadd.s32 $0x1800, v62;
	[tilespmem:$0x75F0] =	vst v15;
	v3 =	vld.idx.msk [tilespmem:v47+s29+$0x0], $0xffff  }
0x3a0: {  	v5 =	vadd.s32 $0x1C00, v59;
	v53 =	vadd.s32 $0x1800, v4;
	[tilespmem:$0x75B0] =	vst v10;
	v59 =	vld.idx.msk [tilespmem:v58+s29+$0x0], $0xffff  }
0x3a1: {  	v2 =	vadd.s32 $0x1C00, v63;
	v11 =	vld.idx.msk [tilespmem:v54+s29+$0x0], $0xffff;
	[tilespmem:$0x75C0] =	vst v12  }
0x3a2: {  	[tilespmem:$0x75D0] =	vst v13;
	v0 =	vld.idx.msk [tilespmem:v55+s29+$0x0], $0xffff  }
0x3a3: {  	v6 =	vadd.s32 $0x1C00, v60;
	[tilespmem:$0x75E0] =	vst v14;
	v1 =	vld.idx.msk [tilespmem:v56+s29+$0x0], $0xffff  }
0x3a4: {  	v7 =	vadd.s32 $0x1C00, v61;
	[tilespmem:$0x75A0] =	vst v3;
	v3 =	vld.idx.msk [tilespmem:v57+s29+$0x0], $0xffff  }
0x3a5: {  	v8 =	vadd.s32 $0x1C00, v62;
	[tilespmem:$0x7670] =	vst v59;
	v9 =	vld.idx.msk [tilespmem:v53+s29+$0x0], $0xffff  }
0x3a6: {  	v4 =	vadd.s32 $0x1C00, v4;
	[tilespmem:$0x7630] =	vst v11;
	v2 =	vld.idx.msk [tilespmem:v2+s29+$0x0], $0xffff  }
0x3a7: {  	v60 =	vld.idx.msk [tilespmem:v5+s29+$0x0], $0xffff;
	[tilespmem:$0x7640] =	vst v0  }
0x3a8: {  	[tilespmem:$0x7650] =	vst v1;
	v61 =	vld.idx.msk [tilespmem:v6+s29+$0x0], $0xffff  }
0x3a9: {  	[tilespmem:$0x7660] =	vst v3;
	v62 =	vld.idx.msk [tilespmem:v7+s29+$0x0], $0xffff  }
0x3aa: {  	[tilespmem:$0x7620] =	vst v9;
	v63 =	vld.idx.msk [tilespmem:v8+s29+$0x0], $0xffff  }
0x3ab: {  	[tilespmem:$0x76F0] =	vst v2;
	v4 =	vld.idx.msk [tilespmem:v4+s29+$0x0], $0xffff  }
0x3ac: {  	p2 =	sne.s32 s6, $0x400;
	[tilespmem:$0x76B0] =	vst v60  }
.Ltmp7:
0x3ad: {  	[tilespmem:$0x76C0] =	vst v61;
	(pc) =	sbr.rel @p2 .LBB2_12-.Ltmp7, $4  }
0x3ae: {  	[tilespmem:$0x76D0] =	vst v62  }
0x3af: {  	[tilespmem:$0x76E0] =	vst v63  }
0x3b0: {  	s6 =	sadd.s32 $0x200, s6;
	s12 =	sadd.s32 $0xC980, s12;
	s7 =	sadd.s32 $0x200, s7;
	[tilespmem:$0x76A0] =	vst v4  }
0x3b1: {  	[hbm4b:s12+s3] =	stream.linear.scatter [tilespmem:s25], [sflag:$0x6], $0x400, $0x38;
	[tilespmem:$0x17180] =	vst v63  }
.Ltmp8:
0x3b2: {  	(pc) =	sbr.rel @p1 .LBB2_15-.Ltmp8, $1  }
0x3b3: {  	_ =	sdelay $0x3  }
0x3b4: {  	_ =	swait.ge [sflag:s26], $0x400  }
0x3b5: {  	[sflag:s26] =	ssyncset.done $0x0  }
0x3b6: {  	[sflag:s26] =	ssyncadd.s32 $0xFFFFFC00  }
0x3b7: {  	v0 =	vld [tilespmem:$0x600]  }
0x3b8: {  	v1 =	vld [tilespmem:$0x610];
	_ =	sdelay $0x6  }
0x3b9: {  	v2 =	vld.idx.msk [tilespmem:v0+s29+$0x0], $0xffff  }
0x3ba: {  	v3 =	vadd.s32 $0x400, v0;
	v4 =	vld.idx.msk [tilespmem:v1+s29+$0x0], $0xffff  }
0x3bb: {  	v5 =	vadd.s32 $0x400, v1;
	_ =	sdelay $0x2  }
0x3bc: {  	[tilespmem:$0x6700] =	vst v2  }
0x3bd: {  	[tilespmem:$0x6710] =	vst v4;
	v2 =	vld.idx.msk [tilespmem:v3+s29+$0x0], $0xffff  }
0x3be: {  	v10 =	vadd.s32 $0x800, v0;
	v4 =	vld.idx.msk [tilespmem:v5+s29+$0x0], $0xffff  }
0x3bf: {  	v11 =	vadd.s32 $0x800, v1;
	_ =	sdelay $0x2  }
0x3c0: {  	[tilespmem:$0x6780] =	vst v2  }
0x3c1: {  	[tilespmem:$0x6790] =	vst v4;
	v2 =	vld.idx.msk [tilespmem:v10+s29+$0x0], $0xffff  }
0x3c2: {  	v12 =	vadd.s32 $0xC00, v0;
	v4 =	vld.idx.msk [tilespmem:v11+s29+$0x0], $0xffff  }
0x3c3: {  	v13 =	vadd.s32 $0xC00, v1;
	_ =	sdelay $0x2  }
0x3c4: {  	v21 =	vld [tilespmem:$0x620];
	[tilespmem:$0x6800] =	vst v2  }
0x3c5: {  	[tilespmem:$0x6810] =	vst v4;
	v2 =	vld.idx.msk [tilespmem:v12+s29+$0x0], $0xffff  }
0x3c6: {  	v14 =	vadd.s32 $0x1000, v0;
	v4 =	vld.idx.msk [tilespmem:v13+s29+$0x0], $0xffff  }
0x3c7: {  	v15 =	vadd.s32 $0x1000, v1;
	_ =	sdelay $0x1  }
0x3c8: {  	v22 =	vld [tilespmem:$0x630]  }
0x3c9: {  	v8 =	vld [tilespmem:$0x660];
	[tilespmem:$0x6880] =	vst v2  }
0x3ca: {  	[tilespmem:$0x6890] =	vst v4;
	v2 =	vld.idx.msk [tilespmem:v14+s29+$0x0], $0xffff  }
0x3cb: {  	v16 =	vadd.s32 $0x1400, v0;
	v4 =	vld.idx.msk [tilespmem:v15+s29+$0x0], $0xffff  }
0x3cc: {  	v17 =	vadd.s32 $0x1400, v1;
	v24 =	vld.idx.msk [tilespmem:v21+s29+$0x0], $0xffff  }
0x3cd: {  	v23 =	vld [tilespmem:$0x670];
	v9 =	vadd.s32 $0x400, v21  }
0x3ce: {  	v6 =	vld [tilespmem:$0x640]  }
0x3cf: {  	v7 =	vld [tilespmem:$0x650];
	[tilespmem:$0x6900] =	vst v2  }
0x3d0: {  	[tilespmem:$0x6910] =	vst v4;
	v2 =	vld.idx.msk [tilespmem:v16+s29+$0x0], $0xffff  }
0x3d1: {  	v18 =	vadd.s32 $0x1800, v0;
	[tilespmem:$0x6720] =	vst v24;
	v4 =	vld.idx.msk [tilespmem:v17+s29+$0x0], $0xffff  }
0x3d2: {  	v19 =	vadd.s32 $0x1800, v1;
	v9 =	vld.idx.msk [tilespmem:v9+s29+$0x0], $0xffff  }
0x3d3: {  	v14 =	vld.idx.msk [tilespmem:v8+s29+$0x0], $0xffff  }
0x3d4: {  	v27 =	vadd.s32 $0x400, v8;
	v10 =	vld.idx.msk [tilespmem:v22+s29+$0x0], $0xffff  }
0x3d5: {  	v15 =	vld.idx.msk [tilespmem:v23+s29+$0x0], $0xffff;
	[tilespmem:$0x6980] =	vst v2  }
0x3d6: {  	v28 =	vadd.s32 $0x400, v23;
	[tilespmem:$0x6990] =	vst v4;
	v2 =	vld.idx.msk [tilespmem:v18+s29+$0x0], $0xffff  }
0x3d7: {  	v0 =	vadd.s32 $0x1C00, v0;
	[tilespmem:$0x67A0] =	vst v9;
	v20 =	vld.idx.msk [tilespmem:v19+s29+$0x0], $0xffff  }
0x3d8: {  	v1 =	vadd.s32 $0x1C00, v1;
	v12 =	vld.idx.msk [tilespmem:v6+s29+$0x0], $0xffff;
	[tilespmem:$0x6760] =	vst v14  }
0x3d9: {  	v11 =	vadd.s32 $0x400, v22;
	[tilespmem:$0x6730] =	vst v10;
	v3 =	vld.idx.msk [tilespmem:v27+s29+$0x0], $0xffff  }
0x3da: {  	v33 =	vadd.s32 $0x800, v8;
	v13 =	vld.idx.msk [tilespmem:v7+s29+$0x0], $0xffff;
	[tilespmem:$0x6770] =	vst v15  }
0x3db: {  	v29 =	vadd.s32 $0x800, v21;
	v10 =	vld.idx.msk [tilespmem:v28+s29+$0x0], $0xffff;
	[tilespmem:$0x6A00] =	vst v2  }
0x3dc: {  	v25 =	vadd.s32 $0x400, v6;
	[tilespmem:$0x6A10] =	vst v20;
	v0 =	vld.idx.msk [tilespmem:v0+s29+$0x0], $0xffff  }
0x3dd: {  	v26 =	vadd.s32 $0x400, v7;
	[tilespmem:$0x6740] =	vst v12;
	v1 =	vld.idx.msk [tilespmem:v1+s29+$0x0], $0xffff  }
0x3de: {  	v34 =	vadd.s32 $0x800, v23;
	v11 =	vld.idx.msk [tilespmem:v11+s29+$0x0], $0xffff;
	[tilespmem:$0x67E0] =	vst v3  }
0x3df: {  	v30 =	vadd.s32 $0x800, v22;
	[tilespmem:$0x6750] =	vst v13;
	v9 =	vld.idx.msk [tilespmem:v33+s29+$0x0], $0xffff  }
0x3e0: {  	v39 =	vadd.s32 $0xC00, v8;
	v12 =	vld.idx.msk [tilespmem:v29+s29+$0x0], $0xffff;
	[tilespmem:$0x67F0] =	vst v10  }
0x3e1: {  	v35 =	vadd.s32 $0xC00, v21;
	[tilespmem:$0x6A80] =	vst v0;
	v0 =	vld.idx.msk [tilespmem:v25+s29+$0x0], $0xffff  }
0x3e2: {  	v31 =	vadd.s32 $0x800, v6;
	[tilespmem:$0x6A90] =	vst v1;
	v1 =	vld.idx.msk [tilespmem:v26+s29+$0x0], $0xffff  }
0x3e3: {  	v32 =	vadd.s32 $0x800, v7;
	[tilespmem:$0x67B0] =	vst v11;
	v11 =	vld.idx.msk [tilespmem:v34+s29+$0x0], $0xffff  }
0x3e4: {  	v40 =	vadd.s32 $0xC00, v23;
	v13 =	vld.idx.msk [tilespmem:v30+s29+$0x0], $0xffff;
	[tilespmem:$0x6860] =	vst v9  }
0x3e5: {  	v36 =	vadd.s32 $0xC00, v22;
	[tilespmem:$0x6820] =	vst v12;
	v12 =	vld.idx.msk [tilespmem:v39+s29+$0x0], $0xffff  }
0x3e6: {  	v45 =	vadd.s32 $0x1000, v8;
	[tilespmem:$0x67C0] =	vst v0;
	v0 =	vld.idx.msk [tilespmem:v35+s29+$0x0], $0xffff  }
0x3e7: {  	v41 =	vadd.s32 $0x1000, v21;
	[tilespmem:$0x67D0] =	vst v1;
	v14 =	vld.idx.msk [tilespmem:v31+s29+$0x0], $0xffff  }
0x3e8: {  	v37 =	vadd.s32 $0xC00, v6;
	[tilespmem:$0x6870] =	vst v11;
	v15 =	vld.idx.msk [tilespmem:v32+s29+$0x0], $0xffff  }
0x3e9: {  	v38 =	vadd.s32 $0xC00, v7;
	[tilespmem:$0x6830] =	vst v13;
	v13 =	vld.idx.msk [tilespmem:v40+s29+$0x0], $0xffff  }
0x3ea: {  	v46 =	vadd.s32 $0x1000, v23;
	[tilespmem:$0x68E0] =	vst v12;
	v1 =	vld.idx.msk [tilespmem:v36+s29+$0x0], $0xffff  }
0x3eb: {  	v42 =	vadd.s32 $0x1000, v22;
	[tilespmem:$0x68A0] =	vst v0;
	v0 =	vld.idx.msk [tilespmem:v45+s29+$0x0], $0xffff  }
0x3ec: {  	[tilespmem:$0x6840] =	vst v14;
	v14 =	vld.idx.msk [tilespmem:v41+s29+$0x0], $0xffff  }
0x3ed: {  	v51 =	vadd.s32 $0x1400, v8;
	[tilespmem:$0x6850] =	vst v15;
	v3 =	vld.idx.msk [tilespmem:v37+s29+$0x0], $0xffff  }
0x3ee: {  	v43 =	vadd.s32 $0x1000, v6;
	[tilespmem:$0x68F0] =	vst v13;
	v10 =	vld.idx.msk [tilespmem:v38+s29+$0x0], $0xffff  }
0x3ef: {  	v44 =	vadd.s32 $0x1000, v7;
	[tilespmem:$0x68B0] =	vst v1;
	v1 =	vld.idx.msk [tilespmem:v46+s29+$0x0], $0xffff  }
0x3f0: {  	v52 =	vadd.s32 $0x1400, v23;
	v15 =	vld.idx.msk [tilespmem:v42+s29+$0x0], $0xffff;
	[tilespmem:$0x6960] =	vst v0  }
0x3f1: {  	v47 =	vadd.s32 $0x1400, v21;
	[tilespmem:$0x6920] =	vst v14  }
0x3f2: {  	v14 =	vld.idx.msk [tilespmem:v51+s29+$0x0], $0xffff;
	[tilespmem:$0x68C0] =	vst v3  }
0x3f3: {  	v48 =	vadd.s32 $0x1400, v22;
	[tilespmem:$0x68D0] =	vst v10;
	v9 =	vld.idx.msk [tilespmem:v43+s29+$0x0], $0xffff  }
0x3f4: {  	v49 =	vadd.s32 $0x1400, v6;
	[tilespmem:$0x6970] =	vst v1;
	v11 =	vld.idx.msk [tilespmem:v44+s29+$0x0], $0xffff  }
0x3f5: {  	v50 =	vadd.s32 $0x1400, v7;
	[tilespmem:$0x6930] =	vst v15;
	v15 =	vld.idx.msk [tilespmem:v52+s29+$0x0], $0xffff  }
0x3f6: {  	v57 =	vadd.s32 $0x1800, v8;
	v3 =	vld.idx.msk [tilespmem:v47+s29+$0x0], $0xffff  }
0x3f7: {  	v58 =	vadd.s32 $0x1800, v23;
	[tilespmem:$0x69E0] =	vst v14  }
0x3f8: {  	v53 =	vadd.s32 $0x1800, v21;
	v10 =	vld.idx.msk [tilespmem:v48+s29+$0x0], $0xffff;
	[tilespmem:$0x6940] =	vst v9  }
0x3f9: {  	v54 =	vadd.s32 $0x1800, v22;
	[tilespmem:$0x6950] =	vst v11;
	v12 =	vld.idx.msk [tilespmem:v49+s29+$0x0], $0xffff  }
0x3fa: {  	v55 =	vadd.s32 $0x1800, v6;
	[tilespmem:$0x69F0] =	vst v15;
	v13 =	vld.idx.msk [tilespmem:v50+s29+$0x0], $0xffff  }
0x3fb: {  	v56 =	vadd.s32 $0x1800, v7;
	[tilespmem:$0x69A0] =	vst v3;
	v3 =	vld.idx.msk [tilespmem:v57+s29+$0x0], $0xffff  }
0x3fc: {  	v8 =	vadd.s32 $0x1C00, v8;
	v59 =	vld.idx.msk [tilespmem:v58+s29+$0x0], $0xffff  }
0x3fd: {  	v2 =	vadd.s32 $0x1C00, v23;
	[tilespmem:$0x69B0] =	vst v10;
	v9 =	vld.idx.msk [tilespmem:v53+s29+$0x0], $0xffff  }
0x3fe: {  	v4 =	vadd.s32 $0x1C00, v21;
	v11 =	vld.idx.msk [tilespmem:v54+s29+$0x0], $0xffff;
	[tilespmem:$0x69C0] =	vst v12  }
0x3ff: {  	v5 =	vadd.s32 $0x1C00, v22;
	[tilespmem:$0x69D0] =	vst v13;
	v0 =	vld.idx.msk [tilespmem:v55+s29+$0x0], $0xffff  }
0x400: {  	v6 =	vadd.s32 $0x1C00, v6;
	[tilespmem:$0x6A60] =	vst v3;
	v1 =	vld.idx.msk [tilespmem:v56+s29+$0x0], $0xffff  }
0x401: {  	v7 =	vadd.s32 $0x1C00, v7;
	[tilespmem:$0x6A70] =	vst v59;
	v63 =	vld.idx.msk [tilespmem:v8+s29+$0x0], $0xffff  }
0x402: {  	[tilespmem:$0x6A20] =	vst v9;
	v2 =	vld.idx.msk [tilespmem:v2+s29+$0x0], $0xffff  }
0x403: {  	[tilespmem:$0x6A30] =	vst v11;
	v4 =	vld.idx.msk [tilespmem:v4+s29+$0x0], $0xffff  }
0x404: {  	v60 =	vld.idx.msk [tilespmem:v5+s29+$0x0], $0xffff;
	[tilespmem:$0x6A40] =	vst v0  }
0x405: {  	[tilespmem:$0x6A50] =	vst v1;
	v61 =	vld.idx.msk [tilespmem:v6+s29+$0x0], $0xffff  }
0x406: {  	[tilespmem:$0x6AE0] =	vst v63;
	v62 =	vld.idx.msk [tilespmem:v7+s29+$0x0], $0xffff  }
0x407: {  	[tilespmem:$0x6AF0] =	vst v2  }
.Ltmp9:
0x408: {  	[tilespmem:$0x6AA0] =	vst v4;
	(pc) =	sbr.rel .LBB2_15-.Ltmp9, $4  }
0x409: {  	s6 =	sadd.s32 s10, s11;
	[tilespmem:$0x6AB0] =	vst v60  }
0x40a: {  	s6 =	sshrl.u32 s6, $0x3;
	[tilespmem:$0x6AC0] =	vst v61  }
0x40b: {  	s6 =	sadd.s32 s1, s6;
	[tilespmem:$0x6AD0] =	vst v62  }
0x40c: {  	[hbm4b:s6+s3] =	stream.linear.scatter [tilespmem:s22], [sflag:$0x3], $0x400, $0x38;
	[tilespmem:$0x17180] =	vst v63  }
.LBB2_16:
0x40d: {  	_ =	swait.ge [sflag:s26], $0x400  }
0x40e: {  	[sflag:s26] =	ssyncset.done $0x0  }
0x40f: {  	[sflag:s26] =	ssyncadd.s32 $0xFFFFFC00  }
0x410: {  	_ =	swait.ge [sflag:s30], $0x400  }
0x411: {  	[sflag:s30] =	ssyncset.done $0x0  }
0x412: {  	[sflag:s30] =	ssyncadd.s32 $0xFFFFFC00  }
0x413: {  	_ =	swait.ge [sflag:s31], $0x400  }
0x414: {  	[sflag:s31] =	ssyncset.done $0x0  }
0x415: {  	[sflag:s31] =	ssyncadd.s32 $0xFFFFFC00  }
0x416: {  	_ =	swait.ge [sflag:s0], $0x400  }
0x417: {  	[sflag:s0] =	ssyncset.done $0x0  }
0x418: {  	[sflag:s0] =	ssyncadd.s32 $0xFFFFFC00  }
0x419: {  	_ =	swait.ge [sflag:s16], $0x50  }
0x41a: {  	[sflag:s16] =	ssyncset.done $0x0  }
0x41b: {  	[sflag:s16] =	ssyncadd.s32 $0xFFFFFFB0  }
0x41c: {  	_ =	swait.ge [sflag:s16], $0x50  }
0x41d: {  	[sflag:s16] =	ssyncset.done $0x0  }
0x41e: {  	[sflag:s16] =	ssyncadd.s32 $0xFFFFFFB0  }
0x41f: {  	_ =	swait.ge [sflag:s16], $0x50  }
0x420: {  	[sflag:s16] =	ssyncset.done $0x0  }
0x421: {  	[sflag:s16] =	ssyncadd.s32 $0xFFFFFFB0  }
0x422: {  	_ =	swait.ge [sflag:s16], $0x50  }
0x423: {  	[sflag:s16] =	ssyncset.done $0x0  }
0x424: {  	[sflag:s16] =	ssyncadd.s32 $0xFFFFFFB0  }
0x425: {  	_ =	swait.ge [sflag:s16], $0x50  }
0x426: {  	[sflag:s16] =	ssyncset.done $0x0  }
0x427: {  	[sflag:s16] =	ssyncadd.s32 $0xFFFFFFB0  }
0x428: {  	_ =	swait.ge [sflag:s16], $0x50  }
0x429: {  	[sflag:s16] =	ssyncset.done $0x0  }
0x42a: {  	[sflag:s16] =	ssyncadd.s32 $0xFFFFFFB0  }
0x42b: {  	_ =	swait.ge [sflag:s16], $0x50  }
0x42c: {  	[sflag:s16] =	ssyncset.done $0x0  }
0x42d: {  	[sflag:s16] =	ssyncadd.s32 $0xFFFFFFB0  }
0x42e: {  	_ =	swait.ge [sflag:s16], $0x50  }
0x42f: {  	[sflag:s16] =	ssyncset.done $0x0  }
0x430: {  	[sflag:s16] =	ssyncadd.s32 $0xFFFFFFB0  }
0x431: {  	_ =	swait.ge [sflag:s16], $0x50  }
0x432: {  	[sflag:s16] =	ssyncset.done $0x0  }
0x433: {  	[sflag:s16] =	ssyncadd.s32 $0xFFFFFFB0  }
0x434: {  	_ =	swait.ge [sflag:s16], $0x50  }
0x435: {  	[sflag:s16] =	ssyncset.done $0x0  }
0x436: {  	[sflag:s16] =	ssyncadd.s32 $0xFFFFFFB0  }
0x437: {  	_ =	swait.ge [sflag:s16], $0x50  }
0x438: {  	[sflag:s16] =	ssyncset.done $0x0  }
0x439: {  	[sflag:s16] =	ssyncadd.s32 $0xFFFFFFB0  }
0x43a: {  	_ =	swait.ge [sflag:s16], $0x50  }
0x43b: {  	[sflag:s16] =	ssyncset.done $0x0  }
0x43c: {  	[sflag:s16] =	ssyncadd.s32 $0xFFFFFFB0  }
0x43d: {  	_ =	swait.ge [sflag:s16], $0x50  }
0x43e: {  	[sflag:s16] =	ssyncset.done $0x0  }
0x43f: {  	[sflag:s16] =	ssyncadd.s32 $0xFFFFFFB0  }
0x440: {  	_ =	swait.ge [sflag:s16], $0x50  }
0x441: {  	[sflag:s16] =	ssyncset.done $0x0  }
0x442: {  	[sflag:s16] =	ssyncadd.s32 $0xFFFFFFB0  }
0x443: {  	_ =	swait.ge [sflag:s16], $0x50  }
0x444: {  	[sflag:s16] =	ssyncset.done $0x0  }
0x445: {  	[sflag:s16] =	ssyncadd.s32 $0xFFFFFFB0  }
0x446: {  	_ =	swait.ge [sflag:s16], $0x50  }
0x447: {  	[sflag:s16] =	ssyncset.done $0x0  }
0x448: {  	[sflag:s16] =	ssyncadd.s32 $0xFFFFFFB0  }
0x449: {  	_ =	swait.ge [sflag:s16], $0x50  }
0x44a: {  	[sflag:s16] =	ssyncset.done $0x0  }
0x44b: {  	[sflag:s16] =	ssyncadd.s32 $0xFFFFFFB0  }
0x44c: {  	_ =	swait.ge [sflag:s16], $0x50  }
0x44d: {  	[sflag:s16] =	ssyncset.done $0x0  }
0x44e: {  	[sflag:s16] =	ssyncadd.s32 $0xFFFFFFB0  }
0x44f: {  	_ =	swait.ge [sflag:s16], $0x50  }
0x450: {  	[sflag:s16] =	ssyncset.done $0x0  }
0x451: {  	[sflag:s16] =	ssyncadd.s32 $0xFFFFFFB0  }
0x452: {  	_ =	swait.ge [sflag:s16], $0x50  }
0x453: {  	[sflag:s16] =	ssyncset.done $0x0  }
0x454: {  	[sflag:s16] =	ssyncadd.s32 $0xFFFFFFB0  }
0x455: {  	_ =	swait.ge [sflag:s16], $0x50  }
0x456: {  	[sflag:s16] =	ssyncset.done $0x0  }
0x457: {  	[sflag:s16] =	ssyncadd.s32 $0xFFFFFFB0  }
0x458: {  	_ =	swait.ge [sflag:s16], $0x50  }
0x459: {  	[sflag:s16] =	ssyncset.done $0x0  }
0x45a: {  	[sflag:s16] =	ssyncadd.s32 $0xFFFFFFB0  }
0x45b: {  	_ =	swait.ge [sflag:s16], $0x50  }
0x45c: {  	[sflag:s16] =	ssyncset.done $0x0  }
0x45d: {  	[sflag:s16] =	ssyncadd.s32 $0xFFFFFFB0  }
0x45e: {  	_ =	swait.ge [sflag:s16], $0x50  }
0x45f: {  	[sflag:s16] =	ssyncset.done $0x0  }
0x460: {  	[sflag:s16] =	ssyncadd.s32 $0xFFFFFFB0  }
0x461: {  	_ =	swait.ge [sflag:s16], $0x50  }
0x462: {  	[sflag:s16] =	ssyncset.done $0x0  }
0x463: {  	[sflag:s16] =	ssyncadd.s32 $0xFFFFFFB0  }
0x464: {  	_ =	swait.ge [sflag:s16], $0x50  }
0x465: {  	[sflag:s16] =	ssyncset.done $0x0  }
0x466: {  	[sflag:s16] =	ssyncadd.s32 $0xFFFFFFB0  }
0x467: {  	_ =	swait.ge [sflag:s16], $0x50  }
0x468: {  	[sflag:s16] =	ssyncset.done $0x0  }
0x469: {  	[sflag:s16] =	ssyncadd.s32 $0xFFFFFFB0  }
0x46a: {  	_ =	swait.ge [sflag:s16], $0x50  }
0x46b: {  	[sflag:s16] =	ssyncset.done $0x0  }
0x46c: {  	[sflag:s16] =	ssyncadd.s32 $0xFFFFFFB0  }
0x46d: {  	_ =	swait.ge [sflag:s16], $0x50  }
0x46e: {  	[sflag:s16] =	ssyncset.done $0x0  }
0x46f: {  	[sflag:s16] =	ssyncadd.s32 $0xFFFFFFB0  }
0x470: {  	_ =	swait.ge [sflag:s16], $0x50  }
0x471: {  	[sflag:s16] =	ssyncset.done $0x0  }
0x472: {  	[sflag:s16] =	ssyncadd.s32 $0xFFFFFFB0  }
0x473: {  	_ =	swait.ge [sflag:s16], $0x50  }
0x474: {  	[sflag:s16] =	ssyncset.done $0x0  }
0x475: {  	[sflag:s16] =	ssyncadd.s32 $0xFFFFFFB0  }
0x476: {  	_ =	swait.ge [sflag:s16], $0x50  }
0x477: {  	[sflag:s16] =	ssyncset.done $0x0  }
0x478: {  	[sflag:s16] =	ssyncadd.s32 $0xFFFFFFB0  }
0x479: {  	_ =	swait.ge [sflag:s16], $0x50  }
0x47a: {  	[sflag:s16] =	ssyncset.done $0x0  }
0x47b: {  	[sflag:s16] =	ssyncadd.s32 $0xFFFFFFB0  }
0x47c: {  	_ =	swait.ge [sflag:s16], $0x50  }
0x47d: {  	[sflag:s16] =	ssyncset.done $0x0  }
0x47e: {  	[sflag:s16] =	ssyncadd.s32 $0xFFFFFFB0  }
0x47f: {  	_ =	swait.ge [sflag:s16], $0x50  }
0x480: {  	[sflag:s16] =	ssyncset.done $0x0  }
0x481: {  	[sflag:s16] =	ssyncadd.s32 $0xFFFFFFB0  }
0x482: {  	_ =	swait.ge [sflag:s16], $0x50  }
0x483: {  	[sflag:s16] =	ssyncset.done $0x0  }
0x484: {  	[sflag:s16] =	ssyncadd.s32 $0xFFFFFFB0  }
0x485: {  	_ =	swait.ge [sflag:s16], $0x50  }
0x486: {  	[sflag:s16] =	ssyncset.done $0x0  }
0x487: {  	[sflag:s16] =	ssyncadd.s32 $0xFFFFFFB0  }
0x488: {  	_ =	swait.ge [sflag:s16], $0x50  }
0x489: {  	[sflag:s16] =	ssyncset.done $0x0  }
0x48a: {  	[sflag:s16] =	ssyncadd.s32 $0xFFFFFFB0  }
0x48b: {  	_ =	swait.ge [sflag:s16], $0x50  }
0x48c: {  	[sflag:s16] =	ssyncset.done $0x0  }
0x48d: {  	[sflag:s16] =	ssyncadd.s32 $0xFFFFFFB0  }
0x48e: {  	_ =	swait.ge [sflag:s16], $0x50  }
0x48f: {  	[sflag:s16] =	ssyncset.done $0x0  }
0x490: {  	s7 =	simm.s32 $0x0;
	[sflag:s16] =	ssyncadd.s32 $0xFFFFFFB0  }
0x491: {  	v1 =	vld [tilespmem:s7+$0x1A00]  }
0x492: {  	v0 =	vimm.f32 $0.0e+00;
	s6 =	simm.s32 $0x40;
	v2 =	vld [tilespmem:s7+$0x2080]  }
.LBB2_17:
0x493: {  	_ = 	snop  }
0x494: {  	p2 =	sne.s32 s6, $0x18C0  }
.Ltmp10:
0x495: {  	_ = 	snop;
	(pc) =	sbr.rel @p2 .LBB2_17-.Ltmp10, $4  }
0x496: {  	_ = 	snop  }
0x497: {  	s7 =	sshra.s32 s6, $0x2;
	v3 =	vsub.f32 v1, v2  }
0x498: {  	v1 =	vld [tilespmem:s7+$0x1A00]  }
0x499: {  	s6 =	sadd.s32 $0x40, s6;
	v2 =	vld [tilespmem:s7+$0x2080];
	v0 =	vadd.f32 v3, v0  }
0x49a: {  	_ =	sdelay $0x3  }
0x49b: {  	v1 =	vsub.f32 v1, v2;
	_ =	sdelay $0x1  }
0x49c: {  	v0 =	vadd.f32 v1, v0;
	_ =	sdelay $0x1  }
0x49d: {  	s6 =	rddreg [dreg:$0x8];
	s7 =	simm.s32 $0x7700;
	s12 =	simm.s32 $0x8;
	[tilespmem:$0x7700] =	vst v0  }
0x49e: {  	[hbm4b:s6+s3] =	stream.linear.scatter [tilespmem:s7], [sflag:$0x8], $0x80, $0x38;
	[tilespmem:$0x17180] =	vst v63  }
0x49f: {  	_ =	swait.ge [sflag:s12], $0x80  }
0x4a0: {  	s17 =	rddreg [dreg:$0xc]  }
0x4a1: {  	s18 =	rddreg [dreg:$0x9];
	s7 =	sadd.s32 $0x1, s17  }
0x4a2: {  	p2 =	sne.s32 s7, s18  }
.Ltmp11:
0x4a3: {  	_ = 	snop;
	(pc) =	sbr.rel @p2 .LBB2_1-.Ltmp11, $3  }
0x4a4: {  	_ =	sdelay $0x1  }
0x4a5: {  	[sflag:s12] =	ssyncset.done $0x0  }
0x4a6: {  	[sflag:s12] =	ssyncadd.s32 $0xFFFFFF80  }
0x4a7: {  	_ =	sfence.sel $0x180000  }
0x4a8: {  	[bflag:$0x0] =	sbarrier.arrive $0xFFFF  }
0x4a9: {  	_ =	strace $0x90000047  }
0x4aa: {  	[bflag:$0x2] =	sbarrier.arrive $0xFFFF  }
0x4ab: {  	s0 =	rddreg [dreg:$0x3]  }
0x4ac: {  	s0 =	sadd.s32 @!p0 $0x100000, s0  }
0x4ad: {  	[sflag:s0] =	ssyncadd.tile.s32 @!p0 $0x1;
	_ =	shalt  }
.Lfunc_end2:
_tile_overlayer_lowered:
.L_overlay_start_2:
0x4ae: {  	(tag) =	ssettag $0x2  }
0x4af: {  	s0 =	rddreg [dreg:$0x0];
	s2 =	stileid.u32  }
0x4b0: {  	s1 =	rddreg [dreg:$0x1];
	p0 =	sne.s32 s2, $0x0  }
0x4b1: {  	s3 =	rddreg [dreg:$0x2];
	[bflag:$0x3] =	sbarrier.arrive $0xFFFF;
	s2 =	simm.s32 @!p0 $0x1C08  }
0x4b2: {  	[timem:s3], [sflag:s2] =	dma.local @!p0 [hbm:s0], s1  }
0x4b3: {  	s0 =	simm.s32 @!p0 $0x8  }
0x4b4: {  	_ =	swait.ge @!p0 [sflag:s0], s1  }
0x4b5: {  	s1 =	ssub.s32 @!p0 $0x0, s1;
	[sflag:s0] =	ssyncset.done @!p0 $0x0  }
0x4b6: {  	[sflag:s0] =	ssyncadd.s32 @!p0 s1  }
0x4b7: {  	[bflag:$0x3] =	sbarrier.arrive $0xFFFF  }
0x4b8: {  	_ =	shalt  }

</sc_bundles>
